<compile_context>
chip_gen: v7x
topology: tpu7x:2x2x1
jax: 0.10.2.dev20260603
libtpu: 0.0.44.dev20260713+nightly
codegen_flags: <defaults>
</compile_context>

<pallas_src>
import jax
import jax.numpy as jnp
from jax import lax
from jax.experimental import pallas as pl
from jax.experimental.pallas import tpu as pltpu
from jax.experimental.pallas import tpu_sc as plsc

N = 10000
E = 320000
D = 128

NC = 2
NS = 16
NW = NC * NS
CHUNK = 128
NROW = E // 125
CPW = NROW // NW
NPAD = N + NW
RPT = 624
TAIL_BASE = NS * RPT
TAIL = N - TAIL_BASE
NH = N + 16


def _tile_rows_copy(s, mk_src, mk_dst):
    pltpu.sync_copy(mk_src(s * RPT, RPT), mk_dst(s * RPT, RPT))

    @pl.when(s == NS - 1)
    def _():
        pltpu.sync_copy(mk_src(TAIL_BASE, TAIL), mk_dst(TAIL_BASE, TAIL))


_SC_MESH = plsc.VectorSubcoreMesh(core_axis_name="c", subcore_axis_name="s")


ND = 10240
SPT = ND // NS


def _deg_body(dst_hbm, out_hbm, idx_v, ones_v, zbuf, deg_sh):
    c = lax.axis_index("c")
    s = lax.axis_index("s")
    wid = c * NS + s
    pltpu.sync_copy(dst_hbm.at[pl.ds(wid * CPW, CPW)], idx_v)

    zero16 = jnp.zeros((16,), jnp.float32)
    one16 = jnp.ones((16,), jnp.float32)
    for k in range(CHUNK // 16):
        ones_v[pl.ds(k * 16, 16)] = one16

    def zb(i, carry):
        zbuf[pl.ds(i * 16, 16)] = zero16
        return carry

    lax.fori_loop(0, SPT // 16, zb, 0)
    pltpu.sync_copy(zbuf, deg_sh.at[pl.ds(s * SPT, SPT)])
    plsc.subcore_barrier()

    def body(j, carry):
        pltpu.sync_copy(ones_v, deg_sh.at[idx_v.at[j]], add=True)
        return carry

    lax.fori_loop(0, CPW, body, 0)
    plsc.subcore_barrier()
    pltpu.sync_copy(deg_sh.at[pl.ds(s * SPT, SPT)],
                    out_hbm.at[pl.ds(c * ND + s * SPT, SPT)])


_deg_kernel = pl.kernel(
    _deg_body,
    out_type=jax.ShapeDtypeStruct((NC * ND,), jnp.float32),
    mesh=_SC_MESH,
    scratch_types=[
        pltpu.VMEM((CPW, CHUNK), jnp.int32),
        pltpu.VMEM((CHUNK,), jnp.float32),
        pltpu.VMEM((SPT,), jnp.float32),
        pltpu.VMEM_SHARED((ND,), jnp.float32),
    ],
)


ACH = 125


SB = 16
NSB = CPW // SB


def _agg_body(h_hbm, src_hbm, dst_hbm, zeros_hbm, out_hbm,
              sbig, idst_v, buf_a, buf_b, acc_sh, sem_a, sem_b):
    c = lax.axis_index("c")
    s = lax.axis_index("s")
    wid = c * NS + s
    pltpu.sync_copy(dst_hbm.at[pl.ds(wid * CPW, CPW)], idst_v)
    _tile_rows_copy(s, lambda b, n: zeros_hbm.at[pl.ds(b, n)],
                    lambda b, n: acc_sh.at[pl.ds(b, n)])
    plsc.subcore_barrier()

    def super_body(sb, carry):
        pltpu.sync_copy(src_hbm.at[pl.ds(wid * CPW + SB * sb, SB)], sbig)

        descs = [None] * SB
        descs[0] = pltpu.async_copy(h_hbm.at[sbig.at[0]], buf_a, sem_a)
        for k in range(SB):
            j = SB * sb + k
            cur = buf_a if k % 2 == 0 else buf_b
            nxt, nsem = (buf_b, sem_b) if k % 2 == 0 else (buf_a, sem_a)
            if k < SB - 1:
                descs[k + 1] = pltpu.async_copy(
                    h_hbm.at[sbig.at[k + 1]], nxt, nsem)
            descs[k].wait()
            pltpu.sync_copy(cur, acc_sh.at[idst_v.at[j]], add=True)
        return carry

    lax.fori_loop(0, NSB, super_body, 0)
    plsc.subcore_barrier()
    _tile_rows_copy(s, lambda b, n: acc_sh.at[pl.ds(b, n)],
                    lambda b, n: out_hbm.at[c, pl.ds(b, n)])


_agg_kernel = pl.kernel(
    _agg_body,
    out_type=jax.ShapeDtypeStruct((NC, N, D), jnp.float32),
    mesh=_SC_MESH,
    scratch_types=[
        pltpu.VMEM((SB, ACH), jnp.int32),
        pltpu.VMEM((CPW, ACH), jnp.int32),
        pltpu.VMEM((ACH, D), jnp.float32),
        pltpu.VMEM((ACH, D), jnp.float32),
        pltpu.VMEM_SHARED((N, D), jnp.float32),
        pltpu.SemaphoreType.DMA,
        pltpu.SemaphoreType.DMA,
    ],
)


RB = 400
GRID = N // RB


def _tc1_body(x_ref, w_ref, dp_ref, hp_ref, dis_ref):
    dis = lax.rsqrt(dp_ref[0] + dp_ref[1] + 1.0)
    h = jnp.dot(x_ref[...], w_ref[...], preferred_element_type=jnp.float32)
    hp_ref[...] = h * dis
    dis_ref[...] = dis


_tc1 = pl.pallas_call(
    _tc1_body,
    grid=(GRID,),
    in_specs=[
        pl.BlockSpec((RB, D), lambda i: (i, 0)),
        pl.BlockSpec((D, D), lambda i: (0, 0)),
        pl.BlockSpec((NC, RB, 1), lambda i: (0, i, 0)),
    ],
    out_specs=[
        pl.BlockSpec((RB, D), lambda i: (i, 0)),
        pl.BlockSpec((RB, 1), lambda i: (i, 0)),
    ],
    out_shape=[
        jax.ShapeDtypeStruct((N, D), jnp.float32),
        jax.ShapeDtypeStruct((N, 1), jnp.float32),
    ],
)


def _tc2_body(p_ref, hp1_ref, dis_ref, b1_ref, w2_ref, hp2_ref):
    ssum = p_ref[0] + p_ref[1] + hp1_ref[...]
    h1 = jnp.maximum(ssum * dis_ref[...] + b1_ref[...], 0.0)
    h2 = jnp.dot(h1, w2_ref[...], preferred_element_type=jnp.float32)
    hp2_ref[...] = h2 * dis_ref[...]


_tc2 = pl.pallas_call(
    _tc2_body,
    grid=(GRID,),
    in_specs=[
        pl.BlockSpec((NC, RB, D), lambda i: (0, i, 0)),
        pl.BlockSpec((RB, D), lambda i: (i, 0)),
        pl.BlockSpec((RB, 1), lambda i: (i, 0)),
        pl.BlockSpec((1, D), lambda i: (0, 0)),
        pl.BlockSpec((D, D), lambda i: (0, 0)),
    ],
    out_specs=pl.BlockSpec((RB, D), lambda i: (i, 0)),
    out_shape=jax.ShapeDtypeStruct((N, D), jnp.float32),
)


def _tc3_body(p_ref, hp2_ref, dis_ref, b2_ref, out_ref):
    ssum = p_ref[0] + p_ref[1] + hp2_ref[...]
    out_ref[...] = ssum * dis_ref[...] + b2_ref[...]


_tc3 = pl.pallas_call(
    _tc3_body,
    grid=(GRID,),
    in_specs=[
        pl.BlockSpec((NC, RB, D), lambda i: (0, i, 0)),
        pl.BlockSpec((RB, D), lambda i: (i, 0)),
        pl.BlockSpec((RB, 1), lambda i: (i, 0)),
        pl.BlockSpec((1, D), lambda i: (0, 0)),
    ],
    out_specs=pl.BlockSpec((RB, D), lambda i: (i, 0)),
    out_shape=jax.ShapeDtypeStruct((N, D), jnp.float32),
)


def _pad_chunks(idx, fill):
    idx2 = idx.reshape(NROW, 125)
    pad = jnp.broadcast_to(fill[:, None] if fill.ndim else fill,
                           (NROW, CHUNK - 125)).astype(jnp.int32)
    return jnp.concatenate([idx2, pad], axis=1)


@jax.jit
def kernel(x, edge_index, W1, b1, W2, b2):
    dumps = N + jnp.arange(NROW, dtype=jnp.int32) // CPW
    dstp = _pad_chunks(edge_index[1], dumps)
    src2 = edge_index[0].reshape(NROW, ACH)
    dst2 = edge_index[1].reshape(NROW, ACH)
    zerosD = jnp.zeros((N, D), jnp.float32)

    deg = _deg_kernel(dstp)
    deg_parts = deg.reshape(NC, ND)[:, :N].reshape(NC, N, 1)
    hp1, dis = _tc1(x, W1, deg_parts)
    parts1 = _agg_kernel(hp1, src2, dst2, zerosD)
    hp2 = _tc2(parts1, hp1, dis, b1.reshape(1, D), W2)
    parts2 = _agg_kernel(hp2, src2, dst2, zerosD)
    out = _tc3(parts2, hp2, dis, b2.reshape(1, D))
    return out

# --- scband reference (transcript-rebuilt; emitter-appended) ---
"""Pipeline reference for scband-gcn-80977313399669 (READ-ONLY COPY).

The authoritative reference and input builder live on the scoring server;
editing this copy changes nothing except your own understanding.
"""

import jax, jax.numpy as jnp
import numpy as np

N = 10000
E = 320000
D_IN = 128
D_HID = 128
D_OUT = 128


def setup_inputs(seed: int = 0) -> dict:
    key = jax.random.key(seed)
    k1, k2, k3, k4, k5, k6 = jax.random.split(key, 6)
    x = jax.random.normal(k1, (N, D_IN), dtype=jnp.float32)
    edge_index = jax.random.randint(k2, (2, E), 0, N, dtype=jnp.int32)
    s1 = (2.0 / (D_IN + D_HID)) ** 0.5
    s2 = (2.0 / (D_HID + D_OUT)) ** 0.5
    W1 = jax.random.normal(k3, (D_IN, D_HID), dtype=jnp.float32) * s1
    b1 = jnp.zeros((D_HID,), dtype=jnp.float32)
    W2 = jax.random.normal(k4, (D_HID, D_OUT), dtype=jnp.float32) * s2
    b2 = jnp.zeros((D_OUT,), dtype=jnp.float32)
    return {"x": x, "edge_index": edge_index, "W1": W1, "b1": b1, "W2": W2, "b2": b2}


def _gcn_conv(x, edge_index, W, b):
    # PyG GCNConv: add self loops, symmetric normalization, linear transform,
    # scatter-add aggregation at destination nodes, then bias.
    src = edge_index[0]
    dst = edge_index[1]
    loop = jnp.arange(N, dtype=src.dtype)
    src = jnp.concatenate([src, loop])
    dst = jnp.concatenate([dst, loop])
    h = x @ W
    deg = jnp.zeros((N,), dtype=h.dtype).at[dst].add(1.0)
    deg_inv_sqrt = jnp.where(deg > 0, deg ** -0.5, 0.0)
    norm = deg_inv_sqrt[src] * deg_inv_sqrt[dst]
    msg = h[src] * norm[:, None]
    out = jnp.zeros((N, h.shape[1]), dtype=h.dtype).at[dst].add(msg)
    return out + b


def reference(x, edge_index, W1, b1, W2, b2):
    h = _gcn_conv(x, edge_index, W1, b1)
    h = jax.nn.relu(h)
    # dropout p=0.0 -> identity
    out = _gcn_conv(h, edge_index, W2, b2)
    return out

if __name__ == "__main__":
    import jax
    _d = setup_inputs()
    print(jax.jit(kernel)(*tuple(_d.values())))

</pallas_src>

<mosaic_0001>
#map = affine_map<(d0, d1) -> (0, 0)>
#map1 = affine_map<(d0, d1) -> (0, 0, 0)>
module attributes {stable_mosaic.version = 14 : i64} {
  func.func @_agg_body(%arg0: i32, %arg1: i32, %arg2: memref<10000x128xf32, #tpu.memory_space<hbm>>, %arg3: memref<2560x125xi32, #tpu.memory_space<hbm>>, %arg4: memref<2560x125xi32, #tpu.memory_space<hbm>>, %arg5: memref<10000x128xf32, #tpu.memory_space<hbm>>, %arg6: memref<2x10000x128xf32, #tpu.memory_space<hbm>>, %arg7: memref<16x125xi32, #tpu.memory_space<vmem>>, %arg8: memref<80x125xi32, #tpu.memory_space<vmem>>, %arg9: memref<125x128xf32, #tpu.memory_space<vmem>>, %arg10: memref<125x128xf32, #tpu.memory_space<vmem>>, %arg11: memref<10000x128xf32, #tpu.memory_space<vmem_shared>>, %arg12: memref<!tpu.dma_semaphore, #tpu.memory_space<semaphore_mem>>, %arg13: memref<!tpu.dma_semaphore, #tpu.memory_space<semaphore_mem>>) attributes {dimension_semantics = [#tpu.dimension_semantics<core_parallel>, #tpu.dimension_semantics<subcore_parallel>], iteration_bounds = array<i64: 2, 16>, scalar_prefetch = 0 : i64, scratch_operands = 7 : i64, tpu.core_type = #tpu.core_type<sc_vector_subcore>, window_params = [{transform_indices = #map}, {transform_indices = #map}, {transform_indices = #map}, {transform_indices = #map}, {transform_indices = #map1}]} {
    %mul3A = arith.constant 16 : i32
    %mul3A_0 = arith.muli %arg0, %mul3A : i32
    %add3A = arith.addi %mul3A_0, %arg1 : i32
    %mul3A_1 = arith.constant 80 : i32
    %mul3A_2 = arith.muli %add3A, %mul3A_1 : i32
    "tpu.region"() ({
      %run_scoped3A = tpu.sem_alloc : memref<!tpu.dma_semaphore, #tpu.memory_space<semaphore_mem>>
      %dma_start3A = arith.constant 0 : i32
      %dma_start3A_24 = tpu.memref_slice %arg4[%mul3A_2, %dma_start3A] : memref<2560x125xi32, #tpu.memory_space<hbm>> -> memref<80x125xi32, #tpu.memory_space<hbm>>
      %dma_start3A_25 = arith.constant 0 : i32
      %dma_start3A_26 = tpu.memref_slice %arg4[%mul3A_2, %dma_start3A_25] : memref<2560x125xi32, #tpu.memory_space<hbm>> -> memref<80x125xi32, #tpu.memory_space<hbm>>
      tpu.enqueue_dma source(%dma_start3A_26 : memref<80x125xi32, #tpu.memory_space<hbm>>) target(%arg8 : memref<80x125xi32, #tpu.memory_space<vmem>>) target_semaphore(%run_scoped3A : memref<!tpu.dma_semaphore, #tpu.memory_space<semaphore_mem>>)
      %dma_wait3A = arith.constant 0 : i32
      %dma_wait3A_27 = tpu.memref_slice %arg4[%mul3A_2, %dma_wait3A] : memref<2560x125xi32, #tpu.memory_space<hbm>> -> memref<80x125xi32, #tpu.memory_space<hbm>>
      %dma_wait3A_28 = arith.constant 0 : i32
      %dma_wait3A_29 = tpu.memref_slice %arg4[%mul3A_2, %dma_wait3A_28] : memref<2560x125xi32, #tpu.memory_space<hbm>> -> memref<80x125xi32, #tpu.memory_space<hbm>>
      tpu.wait_dma2 semaphore(%run_scoped3A : memref<!tpu.dma_semaphore, #tpu.memory_space<semaphore_mem>>) src(%dma_wait3A_29 : memref<80x125xi32, #tpu.memory_space<hbm>>) dst(%arg8 : memref<80x125xi32, #tpu.memory_space<vmem>>)
      tpu.yield
    }) : () -> ()
    %mul3A_3 = arith.constant 624 : i32
    %mul3A_4 = arith.muli %arg1, %mul3A_3 : i32
    %mul3A_5 = arith.constant 624 : i32
    %mul3A_6 = arith.muli %arg1, %mul3A_5 : i32
    "tpu.region"() ({
      %run_scoped3A = tpu.sem_alloc : memref<!tpu.dma_semaphore, #tpu.memory_space<semaphore_mem>>
      %dma_start3A = arith.constant 0 : i32
      %dma_start3A_24 = tpu.memref_slice %arg11[%mul3A_6, %dma_start3A] : memref<10000x128xf32, #tpu.memory_space<vmem_shared>> -> memref<624x128xf32, #tpu.memory_space<vmem_shared>>
      %dma_start3A_25 = arith.constant 0 : i32
      %dma_start3A_26 = tpu.memref_slice %arg5[%mul3A_4, %dma_start3A_25] : memref<10000x128xf32, #tpu.memory_space<hbm>> -> memref<624x128xf32, #tpu.memory_space<hbm>>
      tpu.enqueue_dma source(%dma_start3A_26 : memref<624x128xf32, #tpu.memory_space<hbm>>) target(%dma_start3A_24 : memref<624x128xf32, #tpu.memory_space<vmem_shared>>) target_semaphore(%run_scoped3A : memref<!tpu.dma_semaphore, #tpu.memory_space<semaphore_mem>>)
      %dma_wait3A = arith.constant 0 : i32
      %dma_wait3A_27 = tpu.memref_slice %arg11[%mul3A_6, %dma_wait3A] : memref<10000x128xf32, #tpu.memory_space<vmem_shared>> -> memref<624x128xf32, #tpu.memory_space<vmem_shared>>
      %dma_wait3A_28 = arith.constant 0 : i32
      %dma_wait3A_29 = tpu.memref_slice %arg5[%mul3A_4, %dma_wait3A_28] : memref<10000x128xf32, #tpu.memory_space<hbm>> -> memref<624x128xf32, #tpu.memory_space<hbm>>
      tpu.wait_dma2 semaphore(%run_scoped3A : memref<!tpu.dma_semaphore, #tpu.memory_space<semaphore_mem>>) src(%dma_wait3A_29 : memref<624x128xf32, #tpu.memory_space<hbm>>) dst(%dma_wait3A_27 : memref<624x128xf32, #tpu.memory_space<vmem_shared>>)
      tpu.yield
    }) : () -> ()
    %eq3A = arith.constant 15 : i32
    %eq3A_7 = arith.cmpi eq, %arg1, %eq3A : i32
    %convert_element_type3A = arith.extui %eq3A_7 : i1 to i32
    %cond3A = arith.constant 0 : i32
    %cond3A_8 = arith.cmpi ne, %convert_element_type3A, %cond3A : i32
    scf.if %cond3A_8 {
      "tpu.region"() ({
        %run_scoped3A = tpu.sem_alloc : memref<!tpu.dma_semaphore, #tpu.memory_space<semaphore_mem>>
        %dma_start3A = arith.constant 9984 : i32
        %dma_start3A_24 = arith.constant 0 : i32
        %dma_start3A_25 = tpu.memref_slice %arg11[%dma_start3A, %dma_start3A_24] : memref<10000x128xf32, #tpu.memory_space<vmem_shared>> -> memref<16x128xf32, #tpu.memory_space<vmem_shared>>
        %dma_start3A_26 = arith.constant 9984 : i32
        %dma_start3A_27 = arith.constant 0 : i32
        %dma_start3A_28 = tpu.memref_slice %arg5[%dma_start3A_26, %dma_start3A_27] : memref<10000x128xf32, #tpu.memory_space<hbm>> -> memref<16x128xf32, #tpu.memory_space<hbm>>
        tpu.enqueue_dma source(%dma_start3A_28 : memref<16x128xf32, #tpu.memory_space<hbm>>) target(%dma_start3A_25 : memref<16x128xf32, #tpu.memory_space<vmem_shared>>) target_semaphore(%run_scoped3A : memref<!tpu.dma_semaphore, #tpu.memory_space<semaphore_mem>>)
        %dma_wait3A = arith.constant 9984 : i32
        %dma_wait3A_29 = arith.constant 0 : i32
        %dma_wait3A_30 = tpu.memref_slice %arg11[%dma_wait3A, %dma_wait3A_29] : memref<10000x128xf32, #tpu.memory_space<vmem_shared>> -> memref<16x128xf32, #tpu.memory_space<vmem_shared>>
        %dma_wait3A_31 = arith.constant 9984 : i32
        %dma_wait3A_32 = arith.constant 0 : i32
        %dma_wait3A_33 = tpu.memref_slice %arg5[%dma_wait3A_31, %dma_wait3A_32] : memref<10000x128xf32, #tpu.memory_space<hbm>> -> memref<16x128xf32, #tpu.memory_space<hbm>>
        tpu.wait_dma2 semaphore(%run_scoped3A : memref<!tpu.dma_semaphore, #tpu.memory_space<semaphore_mem>>) src(%dma_wait3A_33 : memref<16x128xf32, #tpu.memory_space<hbm>>) dst(%dma_wait3A_30 : memref<16x128xf32, #tpu.memory_space<vmem_shared>>)
        tpu.yield
      }) : () -> ()
    } else {
    }
    %barrier3A = arith.constant 0 : index
    tpu.barrier barrier_id(%barrier3A)
    %scan3A = arith.constant 0 : i32
    %scan3A_9 = arith.constant 0 : i32
    %scan3A_10 = arith.constant 5 : i32
    %scan3A_11 = arith.addi %scan3A_9, %scan3A_10 : i32
    %scan3A_12 = arith.constant 1 : i32
    scf.for %scan3A_24 = %scan3A_9 to %scan3A_11 step %scan3A_12  : i32 {
      %mul3A_25 = arith.constant 80 : i32
      %mul3A_26 = arith.muli %add3A, %mul3A_25 : i32
      %mul3A_27 = arith.constant 16 : i32
      %mul3A_28 = arith.muli %mul3A_27, %scan3A_24 : i32
      %add3A_29 = arith.addi %mul3A_26, %mul3A_28 : i32
      "tpu.region"() ({
        %run_scoped3A = tpu.sem_alloc : memref<!tpu.dma_semaphore, #tpu.memory_space<semaphore_mem>>
        %dma_start3A_316 = arith.constant 0 : i32
        %dma_start3A_317 = tpu.memref_slice %arg3[%add3A_29, %dma_start3A_316] : memref<2560x125xi32, #tpu.memory_space<hbm>> -> memref<16x125xi32, #tpu.memory_space<hbm>>
        %dma_start3A_318 = arith.constant 0 : i32
        %dma_start3A_319 = tpu.memref_slice %arg3[%add3A_29, %dma_start3A_318] : memref<2560x125xi32, #tpu.memory_space<hbm>> -> memref<16x125xi32, #tpu.memory_space<hbm>>
        tpu.enqueue_dma source(%dma_start3A_319 : memref<16x125xi32, #tpu.memory_space<hbm>>) target(%arg7 : memref<16x125xi32, #tpu.memory_space<vmem>>) target_semaphore(%run_scoped3A : memref<!tpu.dma_semaphore, #tpu.memory_space<semaphore_mem>>)
        %dma_wait3A_320 = arith.constant 0 : i32
        %dma_wait3A_321 = tpu.memref_slice %arg3[%add3A_29, %dma_wait3A_320] : memref<2560x125xi32, #tpu.memory_space<hbm>> -> memref<16x125xi32, #tpu.memory_space<hbm>>
        %dma_wait3A_322 = arith.constant 0 : i32
        %dma_wait3A_323 = tpu.memref_slice %arg3[%add3A_29, %dma_wait3A_322] : memref<2560x125xi32, #tpu.memory_space<hbm>> -> memref<16x125xi32, #tpu.memory_space<hbm>>
        tpu.wait_dma2 semaphore(%run_scoped3A : memref<!tpu.dma_semaphore, #tpu.memory_space<semaphore_mem>>) src(%dma_wait3A_323 : memref<16x125xi32, #tpu.memory_space<hbm>>) dst(%arg7 : memref<16x125xi32, #tpu.memory_space<vmem>>)
        tpu.yield
      }) : () -> ()
      %dma_start3A = arith.constant 0 : i32
      %dma_start3A_30 = arith.constant 0 : i32
      %dma_start3A_31 = tpu.memref_slice %arg7[%dma_start3A, %dma_start3A_30] : memref<16x125xi32, #tpu.memory_space<vmem>> -> memref<1x125xi32, #tpu.memory_space<vmem>>
      %dma_start3A_32 = tpu.memref_squeeze %dma_start3A_31 : memref<1x125xi32, #tpu.memory_space<vmem>> -> memref<125xi32, #tpu.memory_space<vmem>>
      %dma_start3A_33 = arith.constant 0 : i32
      %dma_start3A_34 = arith.constant 0 : i32
      %dma_start3A_35 = tpu.memref_slice %arg2[%dma_start3A_33, %dma_start3A_34] : memref<10000x128xf32, #tpu.memory_space<hbm>> -> memref<10000x128xf32, #tpu.memory_space<hbm>>
      tpu.enqueue_indirect_dma source(%dma_start3A_35 : memref<10000x128xf32, #tpu.memory_space<hbm>>) target(%arg9 : memref<125x128xf32, #tpu.memory_space<vmem>>) offsets(%dma_start3A_32 : memref<125xi32, #tpu.memory_space<vmem>>) semaphore(%arg12 : memref<!tpu.dma_semaphore, #tpu.memory_space<semaphore_mem>>)
      %mul3A_36 = arith.constant 16 : i32
      %mul3A_37 = arith.muli %mul3A_36, %scan3A_24 : i32
      %add3A_38 = arith.constant 0 : i32
      %add3A_39 = arith.addi %mul3A_37, %add3A_38 : i32
      %dma_start3A_40 = arith.constant 1 : i32
      %dma_start3A_41 = arith.constant 0 : i32
      %dma_start3A_42 = tpu.memref_slice %arg7[%dma_start3A_40, %dma_start3A_41] : memref<16x125xi32, #tpu.memory_space<vmem>> -> memref<1x125xi32, #tpu.memory_space<vmem>>
      %dma_start3A_43 = tpu.memref_squeeze %dma_start3A_42 : memref<1x125xi32, #tpu.memory_space<vmem>> -> memref<125xi32, #tpu.memory_space<vmem>>
      %dma_start3A_44 = arith.constant 0 : i32
      %dma_start3A_45 = arith.constant 0 : i32
      %dma_start3A_46 = tpu.memref_slice %arg2[%dma_start3A_44, %dma_start3A_45] : memref<10000x128xf32, #tpu.memory_space<hbm>> -> memref<10000x128xf32, #tpu.memory_space<hbm>>
      tpu.enqueue_indirect_dma source(%dma_start3A_46 : memref<10000x128xf32, #tpu.memory_space<hbm>>) target(%arg10 : memref<125x128xf32, #tpu.memory_space<vmem>>) offsets(%dma_start3A_43 : memref<125xi32, #tpu.memory_space<vmem>>) semaphore(%arg13 : memref<!tpu.dma_semaphore, #tpu.memory_space<semaphore_mem>>)
      %dma_wait3A = arith.constant 0 : i32
      %dma_wait3A_47 = arith.constant 0 : i32
      %dma_wait3A_48 = tpu.memref_slice %arg7[%dma_wait3A, %dma_wait3A_47] : memref<16x125xi32, #tpu.memory_space<vmem>> -> memref<1x125xi32, #tpu.memory_space<vmem>>
      %dma_wait3A_49 = tpu.memref_squeeze %dma_wait3A_48 : memref<1x125xi32, #tpu.memory_space<vmem>> -> memref<125xi32, #tpu.memory_space<vmem>>
      %dma_wait3A_50 = arith.constant 0 : i32
      %dma_wait3A_51 = arith.constant 0 : i32
      %dma_wait3A_52 = tpu.memref_slice %arg2[%dma_wait3A_50, %dma_wait3A_51] : memref<10000x128xf32, #tpu.memory_space<hbm>> -> memref<10000x128xf32, #tpu.memory_space<hbm>>
      tpu.wait_indirect_dma semaphore(%arg12 : memref<!tpu.dma_semaphore, #tpu.memory_space<semaphore_mem>>) src(%dma_wait3A_52 : memref<10000x128xf32, #tpu.memory_space<hbm>>) dst(%arg9 : memref<125x128xf32, #tpu.memory_space<vmem>>)
      "tpu.region"() ({
        %run_scoped3A = tpu.sem_alloc : memref<!tpu.dma_semaphore, #tpu.memory_space<semaphore_mem>>
        %dma_start3A_316 = arith.constant 0 : i32
        %dma_start3A_317 = tpu.memref_slice %arg8[%add3A_39, %dma_start3A_316] : memref<80x125xi32, #tpu.memory_space<vmem>> -> memref<1x125xi32, #tpu.memory_space<vmem>>
        %dma_start3A_318 = tpu.memref_squeeze %dma_start3A_317 : memref<1x125xi32, #tpu.memory_space<vmem>> -> memref<125xi32, #tpu.memory_space<vmem>>
        %dma_start3A_319 = arith.constant 0 : i32
        %dma_start3A_320 = arith.constant 0 : i32
        %dma_start3A_321 = tpu.memref_slice %arg11[%dma_start3A_319, %dma_start3A_320] : memref<10000x128xf32, #tpu.memory_space<vmem_shared>> -> memref<10000x128xf32, #tpu.memory_space<vmem_shared>>
        tpu.enqueue_indirect_dma source(%arg9 : memref<125x128xf32, #tpu.memory_space<vmem>>) target(%dma_start3A_321 : memref<10000x128xf32, #tpu.memory_space<vmem_shared>>) offsets(%dma_start3A_318 : memref<125xi32, #tpu.memory_space<vmem>>) semaphore(%run_scoped3A : memref<!tpu.dma_semaphore, #tpu.memory_space<semaphore_mem>>) {add = true}
        %dma_wait3A_322 = arith.constant 0 : i32
        %dma_wait3A_323 = tpu.memref_slice %arg8[%add3A_39, %dma_wait3A_322] : memref<80x125xi32, #tpu.memory_space<vmem>> -> memref<1x125xi32, #tpu.memory_space<vmem>>
        %dma_wait3A_324 = tpu.memref_squeeze %dma_wait3A_323 : memref<1x125xi32, #tpu.memory_space<vmem>> -> memref<125xi32, #tpu.memory_space<vmem>>
        %dma_wait3A_325 = arith.constant 0 : i32
        %dma_wait3A_326 = arith.constant 0 : i32
        %dma_wait3A_327 = tpu.memref_slice %arg11[%dma_wait3A_325, %dma_wait3A_326] : memref<10000x128xf32, #tpu.memory_space<vmem_shared>> -> memref<10000x128xf32, #tpu.memory_space<vmem_shared>>
        tpu.wait_indirect_dma semaphore(%run_scoped3A : memref<!tpu.dma_semaphore, #tpu.memory_space<semaphore_mem>>) src(%arg9 : memref<125x128xf32, #tpu.memory_space<vmem>>) dst(%dma_wait3A_327 : memref<10000x128xf32, #tpu.memory_space<vmem_shared>>)
        tpu.yield
      }) : () -> ()
      %mul3A_53 = arith.constant 16 : i32
      %mul3A_54 = arith.muli %mul3A_53, %scan3A_24 : i32
      %add3A_55 = arith.constant 1 : i32
      %add3A_56 = arith.addi %mul3A_54, %add3A_55 : i32
      %dma_start3A_57 = arith.constant 2 : i32
      %dma_start3A_58 = arith.constant 0 : i32
      %dma_start3A_59 = tpu.memref_slice %arg7[%dma_start3A_57, %dma_start3A_58] : memref<16x125xi32, #tpu.memory_space<vmem>> -> memref<1x125xi32, #tpu.memory_space<vmem>>
      %dma_start3A_60 = tpu.memref_squeeze %dma_start3A_59 : memref<1x125xi32, #tpu.memory_space<vmem>> -> memref<125xi32, #tpu.memory_space<vmem>>
      %dma_start3A_61 = arith.constant 0 : i32
      %dma_start3A_62 = arith.constant 0 : i32
      %dma_start3A_63 = tpu.memref_slice %arg2[%dma_start3A_61, %dma_start3A_62] : memref<10000x128xf32, #tpu.memory_space<hbm>> -> memref<10000x128xf32, #tpu.memory_space<hbm>>
      tpu.enqueue_indirect_dma source(%dma_start3A_63 : memref<10000x128xf32, #tpu.memory_space<hbm>>) target(%arg9 : memref<125x128xf32, #tpu.memory_space<vmem>>) offsets(%dma_start3A_60 : memref<125xi32, #tpu.memory_space<vmem>>) semaphore(%arg12 : memref<!tpu.dma_semaphore, #tpu.memory_space<semaphore_mem>>)
      %dma_wait3A_64 = arith.constant 1 : i32
      %dma_wait3A_65 = arith.constant 0 : i32
      %dma_wait3A_66 = tpu.memref_slice %arg7[%dma_wait3A_64, %dma_wait3A_65] : memref<16x125xi32, #tpu.memory_space<vmem>> -> memref<1x125xi32, #tpu.memory_space<vmem>>
      %dma_wait3A_67 = tpu.memref_squeeze %dma_wait3A_66 : memref<1x125xi32, #tpu.memory_space<vmem>> -> memref<125xi32, #tpu.memory_space<vmem>>
      %dma_wait3A_68 = arith.constant 0 : i32
      %dma_wait3A_69 = arith.constant 0 : i32
      %dma_wait3A_70 = tpu.memref_slice %arg2[%dma_wait3A_68, %dma_wait3A_69] : memref<10000x128xf32, #tpu.memory_space<hbm>> -> memref<10000x128xf32, #tpu.memory_space<hbm>>
      tpu.wait_indirect_dma semaphore(%arg13 : memref<!tpu.dma_semaphore, #tpu.memory_space<semaphore_mem>>) src(%dma_wait3A_70 : memref<10000x128xf32, #tpu.memory_space<hbm>>) dst(%arg10 : memref<125x128xf32, #tpu.memory_space<vmem>>)
      "tpu.region"() ({
        %run_scoped3A = tpu.sem_alloc : memref<!tpu.dma_semaphore, #tpu.memory_space<semaphore_mem>>
        %dma_start3A_316 = arith.constant 0 : i32
        %dma_start3A_317 = tpu.memref_slice %arg8[%add3A_56, %dma_start3A_316] : memref<80x125xi32, #tpu.memory_space<vmem>> -> memref<1x125xi32, #tpu.memory_space<vmem>>
        %dma_start3A_318 = tpu.memref_squeeze %dma_start3A_317 : memref<1x125xi32, #tpu.memory_space<vmem>> -> memref<125xi32, #tpu.memory_space<vmem>>
        %dma_start3A_319 = arith.constant 0 : i32
        %dma_start3A_320 = arith.constant 0 : i32
        %dma_start3A_321 = tpu.memref_slice %arg11[%dma_start3A_319, %dma_start3A_320] : memref<10000x128xf32, #tpu.memory_space<vmem_shared>> -> memref<10000x128xf32, #tpu.memory_space<vmem_shared>>
        tpu.enqueue_indirect_dma source(%arg10 : memref<125x128xf32, #tpu.memory_space<vmem>>) target(%dma_start3A_321 : memref<10000x128xf32, #tpu.memory_space<vmem_shared>>) offsets(%dma_start3A_318 : memref<125xi32, #tpu.memory_space<vmem>>) semaphore(%run_scoped3A : memref<!tpu.dma_semaphore, #tpu.memory_space<semaphore_mem>>) {add = true}
        %dma_wait3A_322 = arith.constant 0 : i32
        %dma_wait3A_323 = tpu.memref_slice %arg8[%add3A_56, %dma_wait3A_322] : memref<80x125xi32, #tpu.memory_space<vmem>> -> memref<1x125xi32, #tpu.memory_space<vmem>>
        %dma_wait3A_324 = tpu.memref_squeeze %dma_wait3A_323 : memref<1x125xi32, #tpu.memory_space<vmem>> -> memref<125xi32, #tpu.memory_space<vmem>>
        %dma_wait3A_325 = arith.constant 0 : i32
        %dma_wait3A_326 = arith.constant 0 : i32
        %dma_wait3A_327 = tpu.memref_slice %arg11[%dma_wait3A_325, %dma_wait3A_326] : memref<10000x128xf32, #tpu.memory_space<vmem_shared>> -> memref<10000x128xf32, #tpu.memory_space<vmem_shared>>
        tpu.wait_indirect_dma semaphore(%run_scoped3A : memref<!tpu.dma_semaphore, #tpu.memory_space<semaphore_mem>>) src(%arg10 : memref<125x128xf32, #tpu.memory_space<vmem>>) dst(%dma_wait3A_327 : memref<10000x128xf32, #tpu.memory_space<vmem_shared>>)
        tpu.yield
      }) : () -> ()
      %mul3A_71 = arith.constant 16 : i32
      %mul3A_72 = arith.muli %mul3A_71, %scan3A_24 : i32
      %add3A_73 = arith.constant 2 : i32
      %add3A_74 = arith.addi %mul3A_72, %add3A_73 : i32
      %dma_start3A_75 = arith.constant 3 : i32
      %dma_start3A_76 = arith.constant 0 : i32
      %dma_start3A_77 = tpu.memref_slice %arg7[%dma_start3A_75, %dma_start3A_76] : memref<16x125xi32, #tpu.memory_space<vmem>> -> memref<1x125xi32, #tpu.memory_space<vmem>>
      %dma_start3A_78 = tpu.memref_squeeze %dma_start3A_77 : memref<1x125xi32, #tpu.memory_space<vmem>> -> memref<125xi32, #tpu.memory_space<vmem>>
      %dma_start3A_79 = arith.constant 0 : i32
      %dma_start3A_80 = arith.constant 0 : i32
      %dma_start3A_81 = tpu.memref_slice %arg2[%dma_start3A_79, %dma_start3A_80] : memref<10000x128xf32, #tpu.memory_space<hbm>> -> memref<10000x128xf32, #tpu.memory_space<hbm>>
      tpu.enqueue_indirect_dma source(%dma_start3A_81 : memref<10000x128xf32, #tpu.memory_space<hbm>>) target(%arg10 : memref<125x128xf32, #tpu.memory_space<vmem>>) offsets(%dma_start3A_78 : memref<125xi32, #tpu.memory_space<vmem>>) semaphore(%arg13 : memref<!tpu.dma_semaphore, #tpu.memory_space<semaphore_mem>>)
      %dma_wait3A_82 = arith.constant 2 : i32
      %dma_wait3A_83 = arith.constant 0 : i32
      %dma_wait3A_84 = tpu.memref_slice %arg7[%dma_wait3A_82, %dma_wait3A_83] : memref<16x125xi32, #tpu.memory_space<vmem>> -> memref<1x125xi32, #tpu.memory_space<vmem>>
      %dma_wait3A_85 = tpu.memref_squeeze %dma_wait3A_84 : memref<1x125xi32, #tpu.memory_space<vmem>> -> memref<125xi32, #tpu.memory_space<vmem>>
      %dma_wait3A_86 = arith.constant 0 : i32
      %dma_wait3A_87 = arith.constant 0 : i32
      %dma_wait3A_88 = tpu.memref_slice %arg2[%dma_wait3A_86, %dma_wait3A_87] : memref<10000x128xf32, #tpu.memory_space<hbm>> -> memref<10000x128xf32, #tpu.memory_space<hbm>>
      tpu.wait_indirect_dma semaphore(%arg12 : memref<!tpu.dma_semaphore, #tpu.memory_space<semaphore_mem>>) src(%dma_wait3A_88 : memref<10000x128xf32, #tpu.memory_space<hbm>>) dst(%arg9 : memref<125x128xf32, #tpu.memory_space<vmem>>)
      "tpu.region"() ({
        %run_scoped3A = tpu.sem_alloc : memref<!tpu.dma_semaphore, #tpu.memory_space<semaphore_mem>>
        %dma_start3A_316 = arith.constant 0 : i32
        %dma_start3A_317 = tpu.memref_slice %arg8[%add3A_74, %dma_start3A_316] : memref<80x125xi32, #tpu.memory_space<vmem>> -> memref<1x125xi32, #tpu.memory_space<vmem>>
        %dma_start3A_318 = tpu.memref_squeeze %dma_start3A_317 : memref<1x125xi32, #tpu.memory_space<vmem>> -> memref<125xi32, #tpu.memory_space<vmem>>
        %dma_start3A_319 = arith.constant 0 : i32
        %dma_start3A_320 = arith.constant 0 : i32
        %dma_start3A_321 = tpu.memref_slice %arg11[%dma_start3A_319, %dma_start3A_320] : memref<10000x128xf32, #tpu.memory_space<vmem_shared>> -> memref<10000x128xf32, #tpu.memory_space<vmem_shared>>
        tpu.enqueue_indirect_dma source(%arg9 : memref<125x128xf32, #tpu.memory_space<vmem>>) target(%dma_start3A_321 : memref<10000x128xf32, #tpu.memory_space<vmem_shared>>) offsets(%dma_start3A_318 : memref<125xi32, #tpu.memory_space<vmem>>) semaphore(%run_scoped3A : memref<!tpu.dma_semaphore, #tpu.memory_space<semaphore_mem>>) {add = true}
        %dma_wait3A_322 = arith.constant 0 : i32
        %dma_wait3A_323 = tpu.memref_slice %arg8[%add3A_74, %dma_wait3A_322] : memref<80x125xi32, #tpu.memory_space<vmem>> -> memref<1x125xi32, #tpu.memory_space<vmem>>
        %dma_wait3A_324 = tpu.memref_squeeze %dma_wait3A_323 : memref<1x125xi32, #tpu.memory_space<vmem>> -> memref<125xi32, #tpu.memory_space<vmem>>
        %dma_wait3A_325 = arith.constant 0 : i32
        %dma_wait3A_326 = arith.constant 0 : i32
        %dma_wait3A_327 = tpu.memref_slice %arg11[%dma_wait3A_325, %dma_wait3A_326] : memref<10000x128xf32, #tpu.memory_space<vmem_shared>> -> memref<10000x128xf32, #tpu.memory_space<vmem_shared>>
        tpu.wait_indirect_dma semaphore(%run_scoped3A : memref<!tpu.dma_semaphore, #tpu.memory_space<semaphore_mem>>) src(%arg9 : memref<125x128xf32, #tpu.memory_space<vmem>>) dst(%dma_wait3A_327 : memref<10000x128xf32, #tpu.memory_space<vmem_shared>>)
        tpu.yield
      }) : () -> ()
      %mul3A_89 = arith.constant 16 : i32
      %mul3A_90 = arith.muli %mul3A_89, %scan3A_24 : i32
      %add3A_91 = arith.constant 3 : i32
      %add3A_92 = arith.addi %mul3A_90, %add3A_91 : i32
      %dma_start3A_93 = arith.constant 4 : i32
      %dma_start3A_94 = arith.constant 0 : i32
      %dma_start3A_95 = tpu.memref_slice %arg7[%dma_start3A_93, %dma_start3A_94] : memref<16x125xi32, #tpu.memory_space<vmem>> -> memref<1x125xi32, #tpu.memory_space<vmem>>
      %dma_start3A_96 = tpu.memref_squeeze %dma_start3A_95 : memref<1x125xi32, #tpu.memory_space<vmem>> -> memref<125xi32, #tpu.memory_space<vmem>>
      %dma_start3A_97 = arith.constant 0 : i32
      %dma_start3A_98 = arith.constant 0 : i32
      %dma_start3A_99 = tpu.memref_slice %arg2[%dma_start3A_97, %dma_start3A_98] : memref<10000x128xf32, #tpu.memory_space<hbm>> -> memref<10000x128xf32, #tpu.memory_space<hbm>>
      tpu.enqueue_indirect_dma source(%dma_start3A_99 : memref<10000x128xf32, #tpu.memory_space<hbm>>) target(%arg9 : memref<125x128xf32, #tpu.memory_space<vmem>>) offsets(%dma_start3A_96 : memref<125xi32, #tpu.memory_space<vmem>>) semaphore(%arg12 : memref<!tpu.dma_semaphore, #tpu.memory_space<semaphore_mem>>)
      %dma_wait3A_100 = arith.constant 3 : i32
      %dma_wait3A_101 = arith.constant 0 : i32
      %dma_wait3A_102 = tpu.memref_slice %arg7[%dma_wait3A_100, %dma_wait3A_101] : memref<16x125xi32, #tpu.memory_space<vmem>> -> memref<1x125xi32, #tpu.memory_space<vmem>>
      %dma_wait3A_103 = tpu.memref_squeeze %dma_wait3A_102 : memref<1x125xi32, #tpu.memory_space<vmem>> -> memref<125xi32, #tpu.memory_space<vmem>>
      %dma_wait3A_104 = arith.constant 0 : i32
      %dma_wait3A_105 = arith.constant 0 : i32
      %dma_wait3A_106 = tpu.memref_slice %arg2[%dma_wait3A_104, %dma_wait3A_105] : memref<10000x128xf32, #tpu.memory_space<hbm>> -> memref<10000x128xf32, #tpu.memory_space<hbm>>
      tpu.wait_indirect_dma semaphore(%arg13 : memref<!tpu.dma_semaphore, #tpu.memory_space<semaphore_mem>>) src(%dma_wait3A_106 : memref<10000x128xf32, #tpu.memory_space<hbm>>) dst(%arg10 : memref<125x128xf32, #tpu.memory_space<vmem>>)
      "tpu.region"() ({
        %run_scoped3A = tpu.sem_alloc : memref<!tpu.dma_semaphore, #tpu.memory_space<semaphore_mem>>
        %dma_start3A_316 = arith.constant 0 : i32
        %dma_start3A_317 = tpu.memref_slice %arg8[%add3A_92, %dma_start3A_316] : memref<80x125xi32, #tpu.memory_space<vmem>> -> memref<1x125xi32, #tpu.memory_space<vmem>>
        %dma_start3A_318 = tpu.memref_squeeze %dma_start3A_317 : memref<1x125xi32, #tpu.memory_space<vmem>> -> memref<125xi32, #tpu.memory_space<vmem>>
        %dma_start3A_319 = arith.constant 0 : i32
        %dma_start3A_320 = arith.constant 0 : i32
        %dma_start3A_321 = tpu.memref_slice %arg11[%dma_start3A_319, %dma_start3A_320] : memref<10000x128xf32, #tpu.memory_space<vmem_shared>> -> memref<10000x128xf32, #tpu.memory_space<vmem_shared>>
        tpu.enqueue_indirect_dma source(%arg10 : memref<125x128xf32, #tpu.memory_space<vmem>>) target(%dma_start3A_321 : memref<10000x128xf32, #tpu.memory_space<vmem_shared>>) offsets(%dma_start3A_318 : memref<125xi32, #tpu.memory_space<vmem>>) semaphore(%run_scoped3A : memref<!tpu.dma_semaphore, #tpu.memory_space<semaphore_mem>>) {add = true}
        %dma_wait3A_322 = arith.constant 0 : i32
        %dma_wait3A_323 = tpu.memref_slice %arg8[%add3A_92, %dma_wait3A_322] : memref<80x125xi32, #tpu.memory_space<vmem>> -> memref<1x125xi32, #tpu.memory_space<vmem>>
        %dma_wait3A_324 = tpu.memref_squeeze %dma_wait3A_323 : memref<1x125xi32, #tpu.memory_space<vmem>> -> memref<125xi32, #tpu.memory_space<vmem>>
        %dma_wait3A_325 = arith.constant 0 : i32
        %dma_wait3A_326 = arith.constant 0 : i32
        %dma_wait3A_327 = tpu.memref_slice %arg11[%dma_wait3A_325, %dma_wait3A_326] : memref<10000x128xf32, #tpu.memory_space<vmem_shared>> -> memref<10000x128xf32, #tpu.memory_space<vmem_shared>>
        tpu.wait_indirect_dma semaphore(%run_scoped3A : memref<!tpu.dma_semaphore, #tpu.memory_space<semaphore_mem>>) src(%arg10 : memref<125x128xf32, #tpu.memory_space<vmem>>) dst(%dma_wait3A_327 : memref<10000x128xf32, #tpu.memory_space<vmem_shared>>)
        tpu.yield
      }) : () -> ()
      %mul3A_107 = arith.constant 16 : i32
      %mul3A_108 = arith.muli %mul3A_107, %scan3A_24 : i32
      %add3A_109 = arith.constant 4 : i32
      %add3A_110 = arith.addi %mul3A_108, %add3A_109 : i32
      %dma_start3A_111 = arith.constant 5 : i32
      %dma_start3A_112 = arith.constant 0 : i32
      %dma_start3A_113 = tpu.memref_slice %arg7[%dma_start3A_111, %dma_start3A_112] : memref<16x125xi32, #tpu.memory_space<vmem>> -> memref<1x125xi32, #tpu.memory_space<vmem>>
      %dma_start3A_114 = tpu.memref_squeeze %dma_start3A_113 : memref<1x125xi32, #tpu.memory_space<vmem>> -> memref<125xi32, #tpu.memory_space<vmem>>
      %dma_start3A_115 = arith.constant 0 : i32
      %dma_start3A_116 = arith.constant 0 : i32
      %dma_start3A_117 = tpu.memref_slice %arg2[%dma_start3A_115, %dma_start3A_116] : memref<10000x128xf32, #tpu.memory_space<hbm>> -> memref<10000x128xf32, #tpu.memory_space<hbm>>
      tpu.enqueue_indirect_dma source(%dma_start3A_117 : memref<10000x128xf32, #tpu.memory_space<hbm>>) target(%arg10 : memref<125x128xf32, #tpu.memory_space<vmem>>) offsets(%dma_start3A_114 : memref<125xi32, #tpu.memory_space<vmem>>) semaphore(%arg13 : memref<!tpu.dma_semaphore, #tpu.memory_space<semaphore_mem>>)
      %dma_wait3A_118 = arith.constant 4 : i32
      %dma_wait3A_119 = arith.constant 0 : i32
      %dma_wait3A_120 = tpu.memref_slice %arg7[%dma_wait3A_118, %dma_wait3A_119] : memref<16x125xi32, #tpu.memory_space<vmem>> -> memref<1x125xi32, #tpu.memory_space<vmem>>
      %dma_wait3A_121 = tpu.memref_squeeze %dma_wait3A_120 : memref<1x125xi32, #tpu.memory_space<vmem>> -> memref<125xi32, #tpu.memory_space<vmem>>
      %dma_wait3A_122 = arith.constant 0 : i32
      %dma_wait3A_123 = arith.constant 0 : i32
      %dma_wait3A_124 = tpu.memref_slice %arg2[%dma_wait3A_122, %dma_wait3A_123] : memref<10000x128xf32, #tpu.memory_space<hbm>> -> memref<10000x128xf32, #tpu.memory_space<hbm>>
      tpu.wait_indirect_dma semaphore(%arg12 : memref<!tpu.dma_semaphore, #tpu.memory_space<semaphore_mem>>) src(%dma_wait3A_124 : memref<10000x128xf32, #tpu.memory_space<hbm>>) dst(%arg9 : memref<125x128xf32, #tpu.memory_space<vmem>>)
      "tpu.region"() ({
        %run_scoped3A = tpu.sem_alloc : memref<!tpu.dma_semaphore, #tpu.memory_space<semaphore_mem>>
        %dma_start3A_316 = arith.constant 0 : i32
        %dma_start3A_317 = tpu.memref_slice %arg8[%add3A_110, %dma_start3A_316] : memref<80x125xi32, #tpu.memory_space<vmem>> -> memref<1x125xi32, #tpu.memory_space<vmem>>
        %dma_start3A_318 = tpu.memref_squeeze %dma_start3A_317 : memref<1x125xi32, #tpu.memory_space<vmem>> -> memref<125xi32, #tpu.memory_space<vmem>>
        %dma_start3A_319 = arith.constant 0 : i32
        %dma_start3A_320 = arith.constant 0 : i32
        %dma_start3A_321 = tpu.memref_slice %arg11[%dma_start3A_319, %dma_start3A_320] : memref<10000x128xf32, #tpu.memory_space<vmem_shared>> -> memref<10000x128xf32, #tpu.memory_space<vmem_shared>>
        tpu.enqueue_indirect_dma source(%arg9 : memref<125x128xf32, #tpu.memory_space<vmem>>) target(%dma_start3A_321 : memref<10000x128xf32, #tpu.memory_space<vmem_shared>>) offsets(%dma_start3A_318 : memref<125xi32, #tpu.memory_space<vmem>>) semaphore(%run_scoped3A : memref<!tpu.dma_semaphore, #tpu.memory_space<semaphore_mem>>) {add = true}
        %dma_wait3A_322 = arith.constant 0 : i32
        %dma_wait3A_323 = tpu.memref_slice %arg8[%add3A_110, %dma_wait3A_322] : memref<80x125xi32, #tpu.memory_space<vmem>> -> memref<1x125xi32, #tpu.memory_space<vmem>>
        %dma_wait3A_324 = tpu.memref_squeeze %dma_wait3A_323 : memref<1x125xi32, #tpu.memory_space<vmem>> -> memref<125xi32, #tpu.memory_space<vmem>>
        %dma_wait3A_325 = arith.constant 0 : i32
        %dma_wait3A_326 = arith.constant 0 : i32
        %dma_wait3A_327 = tpu.memref_slice %arg11[%dma_wait3A_325, %dma_wait3A_326] : memref<10000x128xf32, #tpu.memory_space<vmem_shared>> -> memref<10000x128xf32, #tpu.memory_space<vmem_shared>>
        tpu.wait_indirect_dma semaphore(%run_scoped3A : memref<!tpu.dma_semaphore, #tpu.memory_space<semaphore_mem>>) src(%arg9 : memref<125x128xf32, #tpu.memory_space<vmem>>) dst(%dma_wait3A_327 : memref<10000x128xf32, #tpu.memory_space<vmem_shared>>)
        tpu.yield
      }) : () -> ()
      %mul3A_125 = arith.constant 16 : i32
      %mul3A_126 = arith.muli %mul3A_125, %scan3A_24 : i32
      %add3A_127 = arith.constant 5 : i32
      %add3A_128 = arith.addi %mul3A_126, %add3A_127 : i32
      %dma_start3A_129 = arith.constant 6 : i32
      %dma_start3A_130 = arith.constant 0 : i32
      %dma_start3A_131 = tpu.memref_slice %arg7[%dma_start3A_129, %dma_start3A_130] : memref<16x125xi32, #tpu.memory_space<vmem>> -> memref<1x125xi32, #tpu.memory_space<vmem>>
      %dma_start3A_132 = tpu.memref_squeeze %dma_start3A_131 : memref<1x125xi32, #tpu.memory_space<vmem>> -> memref<125xi32, #tpu.memory_space<vmem>>
      %dma_start3A_133 = arith.constant 0 : i32
      %dma_start3A_134 = arith.constant 0 : i32
      %dma_start3A_135 = tpu.memref_slice %arg2[%dma_start3A_133, %dma_start3A_134] : memref<10000x128xf32, #tpu.memory_space<hbm>> -> memref<10000x128xf32, #tpu.memory_space<hbm>>
      tpu.enqueue_indirect_dma source(%dma_start3A_135 : memref<10000x128xf32, #tpu.memory_space<hbm>>) target(%arg9 : memref<125x128xf32, #tpu.memory_space<vmem>>) offsets(%dma_start3A_132 : memref<125xi32, #tpu.memory_space<vmem>>) semaphore(%arg12 : memref<!tpu.dma_semaphore, #tpu.memory_space<semaphore_mem>>)
      %dma_wait3A_136 = arith.constant 5 : i32
      %dma_wait3A_137 = arith.constant 0 : i32
      %dma_wait3A_138 = tpu.memref_slice %arg7[%dma_wait3A_136, %dma_wait3A_137] : memref<16x125xi32, #tpu.memory_space<vmem>> -> memref<1x125xi32, #tpu.memory_space<vmem>>
      %dma_wait3A_139 = tpu.memref_squeeze %dma_wait3A_138 : memref<1x125xi32, #tpu.memory_space<vmem>> -> memref<125xi32, #tpu.memory_space<vmem>>
      %dma_wait3A_140 = arith.constant 0 : i32
      %dma_wait3A_141 = arith.constant 0 : i32
      %dma_wait3A_142 = tpu.memref_slice %arg2[%dma_wait3A_140, %dma_wait3A_141] : memref<10000x128xf32, #tpu.memory_space<hbm>> -> memref<10000x128xf32, #tpu.memory_space<hbm>>
      tpu.wait_indirect_dma semaphore(%arg13 : memref<!tpu.dma_semaphore, #tpu.memory_space<semaphore_mem>>) src(%dma_wait3A_142 : memref<10000x128xf32, #tpu.memory_space<hbm>>) dst(%arg10 : memref<125x128xf32, #tpu.memory_space<vmem>>)
      "tpu.region"() ({
        %run_scoped3A = tpu.sem_alloc : memref<!tpu.dma_semaphore, #tpu.memory_space<semaphore_mem>>
        %dma_start3A_316 = arith.constant 0 : i32
        %dma_start3A_317 = tpu.memref_slice %arg8[%add3A_128, %dma_start3A_316] : memref<80x125xi32, #tpu.memory_space<vmem>> -> memref<1x125xi32, #tpu.memory_space<vmem>>
        %dma_start3A_318 = tpu.memref_squeeze %dma_start3A_317 : memref<1x125xi32, #tpu.memory_space<vmem>> -> memref<125xi32, #tpu.memory_space<vmem>>
        %dma_start3A_319 = arith.constant 0 : i32
        %dma_start3A_320 = arith.constant 0 : i32
        %dma_start3A_321 = tpu.memref_slice %arg11[%dma_start3A_319, %dma_start3A_320] : memref<10000x128xf32, #tpu.memory_space<vmem_shared>> -> memref<10000x128xf32, #tpu.memory_space<vmem_shared>>
        tpu.enqueue_indirect_dma source(%arg10 : memref<125x128xf32, #tpu.memory_space<vmem>>) target(%dma_start3A_321 : memref<10000x128xf32, #tpu.memory_space<vmem_shared>>) offsets(%dma_start3A_318 : memref<125xi32, #tpu.memory_space<vmem>>) semaphore(%run_scoped3A : memref<!tpu.dma_semaphore, #tpu.memory_space<semaphore_mem>>) {add = true}
        %dma_wait3A_322 = arith.constant 0 : i32
        %dma_wait3A_323 = tpu.memref_slice %arg8[%add3A_128, %dma_wait3A_322] : memref<80x125xi32, #tpu.memory_space<vmem>> -> memref<1x125xi32, #tpu.memory_space<vmem>>
        %dma_wait3A_324 = tpu.memref_squeeze %dma_wait3A_323 : memref<1x125xi32, #tpu.memory_space<vmem>> -> memref<125xi32, #tpu.memory_space<vmem>>
        %dma_wait3A_325 = arith.constant 0 : i32
        %dma_wait3A_326 = arith.constant 0 : i32
        %dma_wait3A_327 = tpu.memref_slice %arg11[%dma_wait3A_325, %dma_wait3A_326] : memref<10000x128xf32, #tpu.memory_space<vmem_shared>> -> memref<10000x128xf32, #tpu.memory_space<vmem_shared>>
        tpu.wait_indirect_dma semaphore(%run_scoped3A : memref<!tpu.dma_semaphore, #tpu.memory_space<semaphore_mem>>) src(%arg10 : memref<125x128xf32, #tpu.memory_space<vmem>>) dst(%dma_wait3A_327 : memref<10000x128xf32, #tpu.memory_space<vmem_shared>>)
        tpu.yield
      }) : () -> ()
      %mul3A_143 = arith.constant 16 : i32
      %mul3A_144 = arith.muli %mul3A_143, %scan3A_24 : i32
      %add3A_145 = arith.constant 6 : i32
      %add3A_146 = arith.addi %mul3A_144, %add3A_145 : i32
      %dma_start3A_147 = arith.constant 7 : i32
      %dma_start3A_148 = arith.constant 0 : i32
      %dma_start3A_149 = tpu.memref_slice %arg7[%dma_start3A_147, %dma_start3A_148] : memref<16x125xi32, #tpu.memory_space<vmem>> -> memref<1x125xi32, #tpu.memory_space<vmem>>
      %dma_start3A_150 = tpu.memref_squeeze %dma_start3A_149 : memref<1x125xi32, #tpu.memory_space<vmem>> -> memref<125xi32, #tpu.memory_space<vmem>>
      %dma_start3A_151 = arith.constant 0 : i32
      %dma_start3A_152 = arith.constant 0 : i32
      %dma_start3A_153 = tpu.memref_slice %arg2[%dma_start3A_151, %dma_start3A_152] : memref<10000x128xf32, #tpu.memory_space<hbm>> -> memref<10000x128xf32, #tpu.memory_space<hbm>>
      tpu.enqueue_indirect_dma source(%dma_start3A_153 : memref<10000x128xf32, #tpu.memory_space<hbm>>) target(%arg10 : memref<125x128xf32, #tpu.memory_space<vmem>>) offsets(%dma_start3A_150 : memref<125xi32, #tpu.memory_space<vmem>>) semaphore(%arg13 : memref<!tpu.dma_semaphore, #tpu.memory_space<semaphore_mem>>)
      %dma_wait3A_154 = arith.constant 6 : i32
      %dma_wait3A_155 = arith.constant 0 : i32
      %dma_wait3A_156 = tpu.memref_slice %arg7[%dma_wait3A_154, %dma_wait3A_155] : memref<16x125xi32, #tpu.memory_space<vmem>> -> memref<1x125xi32, #tpu.memory_space<vmem>>
      %dma_wait3A_157 = tpu.memref_squeeze %dma_wait3A_156 : memref<1x125xi32, #tpu.memory_space<vmem>> -> memref<125xi32, #tpu.memory_space<vmem>>
      %dma_wait3A_158 = arith.constant 0 : i32
      %dma_wait3A_159 = arith.constant 0 : i32
      %dma_wait3A_160 = tpu.memref_slice %arg2[%dma_wait3A_158, %dma_wait3A_159] : memref<10000x128xf32, #tpu.memory_space<hbm>> -> memref<10000x128xf32, #tpu.memory_space<hbm>>
      tpu.wait_indirect_dma semaphore(%arg12 : memref<!tpu.dma_semaphore, #tpu.memory_space<semaphore_mem>>) src(%dma_wait3A_160 : memref<10000x128xf32, #tpu.memory_space<hbm>>) dst(%arg9 : memref<125x128xf32, #tpu.memory_space<vmem>>)
      "tpu.region"() ({
        %run_scoped3A = tpu.sem_alloc : memref<!tpu.dma_semaphore, #tpu.memory_space<semaphore_mem>>
        %dma_start3A_316 = arith.constant 0 : i32
        %dma_start3A_317 = tpu.memref_slice %arg8[%add3A_146, %dma_start3A_316] : memref<80x125xi32, #tpu.memory_space<vmem>> -> memref<1x125xi32, #tpu.memory_space<vmem>>
        %dma_start3A_318 = tpu.memref_squeeze %dma_start3A_317 : memref<1x125xi32, #tpu.memory_space<vmem>> -> memref<125xi32, #tpu.memory_space<vmem>>
        %dma_start3A_319 = arith.constant 0 : i32
        %dma_start3A_320 = arith.constant 0 : i32
        %dma_start3A_321 = tpu.memref_slice %arg11[%dma_start3A_319, %dma_start3A_320] : memref<10000x128xf32, #tpu.memory_space<vmem_shared>> -> memref<10000x128xf32, #tpu.memory_space<vmem_shared>>
        tpu.enqueue_indirect_dma source(%arg9 : memref<125x128xf32, #tpu.memory_space<vmem>>) target(%dma_start3A_321 : memref<10000x128xf32, #tpu.memory_space<vmem_shared>>) offsets(%dma_start3A_318 : memref<125xi32, #tpu.memory_space<vmem>>) semaphore(%run_scoped3A : memref<!tpu.dma_semaphore, #tpu.memory_space<semaphore_mem>>) {add = true}
        %dma_wait3A_322 = arith.constant 0 : i32
        %dma_wait3A_323 = tpu.memref_slice %arg8[%add3A_146, %dma_wait3A_322] : memref<80x125xi32, #tpu.memory_space<vmem>> -> memref<1x125xi32, #tpu.memory_space<vmem>>
        %dma_wait3A_324 = tpu.memref_squeeze %dma_wait3A_323 : memref<1x125xi32, #tpu.memory_space<vmem>> -> memref<125xi32, #tpu.memory_space<vmem>>
        %dma_wait3A_325 = arith.constant 0 : i32
        %dma_wait3A_326 = arith.constant 0 : i32
        %dma_wait3A_327 = tpu.memref_slice %arg11[%dma_wait3A_325, %dma_wait3A_326] : memref<10000x128xf32, #tpu.memory_space<vmem_shared>> -> memref<10000x128xf32, #tpu.memory_space<vmem_shared>>
        tpu.wait_indirect_dma semaphore(%run_scoped3A : memref<!tpu.dma_semaphore, #tpu.memory_space<semaphore_mem>>) src(%arg9 : memref<125x128xf32, #tpu.memory_space<vmem>>) dst(%dma_wait3A_327 : memref<10000x128xf32, #tpu.memory_space<vmem_shared>>)
        tpu.yield
      }) : () -> ()
      %mul3A_161 = arith.constant 16 : i32
      %mul3A_162 = arith.muli %mul3A_161, %scan3A_24 : i32
      %add3A_163 = arith.constant 7 : i32
      %add3A_164 = arith.addi %mul3A_162, %add3A_163 : i32
      %dma_start3A_165 = arith.constant 8 : i32
      %dma_start3A_166 = arith.constant 0 : i32
      %dma_start3A_167 = tpu.memref_slice %arg7[%dma_start3A_165, %dma_start3A_166] : memref<16x125xi32, #tpu.memory_space<vmem>> -> memref<1x125xi32, #tpu.memory_space<vmem>>
      %dma_start3A_168 = tpu.memref_squeeze %dma_start3A_167 : memref<1x125xi32, #tpu.memory_space<vmem>> -> memref<125xi32, #tpu.memory_space<vmem>>
      %dma_start3A_169 = arith.constant 0 : i32
      %dma_start3A_170 = arith.constant 0 : i32
      %dma_start3A_171 = tpu.memref_slice %arg2[%dma_start3A_169, %dma_start3A_170] : memref<10000x128xf32, #tpu.memory_space<hbm>> -> memref<10000x128xf32, #tpu.memory_space<hbm>>
      tpu.enqueue_indirect_dma source(%dma_start3A_171 : memref<10000x128xf32, #tpu.memory_space<hbm>>) target(%arg9 : memref<125x128xf32, #tpu.memory_space<vmem>>) offsets(%dma_start3A_168 : memref<125xi32, #tpu.memory_space<vmem>>) semaphore(%arg12 : memref<!tpu.dma_semaphore, #tpu.memory_space<semaphore_mem>>)
      %dma_wait3A_172 = arith.constant 7 : i32
      %dma_wait3A_173 = arith.constant 0 : i32
      %dma_wait3A_174 = tpu.memref_slice %arg7[%dma_wait3A_172, %dma_wait3A_173] : memref<16x125xi32, #tpu.memory_space<vmem>> -> memref<1x125xi32, #tpu.memory_space<vmem>>
      %dma_wait3A_175 = tpu.memref_squeeze %dma_wait3A_174 : memref<1x125xi32, #tpu.memory_space<vmem>> -> memref<125xi32, #tpu.memory_space<vmem>>
      %dma_wait3A_176 = arith.constant 0 : i32
      %dma_wait3A_177 = arith.constant 0 : i32
      %dma_wait3A_178 = tpu.memref_slice %arg2[%dma_wait3A_176, %dma_wait3A_177] : memref<10000x128xf32, #tpu.memory_space<hbm>> -> memref<10000x128xf32, #tpu.memory_space<hbm>>
      tpu.wait_indirect_dma semaphore(%arg13 : memref<!tpu.dma_semaphore, #tpu.memory_space<semaphore_mem>>) src(%dma_wait3A_178 : memref<10000x128xf32, #tpu.memory_space<hbm>>) dst(%arg10 : memref<125x128xf32, #tpu.memory_space<vmem>>)
      "tpu.region"() ({
        %run_scoped3A = tpu.sem_alloc : memref<!tpu.dma_semaphore, #tpu.memory_space<semaphore_mem>>
        %dma_start3A_316 = arith.constant 0 : i32
        %dma_start3A_317 = tpu.memref_slice %arg8[%add3A_164, %dma_start3A_316] : memref<80x125xi32, #tpu.memory_space<vmem>> -> memref<1x125xi32, #tpu.memory_space<vmem>>
        %dma_start3A_318 = tpu.memref_squeeze %dma_start3A_317 : memref<1x125xi32, #tpu.memory_space<vmem>> -> memref<125xi32, #tpu.memory_space<vmem>>
        %dma_start3A_319 = arith.constant 0 : i32
        %dma_start3A_320 = arith.constant 0 : i32
        %dma_start3A_321 = tpu.memref_slice %arg11[%dma_start3A_319, %dma_start3A_320] : memref<10000x128xf32, #tpu.memory_space<vmem_shared>> -> memref<10000x128xf32, #tpu.memory_space<vmem_shared>>
        tpu.enqueue_indirect_dma source(%arg10 : memref<125x128xf32, #tpu.memory_space<vmem>>) target(%dma_start3A_321 : memref<10000x128xf32, #tpu.memory_space<vmem_shared>>) offsets(%dma_start3A_318 : memref<125xi32, #tpu.memory_space<vmem>>) semaphore(%run_scoped3A : memref<!tpu.dma_semaphore, #tpu.memory_space<semaphore_mem>>) {add = true}
        %dma_wait3A_322 = arith.constant 0 : i32
        %dma_wait3A_323 = tpu.memref_slice %arg8[%add3A_164, %dma_wait3A_322] : memref<80x125xi32, #tpu.memory_space<vmem>> -> memref<1x125xi32, #tpu.memory_space<vmem>>
        %dma_wait3A_324 = tpu.memref_squeeze %dma_wait3A_323 : memref<1x125xi32, #tpu.memory_space<vmem>> -> memref<125xi32, #tpu.memory_space<vmem>>
        %dma_wait3A_325 = arith.constant 0 : i32
        %dma_wait3A_326 = arith.constant 0 : i32
        %dma_wait3A_327 = tpu.memref_slice %arg11[%dma_wait3A_325, %dma_wait3A_326] : memref<10000x128xf32, #tpu.memory_space<vmem_shared>> -> memref<10000x128xf32, #tpu.memory_space<vmem_shared>>
        tpu.wait_indirect_dma semaphore(%run_scoped3A : memref<!tpu.dma_semaphore, #tpu.memory_space<semaphore_mem>>) src(%arg10 : memref<125x128xf32, #tpu.memory_space<vmem>>) dst(%dma_wait3A_327 : memref<10000x128xf32, #tpu.memory_space<vmem_shared>>)
        tpu.yield
      }) : () -> ()
      %mul3A_179 = arith.constant 16 : i32
      %mul3A_180 = arith.muli %mul3A_179, %scan3A_24 : i32
      %add3A_181 = arith.constant 8 : i32
      %add3A_182 = arith.addi %mul3A_180, %add3A_181 : i32
      %dma_start3A_183 = arith.constant 9 : i32
      %dma_start3A_184 = arith.constant 0 : i32
      %dma_start3A_185 = tpu.memref_slice %arg7[%dma_start3A_183, %dma_start3A_184] : memref<16x125xi32, #tpu.memory_space<vmem>> -> memref<1x125xi32, #tpu.memory_space<vmem>>
      %dma_start3A_186 = tpu.memref_squeeze %dma_start3A_185 : memref<1x125xi32, #tpu.memory_space<vmem>> -> memref<125xi32, #tpu.memory_space<vmem>>
      %dma_start3A_187 = arith.constant 0 : i32
      %dma_start3A_188 = arith.constant 0 : i32
      %dma_start3A_189 = tpu.memref_slice %arg2[%dma_start3A_187, %dma_start3A_188] : memref<10000x128xf32, #tpu.memory_space<hbm>> -> memref<10000x128xf32, #tpu.memory_space<hbm>>
      tpu.enqueue_indirect_dma source(%dma_start3A_189 : memref<10000x128xf32, #tpu.memory_space<hbm>>) target(%arg10 : memref<125x128xf32, #tpu.memory_space<vmem>>) offsets(%dma_start3A_186 : memref<125xi32, #tpu.memory_space<vmem>>) semaphore(%arg13 : memref<!tpu.dma_semaphore, #tpu.memory_space<semaphore_mem>>)
      %dma_wait3A_190 = arith.constant 8 : i32
      %dma_wait3A_191 = arith.constant 0 : i32
      %dma_wait3A_192 = tpu.memref_slice %arg7[%dma_wait3A_190, %dma_wait3A_191] : memref<16x125xi32, #tpu.memory_space<vmem>> -> memref<1x125xi32, #tpu.memory_space<vmem>>
      %dma_wait3A_193 = tpu.memref_squeeze %dma_wait3A_192 : memref<1x125xi32, #tpu.memory_space<vmem>> -> memref<125xi32, #tpu.memory_space<vmem>>
      %dma_wait3A_194 = arith.constant 0 : i32
      %dma_wait3A_195 = arith.constant 0 : i32
      %dma_wait3A_196 = tpu.memref_slice %arg2[%dma_wait3A_194, %dma_wait3A_195] : memref<10000x128xf32, #tpu.memory_space<hbm>> -> memref<10000x128xf32, #tpu.memory_space<hbm>>
      tpu.wait_indirect_dma semaphore(%arg12 : memref<!tpu.dma_semaphore, #tpu.memory_space<semaphore_mem>>) src(%dma_wait3A_196 : memref<10000x128xf32, #tpu.memory_space<hbm>>) dst(%arg9 : memref<125x128xf32, #tpu.memory_space<vmem>>)
      "tpu.region"() ({
        %run_scoped3A = tpu.sem_alloc : memref<!tpu.dma_semaphore, #tpu.memory_space<semaphore_mem>>
        %dma_start3A_316 = arith.constant 0 : i32
        %dma_start3A_317 = tpu.memref_slice %arg8[%add3A_182, %dma_start3A_316] : memref<80x125xi32, #tpu.memory_space<vmem>> -> memref<1x125xi32, #tpu.memory_space<vmem>>
        %dma_start3A_318 = tpu.memref_squeeze %dma_start3A_317 : memref<1x125xi32, #tpu.memory_space<vmem>> -> memref<125xi32, #tpu.memory_space<vmem>>
        %dma_start3A_319 = arith.constant 0 : i32
        %dma_start3A_320 = arith.constant 0 : i32
        %dma_start3A_321 = tpu.memref_slice %arg11[%dma_start3A_319, %dma_start3A_320] : memref<10000x128xf32, #tpu.memory_space<vmem_shared>> -> memref<10000x128xf32, #tpu.memory_space<vmem_shared>>
        tpu.enqueue_indirect_dma source(%arg9 : memref<125x128xf32, #tpu.memory_space<vmem>>) target(%dma_start3A_321 : memref<10000x128xf32, #tpu.memory_space<vmem_shared>>) offsets(%dma_start3A_318 : memref<125xi32, #tpu.memory_space<vmem>>) semaphore(%run_scoped3A : memref<!tpu.dma_semaphore, #tpu.memory_space<semaphore_mem>>) {add = true}
        %dma_wait3A_322 = arith.constant 0 : i32
        %dma_wait3A_323 = tpu.memref_slice %arg8[%add3A_182, %dma_wait3A_322] : memref<80x125xi32, #tpu.memory_space<vmem>> -> memref<1x125xi32, #tpu.memory_space<vmem>>
        %dma_wait3A_324 = tpu.memref_squeeze %dma_wait3A_323 : memref<1x125xi32, #tpu.memory_space<vmem>> -> memref<125xi32, #tpu.memory_space<vmem>>
        %dma_wait3A_325 = arith.constant 0 : i32
        %dma_wait3A_326 = arith.constant 0 : i32
        %dma_wait3A_327 = tpu.memref_slice %arg11[%dma_wait3A_325, %dma_wait3A_326] : memref<10000x128xf32, #tpu.memory_space<vmem_shared>> -> memref<10000x128xf32, #tpu.memory_space<vmem_shared>>
        tpu.wait_indirect_dma semaphore(%run_scoped3A : memref<!tpu.dma_semaphore, #tpu.memory_space<semaphore_mem>>) src(%arg9 : memref<125x128xf32, #tpu.memory_space<vmem>>) dst(%dma_wait3A_327 : memref<10000x128xf32, #tpu.memory_space<vmem_shared>>)
        tpu.yield
      }) : () -> ()
      %mul3A_197 = arith.constant 16 : i32
      %mul3A_198 = arith.muli %mul3A_197, %scan3A_24 : i32
      %add3A_199 = arith.constant 9 : i32
      %add3A_200 = arith.addi %mul3A_198, %add3A_199 : i32
      %dma_start3A_201 = arith.constant 10 : i32
      %dma_start3A_202 = arith.constant 0 : i32
      %dma_start3A_203 = tpu.memref_slice %arg7[%dma_start3A_201, %dma_start3A_202] : memref<16x125xi32, #tpu.memory_space<vmem>> -> memref<1x125xi32, #tpu.memory_space<vmem>>
      %dma_start3A_204 = tpu.memref_squeeze %dma_start3A_203 : memref<1x125xi32, #tpu.memory_space<vmem>> -> memref<125xi32, #tpu.memory_space<vmem>>
      %dma_start3A_205 = arith.constant 0 : i32
      %dma_start3A_206 = arith.constant 0 : i32
      %dma_start3A_207 = tpu.memref_slice %arg2[%dma_start3A_205, %dma_start3A_206] : memref<10000x128xf32, #tpu.memory_space<hbm>> -> memref<10000x128xf32, #tpu.memory_space<hbm>>
      tpu.enqueue_indirect_dma source(%dma_start3A_207 : memref<10000x128xf32, #tpu.memory_space<hbm>>) target(%arg9 : memref<125x128xf32, #tpu.memory_space<vmem>>) offsets(%dma_start3A_204 : memref<125xi32, #tpu.memory_space<vmem>>) semaphore(%arg12 : memref<!tpu.dma_semaphore, #tpu.memory_space<semaphore_mem>>)
      %dma_wait3A_208 = arith.constant 9 : i32
      %dma_wait3A_209 = arith.constant 0 : i32
      %dma_wait3A_210 = tpu.memref_slice %arg7[%dma_wait3A_208, %dma_wait3A_209] : memref<16x125xi32, #tpu.memory_space<vmem>> -> memref<1x125xi32, #tpu.memory_space<vmem>>
      %dma_wait3A_211 = tpu.memref_squeeze %dma_wait3A_210 : memref<1x125xi32, #tpu.memory_space<vmem>> -> memref<125xi32, #tpu.memory_space<vmem>>
      %dma_wait3A_212 = arith.constant 0 : i32
      %dma_wait3A_213 = arith.constant 0 : i32
      %dma_wait3A_214 = tpu.memref_slice %arg2[%dma_wait3A_212, %dma_wait3A_213] : memref<10000x128xf32, #tpu.memory_space<hbm>> -> memref<10000x128xf32, #tpu.memory_space<hbm>>
      tpu.wait_indirect_dma semaphore(%arg13 : memref<!tpu.dma_semaphore, #tpu.memory_space<semaphore_mem>>) src(%dma_wait3A_214 : memref<10000x128xf32, #tpu.memory_space<hbm>>) dst(%arg10 : memref<125x128xf32, #tpu.memory_space<vmem>>)
      "tpu.region"() ({
        %run_scoped3A = tpu.sem_alloc : memref<!tpu.dma_semaphore, #tpu.memory_space<semaphore_mem>>
        %dma_start3A_316 = arith.constant 0 : i32
        %dma_start3A_317 = tpu.memref_slice %arg8[%add3A_200, %dma_start3A_316] : memref<80x125xi32, #tpu.memory_space<vmem>> -> memref<1x125xi32, #tpu.memory_space<vmem>>
        %dma_start3A_318 = tpu.memref_squeeze %dma_start3A_317 : memref<1x125xi32, #tpu.memory_space<vmem>> -> memref<125xi32, #tpu.memory_space<vmem>>
        %dma_start3A_319 = arith.constant 0 : i32
        %dma_start3A_320 = arith.constant 0 : i32
        %dma_start3A_321 = tpu.memref_slice %arg11[%dma_start3A_319, %dma_start3A_320] : memref<10000x128xf32, #tpu.memory_space<vmem_shared>> -> memref<10000x128xf32, #tpu.memory_space<vmem_shared>>
        tpu.enqueue_indirect_dma source(%arg10 : memref<125x128xf32, #tpu.memory_space<vmem>>) target(%dma_start3A_321 : memref<10000x128xf32, #tpu.memory_space<vmem_shared>>) offsets(%dma_start3A_318 : memref<125xi32, #tpu.memory_space<vmem>>) semaphore(%run_scoped3A : memref<!tpu.dma_semaphore, #tpu.memory_space<semaphore_mem>>) {add = true}
        %dma_wait3A_322 = arith.constant 0 : i32
        %dma_wait3A_323 = tpu.memref_slice %arg8[%add3A_200, %dma_wait3A_322] : memref<80x125xi32, #tpu.memory_space<vmem>> -> memref<1x125xi32, #tpu.memory_space<vmem>>
        %dma_wait3A_324 = tpu.memref_squeeze %dma_wait3A_323 : memref<1x125xi32, #tpu.memory_space<vmem>> -> memref<125xi32, #tpu.memory_space<vmem>>
        %dma_wait3A_325 = arith.constant 0 : i32
        %dma_wait3A_326 = arith.constant 0 : i32
        %dma_wait3A_327 = tpu.memref_slice %arg11[%dma_wait3A_325, %dma_wait3A_326] : memref<10000x128xf32, #tpu.memory_space<vmem_shared>> -> memref<10000x128xf32, #tpu.memory_space<vmem_shared>>
        tpu.wait_indirect_dma semaphore(%run_scoped3A : memref<!tpu.dma_semaphore, #tpu.memory_space<semaphore_mem>>) src(%arg10 : memref<125x128xf32, #tpu.memory_space<vmem>>) dst(%dma_wait3A_327 : memref<10000x128xf32, #tpu.memory_space<vmem_shared>>)
        tpu.yield
      }) : () -> ()
      %mul3A_215 = arith.constant 16 : i32
      %mul3A_216 = arith.muli %mul3A_215, %scan3A_24 : i32
      %add3A_217 = arith.constant 10 : i32
      %add3A_218 = arith.addi %mul3A_216, %add3A_217 : i32
      %dma_start3A_219 = arith.constant 11 : i32
      %dma_start3A_220 = arith.constant 0 : i32
      %dma_start3A_221 = tpu.memref_slice %arg7[%dma_start3A_219, %dma_start3A_220] : memref<16x125xi32, #tpu.memory_space<vmem>> -> memref<1x125xi32, #tpu.memory_space<vmem>>
      %dma_start3A_222 = tpu.memref_squeeze %dma_start3A_221 : memref<1x125xi32, #tpu.memory_space<vmem>> -> memref<125xi32, #tpu.memory_space<vmem>>
      %dma_start3A_223 = arith.constant 0 : i32
      %dma_start3A_224 = arith.constant 0 : i32
      %dma_start3A_225 = tpu.memref_slice %arg2[%dma_start3A_223, %dma_start3A_224] : memref<10000x128xf32, #tpu.memory_space<hbm>> -> memref<10000x128xf32, #tpu.memory_space<hbm>>
      tpu.enqueue_indirect_dma source(%dma_start3A_225 : memref<10000x128xf32, #tpu.memory_space<hbm>>) target(%arg10 : memref<125x128xf32, #tpu.memory_space<vmem>>) offsets(%dma_start3A_222 : memref<125xi32, #tpu.memory_space<vmem>>) semaphore(%arg13 : memref<!tpu.dma_semaphore, #tpu.memory_space<semaphore_mem>>)
      %dma_wait3A_226 = arith.constant 10 : i32
      %dma_wait3A_227 = arith.constant 0 : i32
      %dma_wait3A_228 = tpu.memref_slice %arg7[%dma_wait3A_226, %dma_wait3A_227] : memref<16x125xi32, #tpu.memory_space<vmem>> -> memref<1x125xi32, #tpu.memory_space<vmem>>
      %dma_wait3A_229 = tpu.memref_squeeze %dma_wait3A_228 : memref<1x125xi32, #tpu.memory_space<vmem>> -> memref<125xi32, #tpu.memory_space<vmem>>
      %dma_wait3A_230 = arith.constant 0 : i32
      %dma_wait3A_231 = arith.constant 0 : i32
      %dma_wait3A_232 = tpu.memref_slice %arg2[%dma_wait3A_230, %dma_wait3A_231] : memref<10000x128xf32, #tpu.memory_space<hbm>> -> memref<10000x128xf32, #tpu.memory_space<hbm>>
      tpu.wait_indirect_dma semaphore(%arg12 : memref<!tpu.dma_semaphore, #tpu.memory_space<semaphore_mem>>) src(%dma_wait3A_232 : memref<10000x128xf32, #tpu.memory_space<hbm>>) dst(%arg9 : memref<125x128xf32, #tpu.memory_space<vmem>>)
      "tpu.region"() ({
        %run_scoped3A = tpu.sem_alloc : memref<!tpu.dma_semaphore, #tpu.memory_space<semaphore_mem>>
        %dma_start3A_316 = arith.constant 0 : i32
        %dma_start3A_317 = tpu.memref_slice %arg8[%add3A_218, %dma_start3A_316] : memref<80x125xi32, #tpu.memory_space<vmem>> -> memref<1x125xi32, #tpu.memory_space<vmem>>
        %dma_start3A_318 = tpu.memref_squeeze %dma_start3A_317 : memref<1x125xi32, #tpu.memory_space<vmem>> -> memref<125xi32, #tpu.memory_space<vmem>>
        %dma_start3A_319 = arith.constant 0 : i32
        %dma_start3A_320 = arith.constant 0 : i32
        %dma_start3A_321 = tpu.memref_slice %arg11[%dma_start3A_319, %dma_start3A_320] : memref<10000x128xf32, #tpu.memory_space<vmem_shared>> -> memref<10000x128xf32, #tpu.memory_space<vmem_shared>>
        tpu.enqueue_indirect_dma source(%arg9 : memref<125x128xf32, #tpu.memory_space<vmem>>) target(%dma_start3A_321 : memref<10000x128xf32, #tpu.memory_space<vmem_shared>>) offsets(%dma_start3A_318 : memref<125xi32, #tpu.memory_space<vmem>>) semaphore(%run_scoped3A : memref<!tpu.dma_semaphore, #tpu.memory_space<semaphore_mem>>) {add = true}
        %dma_wait3A_322 = arith.constant 0 : i32
        %dma_wait3A_323 = tpu.memref_slice %arg8[%add3A_218, %dma_wait3A_322] : memref<80x125xi32, #tpu.memory_space<vmem>> -> memref<1x125xi32, #tpu.memory_space<vmem>>
        %dma_wait3A_324 = tpu.memref_squeeze %dma_wait3A_323 : memref<1x125xi32, #tpu.memory_space<vmem>> -> memref<125xi32, #tpu.memory_space<vmem>>
        %dma_wait3A_325 = arith.constant 0 : i32
        %dma_wait3A_326 = arith.constant 0 : i32
        %dma_wait3A_327 = tpu.memref_slice %arg11[%dma_wait3A_325, %dma_wait3A_326] : memref<10000x128xf32, #tpu.memory_space<vmem_shared>> -> memref<10000x128xf32, #tpu.memory_space<vmem_shared>>
        tpu.wait_indirect_dma semaphore(%run_scoped3A : memref<!tpu.dma_semaphore, #tpu.memory_space<semaphore_mem>>) src(%arg9 : memref<125x128xf32, #tpu.memory_space<vmem>>) dst(%dma_wait3A_327 : memref<10000x128xf32, #tpu.memory_space<vmem_shared>>)
        tpu.yield
      }) : () -> ()
      %mul3A_233 = arith.constant 16 : i32
      %mul3A_234 = arith.muli %mul3A_233, %scan3A_24 : i32
      %add3A_235 = arith.constant 11 : i32
      %add3A_236 = arith.addi %mul3A_234, %add3A_235 : i32
      %dma_start3A_237 = arith.constant 12 : i32
      %dma_start3A_238 = arith.constant 0 : i32
      %dma_start3A_239 = tpu.memref_slice %arg7[%dma_start3A_237, %dma_start3A_238] : memref<16x125xi32, #tpu.memory_space<vmem>> -> memref<1x125xi32, #tpu.memory_space<vmem>>
      %dma_start3A_240 = tpu.memref_squeeze %dma_start3A_239 : memref<1x125xi32, #tpu.memory_space<vmem>> -> memref<125xi32, #tpu.memory_space<vmem>>
      %dma_start3A_241 = arith.constant 0 : i32
      %dma_start3A_242 = arith.constant 0 : i32
      %dma_start3A_243 = tpu.memref_slice %arg2[%dma_start3A_241, %dma_start3A_242] : memref<10000x128xf32, #tpu.memory_space<hbm>> -> memref<10000x128xf32, #tpu.memory_space<hbm>>
      tpu.enqueue_indirect_dma source(%dma_start3A_243 : memref<10000x128xf32, #tpu.memory_space<hbm>>) target(%arg9 : memref<125x128xf32, #tpu.memory_space<vmem>>) offsets(%dma_start3A_240 : memref<125xi32, #tpu.memory_space<vmem>>) semaphore(%arg12 : memref<!tpu.dma_semaphore, #tpu.memory_space<semaphore_mem>>)
      %dma_wait3A_244 = arith.constant 11 : i32
      %dma_wait3A_245 = arith.constant 0 : i32
      %dma_wait3A_246 = tpu.memref_slice %arg7[%dma_wait3A_244, %dma_wait3A_245] : memref<16x125xi32, #tpu.memory_space<vmem>> -> memref<1x125xi32, #tpu.memory_space<vmem>>
      %dma_wait3A_247 = tpu.memref_squeeze %dma_wait3A_246 : memref<1x125xi32, #tpu.memory_space<vmem>> -> memref<125xi32, #tpu.memory_space<vmem>>
      %dma_wait3A_248 = arith.constant 0 : i32
      %dma_wait3A_249 = arith.constant 0 : i32
      %dma_wait3A_250 = tpu.memref_slice %arg2[%dma_wait3A_248, %dma_wait3A_249] : memref<10000x128xf32, #tpu.memory_space<hbm>> -> memref<10000x128xf32, #tpu.memory_space<hbm>>
      tpu.wait_indirect_dma semaphore(%arg13 : memref<!tpu.dma_semaphore, #tpu.memory_space<semaphore_mem>>) src(%dma_wait3A_250 : memref<10000x128xf32, #tpu.memory_space<hbm>>) dst(%arg10 : memref<125x128xf32, #tpu.memory_space<vmem>>)
      "tpu.region"() ({
        %run_scoped3A = tpu.sem_alloc : memref<!tpu.dma_semaphore, #tpu.memory_space<semaphore_mem>>
        %dma_start3A_316 = arith.constant 0 : i32
        %dma_start3A_317 = tpu.memref_slice %arg8[%add3A_236, %dma_start3A_316] : memref<80x125xi32, #tpu.memory_space<vmem>> -> memref<1x125xi32, #tpu.memory_space<vmem>>
        %dma_start3A_318 = tpu.memref_squeeze %dma_start3A_317 : memref<1x125xi32, #tpu.memory_space<vmem>> -> memref<125xi32, #tpu.memory_space<vmem>>
        %dma_start3A_319 = arith.constant 0 : i32
        %dma_start3A_320 = arith.constant 0 : i32
        %dma_start3A_321 = tpu.memref_slice %arg11[%dma_start3A_319, %dma_start3A_320] : memref<10000x128xf32, #tpu.memory_space<vmem_shared>> -> memref<10000x128xf32, #tpu.memory_space<vmem_shared>>
        tpu.enqueue_indirect_dma source(%arg10 : memref<125x128xf32, #tpu.memory_space<vmem>>) target(%dma_start3A_321 : memref<10000x128xf32, #tpu.memory_space<vmem_shared>>) offsets(%dma_start3A_318 : memref<125xi32, #tpu.memory_space<vmem>>) semaphore(%run_scoped3A : memref<!tpu.dma_semaphore, #tpu.memory_space<semaphore_mem>>) {add = true}
        %dma_wait3A_322 = arith.constant 0 : i32
        %dma_wait3A_323 = tpu.memref_slice %arg8[%add3A_236, %dma_wait3A_322] : memref<80x125xi32, #tpu.memory_space<vmem>> -> memref<1x125xi32, #tpu.memory_space<vmem>>
        %dma_wait3A_324 = tpu.memref_squeeze %dma_wait3A_323 : memref<1x125xi32, #tpu.memory_space<vmem>> -> memref<125xi32, #tpu.memory_space<vmem>>
        %dma_wait3A_325 = arith.constant 0 : i32
        %dma_wait3A_326 = arith.constant 0 : i32
        %dma_wait3A_327 = tpu.memref_slice %arg11[%dma_wait3A_325, %dma_wait3A_326] : memref<10000x128xf32, #tpu.memory_space<vmem_shared>> -> memref<10000x128xf32, #tpu.memory_space<vmem_shared>>
        tpu.wait_indirect_dma semaphore(%run_scoped3A : memref<!tpu.dma_semaphore, #tpu.memory_space<semaphore_mem>>) src(%arg10 : memref<125x128xf32, #tpu.memory_space<vmem>>) dst(%dma_wait3A_327 : memref<10000x128xf32, #tpu.memory_space<vmem_shared>>)
        tpu.yield
      }) : () -> ()
      %mul3A_251 = arith.constant 16 : i32
      %mul3A_252 = arith.muli %mul3A_251, %scan3A_24 : i32
      %add3A_253 = arith.constant 12 : i32
      %add3A_254 = arith.addi %mul3A_252, %add3A_253 : i32
      %dma_start3A_255 = arith.constant 13 : i32
      %dma_start3A_256 = arith.constant 0 : i32
      %dma_start3A_257 = tpu.memref_slice %arg7[%dma_start3A_255, %dma_start3A_256] : memref<16x125xi32, #tpu.memory_space<vmem>> -> memref<1x125xi32, #tpu.memory_space<vmem>>
      %dma_start3A_258 = tpu.memref_squeeze %dma_start3A_257 : memref<1x125xi32, #tpu.memory_space<vmem>> -> memref<125xi32, #tpu.memory_space<vmem>>
      %dma_start3A_259 = arith.constant 0 : i32
      %dma_start3A_260 = arith.constant 0 : i32
      %dma_start3A_261 = tpu.memref_slice %arg2[%dma_start3A_259, %dma_start3A_260] : memref<10000x128xf32, #tpu.memory_space<hbm>> -> memref<10000x128xf32, #tpu.memory_space<hbm>>
      tpu.enqueue_indirect_dma source(%dma_start3A_261 : memref<10000x128xf32, #tpu.memory_space<hbm>>) target(%arg10 : memref<125x128xf32, #tpu.memory_space<vmem>>) offsets(%dma_start3A_258 : memref<125xi32, #tpu.memory_space<vmem>>) semaphore(%arg13 : memref<!tpu.dma_semaphore, #tpu.memory_space<semaphore_mem>>)
      %dma_wait3A_262 = arith.constant 12 : i32
      %dma_wait3A_263 = arith.constant 0 : i32
      %dma_wait3A_264 = tpu.memref_slice %arg7[%dma_wait3A_262, %dma_wait3A_263] : memref<16x125xi32, #tpu.memory_space<vmem>> -> memref<1x125xi32, #tpu.memory_space<vmem>>
      %dma_wait3A_265 = tpu.memref_squeeze %dma_wait3A_264 : memref<1x125xi32, #tpu.memory_space<vmem>> -> memref<125xi32, #tpu.memory_space<vmem>>
      %dma_wait3A_266 = arith.constant 0 : i32
      %dma_wait3A_267 = arith.constant 0 : i32
      %dma_wait3A_268 = tpu.memref_slice %arg2[%dma_wait3A_266, %dma_wait3A_267] : memref<10000x128xf32, #tpu.memory_space<hbm>> -> memref<10000x128xf32, #tpu.memory_space<hbm>>
      tpu.wait_indirect_dma semaphore(%arg12 : memref<!tpu.dma_semaphore, #tpu.memory_space<semaphore_mem>>) src(%dma_wait3A_268 : memref<10000x128xf32, #tpu.memory_space<hbm>>) dst(%arg9 : memref<125x128xf32, #tpu.memory_space<vmem>>)
      "tpu.region"() ({
        %run_scoped3A = tpu.sem_alloc : memref<!tpu.dma_semaphore, #tpu.memory_space<semaphore_mem>>
        %dma_start3A_316 = arith.constant 0 : i32
        %dma_start3A_317 = tpu.memref_slice %arg8[%add3A_254, %dma_start3A_316] : memref<80x125xi32, #tpu.memory_space<vmem>> -> memref<1x125xi32, #tpu.memory_space<vmem>>
        %dma_start3A_318 = tpu.memref_squeeze %dma_start3A_317 : memref<1x125xi32, #tpu.memory_space<vmem>> -> memref<125xi32, #tpu.memory_space<vmem>>
        %dma_start3A_319 = arith.constant 0 : i32
        %dma_start3A_320 = arith.constant 0 : i32
        %dma_start3A_321 = tpu.memref_slice %arg11[%dma_start3A_319, %dma_start3A_320] : memref<10000x128xf32, #tpu.memory_space<vmem_shared>> -> memref<10000x128xf32, #tpu.memory_space<vmem_shared>>
        tpu.enqueue_indirect_dma source(%arg9 : memref<125x128xf32, #tpu.memory_space<vmem>>) target(%dma_start3A_321 : memref<10000x128xf32, #tpu.memory_space<vmem_shared>>) offsets(%dma_start3A_318 : memref<125xi32, #tpu.memory_space<vmem>>) semaphore(%run_scoped3A : memref<!tpu.dma_semaphore, #tpu.memory_space<semaphore_mem>>) {add = true}
        %dma_wait3A_322 = arith.constant 0 : i32
        %dma_wait3A_323 = tpu.memref_slice %arg8[%add3A_254, %dma_wait3A_322] : memref<80x125xi32, #tpu.memory_space<vmem>> -> memref<1x125xi32, #tpu.memory_space<vmem>>
        %dma_wait3A_324 = tpu.memref_squeeze %dma_wait3A_323 : memref<1x125xi32, #tpu.memory_space<vmem>> -> memref<125xi32, #tpu.memory_space<vmem>>
        %dma_wait3A_325 = arith.constant 0 : i32
        %dma_wait3A_326 = arith.constant 0 : i32
        %dma_wait3A_327 = tpu.memref_slice %arg11[%dma_wait3A_325, %dma_wait3A_326] : memref<10000x128xf32, #tpu.memory_space<vmem_shared>> -> memref<10000x128xf32, #tpu.memory_space<vmem_shared>>
        tpu.wait_indirect_dma semaphore(%run_scoped3A : memref<!tpu.dma_semaphore, #tpu.memory_space<semaphore_mem>>) src(%arg9 : memref<125x128xf32, #tpu.memory_space<vmem>>) dst(%dma_wait3A_327 : memref<10000x128xf32, #tpu.memory_space<vmem_shared>>)
        tpu.yield
      }) : () -> ()
      %mul3A_269 = arith.constant 16 : i32
      %mul3A_270 = arith.muli %mul3A_269, %scan3A_24 : i32
      %add3A_271 = arith.constant 13 : i32
      %add3A_272 = arith.addi %mul3A_270, %add3A_271 : i32
      %dma_start3A_273 = arith.constant 14 : i32
      %dma_start3A_274 = arith.constant 0 : i32
      %dma_start3A_275 = tpu.memref_slice %arg7[%dma_start3A_273, %dma_start3A_274] : memref<16x125xi32, #tpu.memory_space<vmem>> -> memref<1x125xi32, #tpu.memory_space<vmem>>
      %dma_start3A_276 = tpu.memref_squeeze %dma_start3A_275 : memref<1x125xi32, #tpu.memory_space<vmem>> -> memref<125xi32, #tpu.memory_space<vmem>>
      %dma_start3A_277 = arith.constant 0 : i32
      %dma_start3A_278 = arith.constant 0 : i32
      %dma_start3A_279 = tpu.memref_slice %arg2[%dma_start3A_277, %dma_start3A_278] : memref<10000x128xf32, #tpu.memory_space<hbm>> -> memref<10000x128xf32, #tpu.memory_space<hbm>>
      tpu.enqueue_indirect_dma source(%dma_start3A_279 : memref<10000x128xf32, #tpu.memory_space<hbm>>) target(%arg9 : memref<125x128xf32, #tpu.memory_space<vmem>>) offsets(%dma_start3A_276 : memref<125xi32, #tpu.memory_space<vmem>>) semaphore(%arg12 : memref<!tpu.dma_semaphore, #tpu.memory_space<semaphore_mem>>)
      %dma_wait3A_280 = arith.constant 13 : i32
      %dma_wait3A_281 = arith.constant 0 : i32
      %dma_wait3A_282 = tpu.memref_slice %arg7[%dma_wait3A_280, %dma_wait3A_281] : memref<16x125xi32, #tpu.memory_space<vmem>> -> memref<1x125xi32, #tpu.memory_space<vmem>>
      %dma_wait3A_283 = tpu.memref_squeeze %dma_wait3A_282 : memref<1x125xi32, #tpu.memory_space<vmem>> -> memref<125xi32, #tpu.memory_space<vmem>>
      %dma_wait3A_284 = arith.constant 0 : i32
      %dma_wait3A_285 = arith.constant 0 : i32
      %dma_wait3A_286 = tpu.memref_slice %arg2[%dma_wait3A_284, %dma_wait3A_285] : memref<10000x128xf32, #tpu.memory_space<hbm>> -> memref<10000x128xf32, #tpu.memory_space<hbm>>
      tpu.wait_indirect_dma semaphore(%arg13 : memref<!tpu.dma_semaphore, #tpu.memory_space<semaphore_mem>>) src(%dma_wait3A_286 : memref<10000x128xf32, #tpu.memory_space<hbm>>) dst(%arg10 : memref<125x128xf32, #tpu.memory_space<vmem>>)
      "tpu.region"() ({
        %run_scoped3A = tpu.sem_alloc : memref<!tpu.dma_semaphore, #tpu.memory_space<semaphore_mem>>
        %dma_start3A_316 = arith.constant 0 : i32
        %dma_start3A_317 = tpu.memref_slice %arg8[%add3A_272, %dma_start3A_316] : memref<80x125xi32, #tpu.memory_space<vmem>> -> memref<1x125xi32, #tpu.memory_space<vmem>>
        %dma_start3A_318 = tpu.memref_squeeze %dma_start3A_317 : memref<1x125xi32, #tpu.memory_space<vmem>> -> memref<125xi32, #tpu.memory_space<vmem>>
        %dma_start3A_319 = arith.constant 0 : i32
        %dma_start3A_320 = arith.constant 0 : i32
        %dma_start3A_321 = tpu.memref_slice %arg11[%dma_start3A_319, %dma_start3A_320] : memref<10000x128xf32, #tpu.memory_space<vmem_shared>> -> memref<10000x128xf32, #tpu.memory_space<vmem_shared>>
        tpu.enqueue_indirect_dma source(%arg10 : memref<125x128xf32, #tpu.memory_space<vmem>>) target(%dma_start3A_321 : memref<10000x128xf32, #tpu.memory_space<vmem_shared>>) offsets(%dma_start3A_318 : memref<125xi32, #tpu.memory_space<vmem>>) semaphore(%run_scoped3A : memref<!tpu.dma_semaphore, #tpu.memory_space<semaphore_mem>>) {add = true}
        %dma_wait3A_322 = arith.constant 0 : i32
        %dma_wait3A_323 = tpu.memref_slice %arg8[%add3A_272, %dma_wait3A_322] : memref<80x125xi32, #tpu.memory_space<vmem>> -> memref<1x125xi32, #tpu.memory_space<vmem>>
        %dma_wait3A_324 = tpu.memref_squeeze %dma_wait3A_323 : memref<1x125xi32, #tpu.memory_space<vmem>> -> memref<125xi32, #tpu.memory_space<vmem>>
        %dma_wait3A_325 = arith.constant 0 : i32
        %dma_wait3A_326 = arith.constant 0 : i32
        %dma_wait3A_327 = tpu.memref_slice %arg11[%dma_wait3A_325, %dma_wait3A_326] : memref<10000x128xf32, #tpu.memory_space<vmem_shared>> -> memref<10000x128xf32, #tpu.memory_space<vmem_shared>>
        tpu.wait_indirect_dma semaphore(%run_scoped3A : memref<!tpu.dma_semaphore, #tpu.memory_space<semaphore_mem>>) src(%arg10 : memref<125x128xf32, #tpu.memory_space<vmem>>) dst(%dma_wait3A_327 : memref<10000x128xf32, #tpu.memory_space<vmem_shared>>)
        tpu.yield
      }) : () -> ()
      %mul3A_287 = arith.constant 16 : i32
      %mul3A_288 = arith.muli %mul3A_287, %scan3A_24 : i32
      %add3A_289 = arith.constant 14 : i32
      %add3A_290 = arith.addi %mul3A_288, %add3A_289 : i32
      %dma_start3A_291 = arith.constant 15 : i32
      %dma_start3A_292 = arith.constant 0 : i32
      %dma_start3A_293 = tpu.memref_slice %arg7[%dma_start3A_291, %dma_start3A_292] : memref<16x125xi32, #tpu.memory_space<vmem>> -> memref<1x125xi32, #tpu.memory_space<vmem>>
      %dma_start3A_294 = tpu.memref_squeeze %dma_start3A_293 : memref<1x125xi32, #tpu.memory_space<vmem>> -> memref<125xi32, #tpu.memory_space<vmem>>
      %dma_start3A_295 = arith.constant 0 : i32
      %dma_start3A_296 = arith.constant 0 : i32
      %dma_start3A_297 = tpu.memref_slice %arg2[%dma_start3A_295, %dma_start3A_296] : memref<10000x128xf32, #tpu.memory_space<hbm>> -> memref<10000x128xf32, #tpu.memory_space<hbm>>
      tpu.enqueue_indirect_dma source(%dma_start3A_297 : memref<10000x128xf32, #tpu.memory_space<hbm>>) target(%arg10 : memref<125x128xf32, #tpu.memory_space<vmem>>) offsets(%dma_start3A_294 : memref<125xi32, #tpu.memory_space<vmem>>) semaphore(%arg13 : memref<!tpu.dma_semaphore, #tpu.memory_space<semaphore_mem>>)
      %dma_wait3A_298 = arith.constant 14 : i32
      %dma_wait3A_299 = arith.constant 0 : i32
      %dma_wait3A_300 = tpu.memref_slice %arg7[%dma_wait3A_298, %dma_wait3A_299] : memref<16x125xi32, #tpu.memory_space<vmem>> -> memref<1x125xi32, #tpu.memory_space<vmem>>
      %dma_wait3A_301 = tpu.memref_squeeze %dma_wait3A_300 : memref<1x125xi32, #tpu.memory_space<vmem>> -> memref<125xi32, #tpu.memory_space<vmem>>
      %dma_wait3A_302 = arith.constant 0 : i32
      %dma_wait3A_303 = arith.constant 0 : i32
      %dma_wait3A_304 = tpu.memref_slice %arg2[%dma_wait3A_302, %dma_wait3A_303] : memref<10000x128xf32, #tpu.memory_space<hbm>> -> memref<10000x128xf32, #tpu.memory_space<hbm>>
      tpu.wait_indirect_dma semaphore(%arg12 : memref<!tpu.dma_semaphore, #tpu.memory_space<semaphore_mem>>) src(%dma_wait3A_304 : memref<10000x128xf32, #tpu.memory_space<hbm>>) dst(%arg9 : memref<125x128xf32, #tpu.memory_space<vmem>>)
      "tpu.region"() ({
        %run_scoped3A = tpu.sem_alloc : memref<!tpu.dma_semaphore, #tpu.memory_space<semaphore_mem>>
        %dma_start3A_316 = arith.constant 0 : i32
        %dma_start3A_317 = tpu.memref_slice %arg8[%add3A_290, %dma_start3A_316] : memref<80x125xi32, #tpu.memory_space<vmem>> -> memref<1x125xi32, #tpu.memory_space<vmem>>
        %dma_start3A_318 = tpu.memref_squeeze %dma_start3A_317 : memref<1x125xi32, #tpu.memory_space<vmem>> -> memref<125xi32, #tpu.memory_space<vmem>>
        %dma_start3A_319 = arith.constant 0 : i32
        %dma_start3A_320 = arith.constant 0 : i32
        %dma_start3A_321 = tpu.memref_slice %arg11[%dma_start3A_319, %dma_start3A_320] : memref<10000x128xf32, #tpu.memory_space<vmem_shared>> -> memref<10000x128xf32, #tpu.memory_space<vmem_shared>>
        tpu.enqueue_indirect_dma source(%arg9 : memref<125x128xf32, #tpu.memory_space<vmem>>) target(%dma_start3A_321 : memref<10000x128xf32, #tpu.memory_space<vmem_shared>>) offsets(%dma_start3A_318 : memref<125xi32, #tpu.memory_space<vmem>>) semaphore(%run_scoped3A : memref<!tpu.dma_semaphore, #tpu.memory_space<semaphore_mem>>) {add = true}
        %dma_wait3A_322 = arith.constant 0 : i32
        %dma_wait3A_323 = tpu.memref_slice %arg8[%add3A_290, %dma_wait3A_322] : memref<80x125xi32, #tpu.memory_space<vmem>> -> memref<1x125xi32, #tpu.memory_space<vmem>>
        %dma_wait3A_324 = tpu.memref_squeeze %dma_wait3A_323 : memref<1x125xi32, #tpu.memory_space<vmem>> -> memref<125xi32, #tpu.memory_space<vmem>>
        %dma_wait3A_325 = arith.constant 0 : i32
        %dma_wait3A_326 = arith.constant 0 : i32
        %dma_wait3A_327 = tpu.memref_slice %arg11[%dma_wait3A_325, %dma_wait3A_326] : memref<10000x128xf32, #tpu.memory_space<vmem_shared>> -> memref<10000x128xf32, #tpu.memory_space<vmem_shared>>
        tpu.wait_indirect_dma semaphore(%run_scoped3A : memref<!tpu.dma_semaphore, #tpu.memory_space<semaphore_mem>>) src(%arg9 : memref<125x128xf32, #tpu.memory_space<vmem>>) dst(%dma_wait3A_327 : memref<10000x128xf32, #tpu.memory_space<vmem_shared>>)
        tpu.yield
      }) : () -> ()
      %mul3A_305 = arith.constant 16 : i32
      %mul3A_306 = arith.muli %mul3A_305, %scan3A_24 : i32
      %add3A_307 = arith.constant 15 : i32
      %add3A_308 = arith.addi %mul3A_306, %add3A_307 : i32
      %dma_wait3A_309 = arith.constant 15 : i32
      %dma_wait3A_310 = arith.constant 0 : i32
      %dma_wait3A_311 = tpu.memref_slice %arg7[%dma_wait3A_309, %dma_wait3A_310] : memref<16x125xi32, #tpu.memory_space<vmem>> -> memref<1x125xi32, #tpu.memory_space<vmem>>
      %dma_wait3A_312 = tpu.memref_squeeze %dma_wait3A_311 : memref<1x125xi32, #tpu.memory_space<vmem>> -> memref<125xi32, #tpu.memory_space<vmem>>
      %dma_wait3A_313 = arith.constant 0 : i32
      %dma_wait3A_314 = arith.constant 0 : i32
      %dma_wait3A_315 = tpu.memref_slice %arg2[%dma_wait3A_313, %dma_wait3A_314] : memref<10000x128xf32, #tpu.memory_space<hbm>> -> memref<10000x128xf32, #tpu.memory_space<hbm>>
      tpu.wait_indirect_dma semaphore(%arg13 : memref<!tpu.dma_semaphore, #tpu.memory_space<semaphore_mem>>) src(%dma_wait3A_315 : memref<10000x128xf32, #tpu.memory_space<hbm>>) dst(%arg10 : memref<125x128xf32, #tpu.memory_space<vmem>>)
      "tpu.region"() ({
        %run_scoped3A = tpu.sem_alloc : memref<!tpu.dma_semaphore, #tpu.memory_space<semaphore_mem>>
        %dma_start3A_316 = arith.constant 0 : i32
        %dma_start3A_317 = tpu.memref_slice %arg8[%add3A_308, %dma_start3A_316] : memref<80x125xi32, #tpu.memory_space<vmem>> -> memref<1x125xi32, #tpu.memory_space<vmem>>
        %dma_start3A_318 = tpu.memref_squeeze %dma_start3A_317 : memref<1x125xi32, #tpu.memory_space<vmem>> -> memref<125xi32, #tpu.memory_space<vmem>>
        %dma_start3A_319 = arith.constant 0 : i32
        %dma_start3A_320 = arith.constant 0 : i32
        %dma_start3A_321 = tpu.memref_slice %arg11[%dma_start3A_319, %dma_start3A_320] : memref<10000x128xf32, #tpu.memory_space<vmem_shared>> -> memref<10000x128xf32, #tpu.memory_space<vmem_shared>>
        tpu.enqueue_indirect_dma source(%arg10 : memref<125x128xf32, #tpu.memory_space<vmem>>) target(%dma_start3A_321 : memref<10000x128xf32, #tpu.memory_space<vmem_shared>>) offsets(%dma_start3A_318 : memref<125xi32, #tpu.memory_space<vmem>>) semaphore(%run_scoped3A : memref<!tpu.dma_semaphore, #tpu.memory_space<semaphore_mem>>) {add = true}
        %dma_wait3A_322 = arith.constant 0 : i32
        %dma_wait3A_323 = tpu.memref_slice %arg8[%add3A_308, %dma_wait3A_322] : memref<80x125xi32, #tpu.memory_space<vmem>> -> memref<1x125xi32, #tpu.memory_space<vmem>>
        %dma_wait3A_324 = tpu.memref_squeeze %dma_wait3A_323 : memref<1x125xi32, #tpu.memory_space<vmem>> -> memref<125xi32, #tpu.memory_space<vmem>>
        %dma_wait3A_325 = arith.constant 0 : i32
        %dma_wait3A_326 = arith.constant 0 : i32
        %dma_wait3A_327 = tpu.memref_slice %arg11[%dma_wait3A_325, %dma_wait3A_326] : memref<10000x128xf32, #tpu.memory_space<vmem_shared>> -> memref<10000x128xf32, #tpu.memory_space<vmem_shared>>
        tpu.wait_indirect_dma semaphore(%run_scoped3A : memref<!tpu.dma_semaphore, #tpu.memory_space<semaphore_mem>>) src(%arg10 : memref<125x128xf32, #tpu.memory_space<vmem>>) dst(%dma_wait3A_327 : memref<10000x128xf32, #tpu.memory_space<vmem_shared>>)
        tpu.yield
      }) : () -> ()
    }
    %scan3A_13 = arith.constant 5 : i32
    %barrier3A_14 = arith.constant 0 : index
    tpu.barrier barrier_id(%barrier3A_14)
    %mul3A_15 = arith.constant 624 : i32
    %mul3A_16 = arith.muli %arg1, %mul3A_15 : i32
    %mul3A_17 = arith.constant 624 : i32
    %mul3A_18 = arith.muli %arg1, %mul3A_17 : i32
    "tpu.region"() ({
      %run_scoped3A = tpu.sem_alloc : memref<!tpu.dma_semaphore, #tpu.memory_space<semaphore_mem>>
      %dma_start3A = arith.constant 0 : i32
      %dma_start3A_24 = tpu.memref_slice %arg6[%arg0, %mul3A_18, %dma_start3A] : memref<2x10000x128xf32, #tpu.memory_space<hbm>> -> memref<1x624x128xf32, #tpu.memory_space<hbm>>
      %dma_start3A_25 = tpu.memref_squeeze %dma_start3A_24 : memref<1x624x128xf32, #tpu.memory_space<hbm>> -> memref<624x128xf32, #tpu.memory_space<hbm>>
      %dma_start3A_26 = arith.constant 0 : i32
      %dma_start3A_27 = tpu.memref_slice %arg11[%mul3A_16, %dma_start3A_26] : memref<10000x128xf32, #tpu.memory_space<vmem_shared>> -> memref<624x128xf32, #tpu.memory_space<vmem_shared>>
      tpu.enqueue_dma source(%dma_start3A_27 : memref<624x128xf32, #tpu.memory_space<vmem_shared>>) target(%dma_start3A_25 : memref<624x128xf32, #tpu.memory_space<hbm>>) target_semaphore(%run_scoped3A : memref<!tpu.dma_semaphore, #tpu.memory_space<semaphore_mem>>)
      %dma_wait3A = arith.constant 0 : i32
      %dma_wait3A_28 = tpu.memref_slice %arg6[%arg0, %mul3A_18, %dma_wait3A] : memref<2x10000x128xf32, #tpu.memory_space<hbm>> -> memref<1x624x128xf32, #tpu.memory_space<hbm>>
      %dma_wait3A_29 = tpu.memref_squeeze %dma_wait3A_28 : memref<1x624x128xf32, #tpu.memory_space<hbm>> -> memref<624x128xf32, #tpu.memory_space<hbm>>
      %dma_wait3A_30 = arith.constant 0 : i32
      %dma_wait3A_31 = tpu.memref_slice %arg11[%mul3A_16, %dma_wait3A_30] : memref<10000x128xf32, #tpu.memory_space<vmem_shared>> -> memref<624x128xf32, #tpu.memory_space<vmem_shared>>
      tpu.wait_dma2 semaphore(%run_scoped3A : memref<!tpu.dma_semaphore, #tpu.memory_space<semaphore_mem>>) src(%dma_wait3A_31 : memref<624x128xf32, #tpu.memory_space<vmem_shared>>) dst(%dma_wait3A_29 : memref<624x128xf32, #tpu.memory_space<hbm>>)
      tpu.yield
    }) : () -> ()
    %eq3A_19 = arith.constant 15 : i32
    %eq3A_20 = arith.cmpi eq, %arg1, %eq3A_19 : i32
    %convert_element_type3A_21 = arith.extui %eq3A_20 : i1 to i32
    %cond3A_22 = arith.constant 0 : i32
    %cond3A_23 = arith.cmpi ne, %convert_element_type3A_21, %cond3A_22 : i32
    scf.if %cond3A_23 {
      "tpu.region"() ({
        %run_scoped3A = tpu.sem_alloc : memref<!tpu.dma_semaphore, #tpu.memory_space<semaphore_mem>>
        %dma_start3A = arith.constant 9984 : i32
        %dma_start3A_24 = arith.constant 0 : i32
        %dma_start3A_25 = tpu.memref_slice %arg6[%arg0, %dma_start3A, %dma_start3A_24] : memref<2x10000x128xf32, #tpu.memory_space<hbm>> -> memref<1x16x128xf32, #tpu.memory_space<hbm>>
        %dma_start3A_26 = tpu.memref_squeeze %dma_start3A_25 : memref<1x16x128xf32, #tpu.memory_space<hbm>> -> memref<16x128xf32, #tpu.memory_space<hbm>>
        %dma_start3A_27 = arith.constant 9984 : i32
        %dma_start3A_28 = arith.constant 0 : i32
        %dma_start3A_29 = tpu.memref_slice %arg11[%dma_start3A_27, %dma_start3A_28] : memref<10000x128xf32, #tpu.memory_space<vmem_shared>> -> memref<16x128xf32, #tpu.memory_space<vmem_shared>>
        tpu.enqueue_dma source(%dma_start3A_29 : memref<16x128xf32, #tpu.memory_space<vmem_shared>>) target(%dma_start3A_26 : memref<16x128xf32, #tpu.memory_space<hbm>>) target_semaphore(%run_scoped3A : memref<!tpu.dma_semaphore, #tpu.memory_space<semaphore_mem>>)
        %dma_wait3A = arith.constant 9984 : i32
        %dma_wait3A_30 = arith.constant 0 : i32
        %dma_wait3A_31 = tpu.memref_slice %arg6[%arg0, %dma_wait3A, %dma_wait3A_30] : memref<2x10000x128xf32, #tpu.memory_space<hbm>> -> memref<1x16x128xf32, #tpu.memory_space<hbm>>
        %dma_wait3A_32 = tpu.memref_squeeze %dma_wait3A_31 : memref<1x16x128xf32, #tpu.memory_space<hbm>> -> memref<16x128xf32, #tpu.memory_space<hbm>>
        %dma_wait3A_33 = arith.constant 9984 : i32
        %dma_wait3A_34 = arith.constant 0 : i32
        %dma_wait3A_35 = tpu.memref_slice %arg11[%dma_wait3A_33, %dma_wait3A_34] : memref<10000x128xf32, #tpu.memory_space<vmem_shared>> -> memref<16x128xf32, #tpu.memory_space<vmem_shared>>
        tpu.wait_dma2 semaphore(%run_scoped3A : memref<!tpu.dma_semaphore, #tpu.memory_space<semaphore_mem>>) src(%dma_wait3A_35 : memref<16x128xf32, #tpu.memory_space<vmem_shared>>) dst(%dma_wait3A_32 : memref<16x128xf32, #tpu.memory_space<hbm>>)
        tpu.yield
      }) : () -> ()
    } else {
    }
    return
  }
}

#map = affine_map<(d0, d1) -> (0, 0)>
#map1 = affine_map<(d0, d1) -> (0)>
module attributes {stable_mosaic.version = 14 : i64} {
  func.func @_deg_body(%arg0: i32, %arg1: i32, %arg2: memref<2560x128xi32, #tpu.memory_space<hbm>>, %arg3: memref<20480xf32, #tpu.memory_space<hbm>>, %arg4: memref<80x128xi32, #tpu.memory_space<vmem>>, %arg5: memref<128xf32, #tpu.memory_space<vmem>>, %arg6: memref<640xf32, #tpu.memory_space<vmem>>, %arg7: memref<10240xf32, #tpu.memory_space<vmem_shared>>) attributes {dimension_semantics = [#tpu.dimension_semantics<core_parallel>, #tpu.dimension_semantics<subcore_parallel>], iteration_bounds = array<i64: 2, 16>, scalar_prefetch = 0 : i64, scratch_operands = 4 : i64, tpu.core_type = #tpu.core_type<sc_vector_subcore>, window_params = [{transform_indices = #map}, {transform_indices = #map1}]} {
    %mul3A = arith.constant 16 : i32
    %mul3A_0 = arith.muli %arg0, %mul3A : i32
    %add3A = arith.addi %mul3A_0, %arg1 : i32
    %mul3A_1 = arith.constant 80 : i32
    %mul3A_2 = arith.muli %add3A, %mul3A_1 : i32
    "tpu.region"() ({
      %run_scoped3A = tpu.sem_alloc : memref<!tpu.dma_semaphore, #tpu.memory_space<semaphore_mem>>
      %dma_start3A = arith.constant 0 : i32
      %dma_start3A_58 = tpu.memref_slice %arg2[%mul3A_2, %dma_start3A] : memref<2560x128xi32, #tpu.memory_space<hbm>> -> memref<80x128xi32, #tpu.memory_space<hbm>>
      %dma_start3A_59 = arith.constant 0 : i32
      %dma_start3A_60 = tpu.memref_slice %arg2[%mul3A_2, %dma_start3A_59] : memref<2560x128xi32, #tpu.memory_space<hbm>> -> memref<80x128xi32, #tpu.memory_space<hbm>>
      tpu.enqueue_dma source(%dma_start3A_60 : memref<80x128xi32, #tpu.memory_space<hbm>>) target(%arg4 : memref<80x128xi32, #tpu.memory_space<vmem>>) target_semaphore(%run_scoped3A : memref<!tpu.dma_semaphore, #tpu.memory_space<semaphore_mem>>)
      %dma_wait3A = arith.constant 0 : i32
      %dma_wait3A_61 = tpu.memref_slice %arg2[%mul3A_2, %dma_wait3A] : memref<2560x128xi32, #tpu.memory_space<hbm>> -> memref<80x128xi32, #tpu.memory_space<hbm>>
      %dma_wait3A_62 = arith.constant 0 : i32
      %dma_wait3A_63 = tpu.memref_slice %arg2[%mul3A_2, %dma_wait3A_62] : memref<2560x128xi32, #tpu.memory_space<hbm>> -> memref<80x128xi32, #tpu.memory_space<hbm>>
      tpu.wait_dma2 semaphore(%run_scoped3A : memref<!tpu.dma_semaphore, #tpu.memory_space<semaphore_mem>>) src(%dma_wait3A_63 : memref<80x128xi32, #tpu.memory_space<hbm>>) dst(%arg4 : memref<80x128xi32, #tpu.memory_space<vmem>>)
      tpu.yield
    }) : () -> ()
    %broadcast_in_dim3A = arith.constant 0.000000e+00 : f32
    %broadcast_in_dim3A_3 = vector.broadcast %broadcast_in_dim3A : f32 to vector<16xf32>
    %broadcast_in_dim3A_4 = arith.constant 1.000000e+00 : f32
    %broadcast_in_dim3A_5 = vector.broadcast %broadcast_in_dim3A_4 : f32 to vector<16xf32>
    %swap3A = arith.constant 0 : index
    %swap3A_6 = tpu.vector_load %arg5[%swap3A] {strides = array<i32>} : memref<128xf32, #tpu.memory_space<vmem>>, vector<16xf32>,
    %swap3A_7 = vector.shape_cast %swap3A_6 : vector<16xf32> to vector<16xf32>
    %swap3A_8 = vector.shape_cast %broadcast_in_dim3A_5 : vector<16xf32> to vector<16xf32>
    tpu.vector_store %arg5[%swap3A], %swap3A_8 {strides = array<i32>} : memref<128xf32, #tpu.memory_space<vmem>>, vector<16xf32>,
    %swap3A_9 = arith.constant 16 : index
    %swap3A_10 = tpu.vector_load %arg5[%swap3A_9] {strides = array<i32>} : memref<128xf32, #tpu.memory_space<vmem>>, vector<16xf32>,
    %swap3A_11 = vector.shape_cast %swap3A_10 : vector<16xf32> to vector<16xf32>
    %swap3A_12 = vector.shape_cast %broadcast_in_dim3A_5 : vector<16xf32> to vector<16xf32>
    tpu.vector_store %arg5[%swap3A_9], %swap3A_12 {strides = array<i32>} : memref<128xf32, #tpu.memory_space<vmem>>, vector<16xf32>,
    %swap3A_13 = arith.constant 32 : index
    %swap3A_14 = tpu.vector_load %arg5[%swap3A_13] {strides = array<i32>} : memref<128xf32, #tpu.memory_space<vmem>>, vector<16xf32>,
    %swap3A_15 = vector.shape_cast %swap3A_14 : vector<16xf32> to vector<16xf32>
    %swap3A_16 = vector.shape_cast %broadcast_in_dim3A_5 : vector<16xf32> to vector<16xf32>
    tpu.vector_store %arg5[%swap3A_13], %swap3A_16 {strides = array<i32>} : memref<128xf32, #tpu.memory_space<vmem>>, vector<16xf32>,
    %swap3A_17 = arith.constant 48 : index
    %swap3A_18 = tpu.vector_load %arg5[%swap3A_17] {strides = array<i32>} : memref<128xf32, #tpu.memory_space<vmem>>, vector<16xf32>,
    %swap3A_19 = vector.shape_cast %swap3A_18 : vector<16xf32> to vector<16xf32>
    %swap3A_20 = vector.shape_cast %broadcast_in_dim3A_5 : vector<16xf32> to vector<16xf32>
    tpu.vector_store %arg5[%swap3A_17], %swap3A_20 {strides = array<i32>} : memref<128xf32, #tpu.memory_space<vmem>>, vector<16xf32>,
    %swap3A_21 = arith.constant 64 : index
    %swap3A_22 = tpu.vector_load %arg5[%swap3A_21] {strides = array<i32>} : memref<128xf32, #tpu.memory_space<vmem>>, vector<16xf32>,
    %swap3A_23 = vector.shape_cast %swap3A_22 : vector<16xf32> to vector<16xf32>
    %swap3A_24 = vector.shape_cast %broadcast_in_dim3A_5 : vector<16xf32> to vector<16xf32>
    tpu.vector_store %arg5[%swap3A_21], %swap3A_24 {strides = array<i32>} : memref<128xf32, #tpu.memory_space<vmem>>, vector<16xf32>,
    %swap3A_25 = arith.constant 80 : index
    %swap3A_26 = tpu.vector_load %arg5[%swap3A_25] {strides = array<i32>} : memref<128xf32, #tpu.memory_space<vmem>>, vector<16xf32>,
    %swap3A_27 = vector.shape_cast %swap3A_26 : vector<16xf32> to vector<16xf32>
    %swap3A_28 = vector.shape_cast %broadcast_in_dim3A_5 : vector<16xf32> to vector<16xf32>
    tpu.vector_store %arg5[%swap3A_25], %swap3A_28 {strides = array<i32>} : memref<128xf32, #tpu.memory_space<vmem>>, vector<16xf32>,
    %swap3A_29 = arith.constant 96 : index
    %swap3A_30 = tpu.vector_load %arg5[%swap3A_29] {strides = array<i32>} : memref<128xf32, #tpu.memory_space<vmem>>, vector<16xf32>,
    %swap3A_31 = vector.shape_cast %swap3A_30 : vector<16xf32> to vector<16xf32>
    %swap3A_32 = vector.shape_cast %broadcast_in_dim3A_5 : vector<16xf32> to vector<16xf32>
    tpu.vector_store %arg5[%swap3A_29], %swap3A_32 {strides = array<i32>} : memref<128xf32, #tpu.memory_space<vmem>>, vector<16xf32>,
    %swap3A_33 = arith.constant 112 : index
    %swap3A_34 = tpu.vector_load %arg5[%swap3A_33] {strides = array<i32>} : memref<128xf32, #tpu.memory_space<vmem>>, vector<16xf32>,
    %swap3A_35 = vector.shape_cast %swap3A_34 : vector<16xf32> to vector<16xf32>
    %swap3A_36 = vector.shape_cast %broadcast_in_dim3A_5 : vector<16xf32> to vector<16xf32>
    tpu.vector_store %arg5[%swap3A_33], %swap3A_36 {strides = array<i32>} : memref<128xf32, #tpu.memory_space<vmem>>, vector<16xf32>,
    %scan3A = arith.constant 0 : i32
    %scan3A_37 = arith.constant 0 : i32
    %scan3A_38 = arith.constant 40 : i32
    %scan3A_39 = arith.addi %scan3A_37, %scan3A_38 : i32
    %scan3A_40 = arith.constant 1 : i32
    scf.for %scan3A_58 = %scan3A_37 to %scan3A_39 step %scan3A_40  : i32 {
      %mul3A_59 = arith.constant 16 : i32
      %mul3A_60 = arith.muli %scan3A_58, %mul3A_59 : i32
      %swap3A_61 = arith.index_cast %mul3A_60 : i32 to index
      %swap3A_62 = tpu.vector_load %arg6[%swap3A_61] {strides = array<i32>} : memref<640xf32, #tpu.memory_space<vmem>>, vector<16xf32>,
      %swap3A_63 = vector.shape_cast %swap3A_62 : vector<16xf32> to vector<16xf32>
      %swap3A_64 = vector.shape_cast %broadcast_in_dim3A_3 : vector<16xf32> to vector<16xf32>
      tpu.vector_store %arg6[%swap3A_61], %swap3A_64 {strides = array<i32>} : memref<640xf32, #tpu.memory_space<vmem>>, vector<16xf32>,
    }
    %scan3A_41 = arith.constant 40 : i32
    %mul3A_42 = arith.constant 640 : i32
    %mul3A_43 = arith.muli %arg1, %mul3A_42 : i32
    "tpu.region"() ({
      %run_scoped3A = tpu.sem_alloc : memref<!tpu.dma_semaphore, #tpu.memory_space<semaphore_mem>>
      %dma_start3A = tpu.memref_slice %arg7[%mul3A_43] : memref<10240xf32, #tpu.memory_space<vmem_shared>> -> memref<640xf32, #tpu.memory_space<vmem_shared>>
      %dma_start3A_58 = tpu.memref_slice %arg7[%mul3A_43] : memref<10240xf32, #tpu.memory_space<vmem_shared>> -> memref<640xf32, #tpu.memory_space<vmem_shared>>
      tpu.enqueue_dma source(%arg6 : memref<640xf32, #tpu.memory_space<vmem>>) target(%dma_start3A_58 : memref<640xf32, #tpu.memory_space<vmem_shared>>) target_semaphore(%run_scoped3A : memref<!tpu.dma_semaphore, #tpu.memory_space<semaphore_mem>>)
      %dma_wait3A = tpu.memref_slice %arg7[%mul3A_43] : memref<10240xf32, #tpu.memory_space<vmem_shared>> -> memref<640xf32, #tpu.memory_space<vmem_shared>>
      %dma_wait3A_59 = tpu.memref_slice %arg7[%mul3A_43] : memref<10240xf32, #tpu.memory_space<vmem_shared>> -> memref<640xf32, #tpu.memory_space<vmem_shared>>
      tpu.wait_dma2 semaphore(%run_scoped3A : memref<!tpu.dma_semaphore, #tpu.memory_space<semaphore_mem>>) src(%arg6 : memref<640xf32, #tpu.memory_space<vmem>>) dst(%dma_wait3A_59 : memref<640xf32, #tpu.memory_space<vmem_shared>>)
      tpu.yield
    }) : () -> ()
    %barrier3A = arith.constant 0 : index
    tpu.barrier barrier_id(%barrier3A)
    %scan3A_44 = arith.constant 0 : i32
    %scan3A_45 = arith.constant 0 : i32
    %scan3A_46 = arith.constant 80 : i32
    %scan3A_47 = arith.addi %scan3A_45, %scan3A_46 : i32
    %scan3A_48 = arith.constant 1 : i32
    scf.for %scan3A_58 = %scan3A_45 to %scan3A_47 step %scan3A_48  : i32 {
      "tpu.region"() ({
        %run_scoped3A = tpu.sem_alloc : memref<!tpu.dma_semaphore, #tpu.memory_space<semaphore_mem>>
        %dma_start3A = arith.constant 0 : i32
        %dma_start3A_59 = tpu.memref_slice %arg4[%scan3A_58, %dma_start3A] : memref<80x128xi32, #tpu.memory_space<vmem>> -> memref<1x128xi32, #tpu.memory_space<vmem>>
        %dma_start3A_60 = tpu.memref_squeeze %dma_start3A_59 : memref<1x128xi32, #tpu.memory_space<vmem>> -> memref<128xi32, #tpu.memory_space<vmem>>
        %dma_start3A_61 = arith.constant 0 : i32
        %dma_start3A_62 = tpu.memref_slice %arg7[%dma_start3A_61] : memref<10240xf32, #tpu.memory_space<vmem_shared>> -> memref<10240xf32, #tpu.memory_space<vmem_shared>>
        tpu.enqueue_indirect_dma source(%arg5 : memref<128xf32, #tpu.memory_space<vmem>>) target(%dma_start3A_62 : memref<10240xf32, #tpu.memory_space<vmem_shared>>) offsets(%dma_start3A_60 : memref<128xi32, #tpu.memory_space<vmem>>) semaphore(%run_scoped3A : memref<!tpu.dma_semaphore, #tpu.memory_space<semaphore_mem>>) {add = true}
        %dma_wait3A = arith.constant 0 : i32
        %dma_wait3A_63 = tpu.memref_slice %arg4[%scan3A_58, %dma_wait3A] : memref<80x128xi32, #tpu.memory_space<vmem>> -> memref<1x128xi32, #tpu.memory_space<vmem>>
        %dma_wait3A_64 = tpu.memref_squeeze %dma_wait3A_63 : memref<1x128xi32, #tpu.memory_space<vmem>> -> memref<128xi32, #tpu.memory_space<vmem>>
        %dma_wait3A_65 = arith.constant 0 : i32
        %dma_wait3A_66 = tpu.memref_slice %arg7[%dma_wait3A_65] : memref<10240xf32, #tpu.memory_space<vmem_shared>> -> memref<10240xf32, #tpu.memory_space<vmem_shared>>
        tpu.wait_indirect_dma semaphore(%run_scoped3A : memref<!tpu.dma_semaphore, #tpu.memory_space<semaphore_mem>>) src(%arg5 : memref<128xf32, #tpu.memory_space<vmem>>) dst(%dma_wait3A_66 : memref<10240xf32, #tpu.memory_space<vmem_shared>>)
        tpu.yield
      }) : () -> ()
    }
    %scan3A_49 = arith.constant 80 : i32
    %barrier3A_50 = arith.constant 0 : index
    tpu.barrier barrier_id(%barrier3A_50)
    %mul3A_51 = arith.constant 640 : i32
    %mul3A_52 = arith.muli %arg1, %mul3A_51 : i32
    %mul3A_53 = arith.constant 10240 : i32
    %mul3A_54 = arith.muli %arg0, %mul3A_53 : i32
    %mul3A_55 = arith.constant 640 : i32
    %mul3A_56 = arith.muli %arg1, %mul3A_55 : i32
    %add3A_57 = arith.addi %mul3A_54, %mul3A_56 : i32
    "tpu.region"() ({
      %run_scoped3A = tpu.sem_alloc : memref<!tpu.dma_semaphore, #tpu.memory_space<semaphore_mem>>
      %dma_start3A = tpu.memref_slice %arg3[%add3A_57] : memref<20480xf32, #tpu.memory_space<hbm>> -> memref<640xf32, #tpu.memory_space<hbm>>
      %dma_start3A_58 = tpu.memref_slice %arg7[%mul3A_52] : memref<10240xf32, #tpu.memory_space<vmem_shared>> -> memref<640xf32, #tpu.memory_space<vmem_shared>>
      tpu.enqueue_dma source(%dma_start3A_58 : memref<640xf32, #tpu.memory_space<vmem_shared>>) target(%dma_start3A : memref<640xf32, #tpu.memory_space<hbm>>) target_semaphore(%run_scoped3A : memref<!tpu.dma_semaphore, #tpu.memory_space<semaphore_mem>>)
      %dma_wait3A = tpu.memref_slice %arg3[%add3A_57] : memref<20480xf32, #tpu.memory_space<hbm>> -> memref<640xf32, #tpu.memory_space<hbm>>
      %dma_wait3A_59 = tpu.memref_slice %arg7[%mul3A_52] : memref<10240xf32, #tpu.memory_space<vmem_shared>> -> memref<640xf32, #tpu.memory_space<vmem_shared>>
      tpu.wait_dma2 semaphore(%run_scoped3A : memref<!tpu.dma_semaphore, #tpu.memory_space<semaphore_mem>>) src(%dma_wait3A_59 : memref<640xf32, #tpu.memory_space<vmem_shared>>) dst(%dma_wait3A : memref<640xf32, #tpu.memory_space<hbm>>)
      tpu.yield
    }) : () -> ()
    return
  }
}

#map = affine_map<(d0, d1) -> (0, 0)>
#map1 = affine_map<(d0, d1) -> (0, 0, 0)>
module attributes {stable_mosaic.version = 14 : i64} {
  func.func @_agg_body(%arg0: i32, %arg1: i32, %arg2: memref<10000x128xf32, #tpu.memory_space<hbm>>, %arg3: memref<2560x125xi32, #tpu.memory_space<hbm>>, %arg4: memref<2560x125xi32, #tpu.memory_space<hbm>>, %arg5: memref<10000x128xf32, #tpu.memory_space<hbm>>, %arg6: memref<2x10000x128xf32, #tpu.memory_space<hbm>>, %arg7: memref<16x125xi32, #tpu.memory_space<vmem>>, %arg8: memref<80x125xi32, #tpu.memory_space<vmem>>, %arg9: memref<125x128xf32, #tpu.memory_space<vmem>>, %arg10: memref<125x128xf32, #tpu.memory_space<vmem>>, %arg11: memref<10000x128xf32, #tpu.memory_space<vmem_shared>>, %arg12: memref<!tpu.dma_semaphore, #tpu.memory_space<semaphore_mem>>, %arg13: memref<!tpu.dma_semaphore, #tpu.memory_space<semaphore_mem>>) attributes {dimension_semantics = [#tpu.dimension_semantics<core_parallel>, #tpu.dimension_semantics<subcore_parallel>], iteration_bounds = array<i64: 2, 16>, scalar_prefetch = 0 : i64, scratch_operands = 7 : i64, tpu.core_type = #tpu.core_type<sc_vector_subcore>, window_params = [{transform_indices = #map}, {transform_indices = #map}, {transform_indices = #map}, {transform_indices = #map}, {transform_indices = #map1}]} {
    %mul3A = arith.constant 16 : i32
    %mul3A_0 = arith.muli %arg0, %mul3A : i32
    %add3A = arith.addi %mul3A_0, %arg1 : i32
    %mul3A_1 = arith.constant 80 : i32
    %mul3A_2 = arith.muli %add3A, %mul3A_1 : i32
    "tpu.region"() ({
      %run_scoped3A = tpu.sem_alloc : memref<!tpu.dma_semaphore, #tpu.memory_space<semaphore_mem>>
      %dma_start3A = arith.constant 0 : i32
      %dma_start3A_24 = tpu.memref_slice %arg4[%mul3A_2, %dma_start3A] : memref<2560x125xi32, #tpu.memory_space<hbm>> -> memref<80x125xi32, #tpu.memory_space<hbm>>
      %dma_start3A_25 = arith.constant 0 : i32
      %dma_start3A_26 = tpu.memref_slice %arg4[%mul3A_2, %dma_start3A_25] : memref<2560x125xi32, #tpu.memory_space<hbm>> -> memref<80x125xi32, #tpu.memory_space<hbm>>
      tpu.enqueue_dma source(%dma_start3A_26 : memref<80x125xi32, #tpu.memory_space<hbm>>) target(%arg8 : memref<80x125xi32, #tpu.memory_space<vmem>>) target_semaphore(%run_scoped3A : memref<!tpu.dma_semaphore, #tpu.memory_space<semaphore_mem>>)
      %dma_wait3A = arith.constant 0 : i32
      %dma_wait3A_27 = tpu.memref_slice %arg4[%mul3A_2, %dma_wait3A] : memref<2560x125xi32, #tpu.memory_space<hbm>> -> memref<80x125xi32, #tpu.memory_space<hbm>>
      %dma_wait3A_28 = arith.constant 0 : i32
      %dma_wait3A_29 = tpu.memref_slice %arg4[%mul3A_2, %dma_wait3A_28] : memref<2560x125xi32, #tpu.memory_space<hbm>> -> memref<80x125xi32, #tpu.memory_space<hbm>>
      tpu.wait_dma2 semaphore(%run_scoped3A : memref<!tpu.dma_semaphore, #tpu.memory_space<semaphore_mem>>) src(%dma_wait3A_29 : memref<80x125xi32, #tpu.memory_space<hbm>>) dst(%arg8 : memref<80x125xi32, #tpu.memory_space<vmem>>)
      tpu.yield
    }) : () -> ()
    %mul3A_3 = arith.constant 624 : i32
    %mul3A_4 = arith.muli %arg1, %mul3A_3 : i32
    %mul3A_5 = arith.constant 624 : i32
    %mul3A_6 = arith.muli %arg1, %mul3A_5 : i32
    "tpu.region"() ({
      %run_scoped3A = tpu.sem_alloc : memref<!tpu.dma_semaphore, #tpu.memory_space<semaphore_mem>>
      %dma_start3A = arith.constant 0 : i32
      %dma_start3A_24 = tpu.memref_slice %arg11[%mul3A_6, %dma_start3A] : memref<10000x128xf32, #tpu.memory_space<vmem_shared>> -> memref<624x128xf32, #tpu.memory_space<vmem_shared>>
      %dma_start3A_25 = arith.constant 0 : i32
      %dma_start3A_26 = tpu.memref_slice %arg5[%mul3A_4, %dma_start3A_25] : memref<10000x128xf32, #tpu.memory_space<hbm>> -> memref<624x128xf32, #tpu.memory_space<hbm>>
      tpu.enqueue_dma source(%dma_start3A_26 : memref<624x128xf32, #tpu.memory_space<hbm>>) target(%dma_start3A_24 : memref<624x128xf32, #tpu.memory_space<vmem_shared>>) target_semaphore(%run_scoped3A : memref<!tpu.dma_semaphore, #tpu.memory_space<semaphore_mem>>)
      %dma_wait3A = arith.constant 0 : i32
      %dma_wait3A_27 = tpu.memref_slice %arg11[%mul3A_6, %dma_wait3A] : memref<10000x128xf32, #tpu.memory_space<vmem_shared>> -> memref<624x128xf32, #tpu.memory_space<vmem_shared>>
      %dma_wait3A_28 = arith.constant 0 : i32
      %dma_wait3A_29 = tpu.memref_slice %arg5[%mul3A_4, %dma_wait3A_28] : memref<10000x128xf32, #tpu.memory_space<hbm>> -> memref<624x128xf32, #tpu.memory_space<hbm>>
      tpu.wait_dma2 semaphore(%run_scoped3A : memref<!tpu.dma_semaphore, #tpu.memory_space<semaphore_mem>>) src(%dma_wait3A_29 : memref<624x128xf32, #tpu.memory_space<hbm>>) dst(%dma_wait3A_27 : memref<624x128xf32, #tpu.memory_space<vmem_shared>>)
      tpu.yield
    }) : () -> ()
    %eq3A = arith.constant 15 : i32
    %eq3A_7 = arith.cmpi eq, %arg1, %eq3A : i32
    %convert_element_type3A = arith.extui %eq3A_7 : i1 to i32
    %cond3A = arith.constant 0 : i32
    %cond3A_8 = arith.cmpi ne, %convert_element_type3A, %cond3A : i32
    scf.if %cond3A_8 {
      "tpu.region"() ({
        %run_scoped3A = tpu.sem_alloc : memref<!tpu.dma_semaphore, #tpu.memory_space<semaphore_mem>>
        %dma_start3A = arith.constant 9984 : i32
        %dma_start3A_24 = arith.constant 0 : i32
        %dma_start3A_25 = tpu.memref_slice %arg11[%dma_start3A, %dma_start3A_24] : memref<10000x128xf32, #tpu.memory_space<vmem_shared>> -> memref<16x128xf32, #tpu.memory_space<vmem_shared>>
        %dma_start3A_26 = arith.constant 9984 : i32
        %dma_start3A_27 = arith.constant 0 : i32
        %dma_start3A_28 = tpu.memref_slice %arg5[%dma_start3A_26, %dma_start3A_27] : memref<10000x128xf32, #tpu.memory_space<hbm>> -> memref<16x128xf32, #tpu.memory_space<hbm>>
        tpu.enqueue_dma source(%dma_start3A_28 : memref<16x128xf32, #tpu.memory_space<hbm>>) target(%dma_start3A_25 : memref<16x128xf32, #tpu.memory_space<vmem_shared>>) target_semaphore(%run_scoped3A : memref<!tpu.dma_semaphore, #tpu.memory_space<semaphore_mem>>)
        %dma_wait3A = arith.constant 9984 : i32
        %dma_wait3A_29 = arith.constant 0 : i32
        %dma_wait3A_30 = tpu.memref_slice %arg11[%dma_wait3A, %dma_wait3A_29] : memref<10000x128xf32, #tpu.memory_space<vmem_shared>> -> memref<16x128xf32, #tpu.memory_space<vmem_shared>>
        %dma_wait3A_31 = arith.constant 9984 : i32
        %dma_wait3A_32 = arith.constant 0 : i32
        %dma_wait3A_33 = tpu.memref_slice %arg5[%dma_wait3A_31, %dma_wait3A_32] : memref<10000x128xf32, #tpu.memory_space<hbm>> -> memref<16x128xf32, #tpu.memory_space<hbm>>
        tpu.wait_dma2 semaphore(%run_scoped3A : memref<!tpu.dma_semaphore, #tpu.memory_space<semaphore_mem>>) src(%dma_wait3A_33 : memref<16x128xf32, #tpu.memory_space<hbm>>) dst(%dma_wait3A_30 : memref<16x128xf32, #tpu.memory_space<vmem_shared>>)
        tpu.yield
      }) : () -> ()
    } else {
    }
    %barrier3A = arith.constant 0 : index
    tpu.barrier barrier_id(%barrier3A)
    %scan3A = arith.constant 0 : i32
    %scan3A_9 = arith.constant 0 : i32
    %scan3A_10 = arith.constant 5 : i32
    %scan3A_11 = arith.addi %scan3A_9, %scan3A_10 : i32
    %scan3A_12 = arith.constant 1 : i32
    scf.for %scan3A_24 = %scan3A_9 to %scan3A_11 step %scan3A_12  : i32 {
      %mul3A_25 = arith.constant 80 : i32
      %mul3A_26 = arith.muli %add3A, %mul3A_25 : i32
      %mul3A_27 = arith.constant 16 : i32
      %mul3A_28 = arith.muli %mul3A_27, %scan3A_24 : i32
      %add3A_29 = arith.addi %mul3A_26, %mul3A_28 : i32
      "tpu.region"() ({
        %run_scoped3A = tpu.sem_alloc : memref<!tpu.dma_semaphore, #tpu.memory_space<semaphore_mem>>
        %dma_start3A_316 = arith.constant 0 : i32
        %dma_start3A_317 = tpu.memref_slice %arg3[%add3A_29, %dma_start3A_316] : memref<2560x125xi32, #tpu.memory_space<hbm>> -> memref<16x125xi32, #tpu.memory_space<hbm>>
        %dma_start3A_318 = arith.constant 0 : i32
        %dma_start3A_319 = tpu.memref_slice %arg3[%add3A_29, %dma_start3A_318] : memref<2560x125xi32, #tpu.memory_space<hbm>> -> memref<16x125xi32, #tpu.memory_space<hbm>>
        tpu.enqueue_dma source(%dma_start3A_319 : memref<16x125xi32, #tpu.memory_space<hbm>>) target(%arg7 : memref<16x125xi32, #tpu.memory_space<vmem>>) target_semaphore(%run_scoped3A : memref<!tpu.dma_semaphore, #tpu.memory_space<semaphore_mem>>)
        %dma_wait3A_320 = arith.constant 0 : i32
        %dma_wait3A_321 = tpu.memref_slice %arg3[%add3A_29, %dma_wait3A_320] : memref<2560x125xi32, #tpu.memory_space<hbm>> -> memref<16x125xi32, #tpu.memory_space<hbm>>
        %dma_wait3A_322 = arith.constant 0 : i32
        %dma_wait3A_323 = tpu.memref_slice %arg3[%add3A_29, %dma_wait3A_322] : memref<2560x125xi32, #tpu.memory_space<hbm>> -> memref<16x125xi32, #tpu.memory_space<hbm>>
        tpu.wait_dma2 semaphore(%run_scoped3A : memref<!tpu.dma_semaphore, #tpu.memory_space<semaphore_mem>>) src(%dma_wait3A_323 : memref<16x125xi32, #tpu.memory_space<hbm>>) dst(%arg7 : memref<16x125xi32, #tpu.memory_space<vmem>>)
        tpu.yield
      }) : () -> ()
      %dma_start3A = arith.constant 0 : i32
      %dma_start3A_30 = arith.constant 0 : i32
      %dma_start3A_31 = tpu.memref_slice %arg7[%dma_start3A, %dma_start3A_30] : memref<16x125xi32, #tpu.memory_space<vmem>> -> memref<1x125xi32, #tpu.memory_space<vmem>>
      %dma_start3A_32 = tpu.memref_squeeze %dma_start3A_31 : memref<1x125xi32, #tpu.memory_space<vmem>> -> memref<125xi32, #tpu.memory_space<vmem>>
      %dma_start3A_33 = arith.constant 0 : i32
      %dma_start3A_34 = arith.constant 0 : i32
      %dma_start3A_35 = tpu.memref_slice %arg2[%dma_start3A_33, %dma_start3A_34] : memref<10000x128xf32, #tpu.memory_space<hbm>> -> memref<10000x128xf32, #tpu.memory_space<hbm>>
      tpu.enqueue_indirect_dma source(%dma_start3A_35 : memref<10000x128xf32, #tpu.memory_space<hbm>>) target(%arg9 : memref<125x128xf32, #tpu.memory_space<vmem>>) offsets(%dma_start3A_32 : memref<125xi32, #tpu.memory_space<vmem>>) semaphore(%arg12 : memref<!tpu.dma_semaphore, #tpu.memory_space<semaphore_mem>>)
      %mul3A_36 = arith.constant 16 : i32
      %mul3A_37 = arith.muli %mul3A_36, %scan3A_24 : i32
      %add3A_38 = arith.constant 0 : i32
      %add3A_39 = arith.addi %mul3A_37, %add3A_38 : i32
      %dma_start3A_40 = arith.constant 1 : i32
      %dma_start3A_41 = arith.constant 0 : i32
      %dma_start3A_42 = tpu.memref_slice %arg7[%dma_start3A_40, %dma_start3A_41] : memref<16x125xi32, #tpu.memory_space<vmem>> -> memref<1x125xi32, #tpu.memory_space<vmem>>
      %dma_start3A_43 = tpu.memref_squeeze %dma_start3A_42 : memref<1x125xi32, #tpu.memory_space<vmem>> -> memref<125xi32, #tpu.memory_space<vmem>>
      %dma_start3A_44 = arith.constant 0 : i32
      %dma_start3A_45 = arith.constant 0 : i32
      %dma_start3A_46 = tpu.memref_slice %arg2[%dma_start3A_44, %dma_start3A_45] : memref<10000x128xf32, #tpu.memory_space<hbm>> -> memref<10000x128xf32, #tpu.memory_space<hbm>>
      tpu.enqueue_indirect_dma source(%dma_start3A_46 : memref<10000x128xf32, #tpu.memory_space<hbm>>) target(%arg10 : memref<125x128xf32, #tpu.memory_space<vmem>>) offsets(%dma_start3A_43 : memref<125xi32, #tpu.memory_space<vmem>>) semaphore(%arg13 : memref<!tpu.dma_semaphore, #tpu.memory_space<semaphore_mem>>)
      %dma_wait3A = arith.constant 0 : i32
      %dma_wait3A_47 = arith.constant 0 : i32
      %dma_wait3A_48 = tpu.memref_slice %arg7[%dma_wait3A, %dma_wait3A_47] : memref<16x125xi32, #tpu.memory_space<vmem>> -> memref<1x125xi32, #tpu.memory_space<vmem>>
      %dma_wait3A_49 = tpu.memref_squeeze %dma_wait3A_48 : memref<1x125xi32, #tpu.memory_space<vmem>> -> memref<125xi32, #tpu.memory_space<vmem>>
      %dma_wait3A_50 = arith.constant 0 : i32
      %dma_wait3A_51 = arith.constant 0 : i32
      %dma_wait3A_52 = tpu.memref_slice %arg2[%dma_wait3A_50, %dma_wait3A_51] : memref<10000x128xf32, #tpu.memory_space<hbm>> -> memref<10000x128xf32, #tpu.memory_space<hbm>>
      tpu.wait_indirect_dma semaphore(%arg12 : memref<!tpu.dma_semaphore, #tpu.memory_space<semaphore_mem>>) src(%dma_wait3A_52 : memref<10000x128xf32, #tpu.memory_space<hbm>>) dst(%arg9 : memref<125x128xf32, #tpu.memory_space<vmem>>)
      "tpu.region"() ({
        %run_scoped3A = tpu.sem_alloc : memref<!tpu.dma_semaphore, #tpu.memory_space<semaphore_mem>>
        %dma_start3A_316 = arith.constant 0 : i32
        %dma_start3A_317 = tpu.memref_slice %arg8[%add3A_39, %dma_start3A_316] : memref<80x125xi32, #tpu.memory_space<vmem>> -> memref<1x125xi32, #tpu.memory_space<vmem>>
        %dma_start3A_318 = tpu.memref_squeeze %dma_start3A_317 : memref<1x125xi32, #tpu.memory_space<vmem>> -> memref<125xi32, #tpu.memory_space<vmem>>
        %dma_start3A_319 = arith.constant 0 : i32
        %dma_start3A_320 = arith.constant 0 : i32
        %dma_start3A_321 = tpu.memref_slice %arg11[%dma_start3A_319, %dma_start3A_320] : memref<10000x128xf32, #tpu.memory_space<vmem_shared>> -> memref<10000x128xf32, #tpu.memory_space<vmem_shared>>
        tpu.enqueue_indirect_dma source(%arg9 : memref<125x128xf32, #tpu.memory_space<vmem>>) target(%dma_start3A_321 : memref<10000x128xf32, #tpu.memory_space<vmem_shared>>) offsets(%dma_start3A_318 : memref<125xi32, #tpu.memory_space<vmem>>) semaphore(%run_scoped3A : memref<!tpu.dma_semaphore, #tpu.memory_space<semaphore_mem>>) {add = true}
        %dma_wait3A_322 = arith.constant 0 : i32
        %dma_wait3A_323 = tpu.memref_slice %arg8[%add3A_39, %dma_wait3A_322] : memref<80x125xi32, #tpu.memory_space<vmem>> -> memref<1x125xi32, #tpu.memory_space<vmem>>
        %dma_wait3A_324 = tpu.memref_squeeze %dma_wait3A_323 : memref<1x125xi32, #tpu.memory_space<vmem>> -> memref<125xi32, #tpu.memory_space<vmem>>
        %dma_wait3A_325 = arith.constant 0 : i32
        %dma_wait3A_326 = arith.constant 0 : i32
        %dma_wait3A_327 = tpu.memref_slice %arg11[%dma_wait3A_325, %dma_wait3A_326] : memref<10000x128xf32, #tpu.memory_space<vmem_shared>> -> memref<10000x128xf32, #tpu.memory_space<vmem_shared>>
        tpu.wait_indirect_dma semaphore(%run_scoped3A : memref<!tpu.dma_semaphore, #tpu.memory_space<semaphore_mem>>) src(%arg9 : memref<125x128xf32, #tpu.memory_space<vmem>>) dst(%dma_wait3A_327 : memref<10000x128xf32, #tpu.memory_space<vmem_shared>>)
        tpu.yield
      }) : () -> ()
      %mul3A_53 = arith.constant 16 : i32
      %mul3A_54 = arith.muli %mul3A_53, %scan3A_24 : i32
      %add3A_55 = arith.constant 1 : i32
      %add3A_56 = arith.addi %mul3A_54, %add3A_55 : i32
      %dma_start3A_57 = arith.constant 2 : i32
      %dma_start3A_58 = arith.constant 0 : i32
      %dma_start3A_59 = tpu.memref_slice %arg7[%dma_start3A_57, %dma_start3A_58] : memref<16x125xi32, #tpu.memory_space<vmem>> -> memref<1x125xi32, #tpu.memory_space<vmem>>
      %dma_start3A_60 = tpu.memref_squeeze %dma_start3A_59 : memref<1x125xi32, #tpu.memory_space<vmem>> -> memref<125xi32, #tpu.memory_space<vmem>>
      %dma_start3A_61 = arith.constant 0 : i32
      %dma_start3A_62 = arith.constant 0 : i32
      %dma_start3A_63 = tpu.memref_slice %arg2[%dma_start3A_61, %dma_start3A_62] : memref<10000x128xf32, #tpu.memory_space<hbm>> -> memref<10000x128xf32, #tpu.memory_space<hbm>>
      tpu.enqueue_indirect_dma source(%dma_start3A_63 : memref<10000x128xf32, #tpu.memory_space<hbm>>) target(%arg9 : memref<125x128xf32, #tpu.memory_space<vmem>>) offsets(%dma_start3A_60 : memref<125xi32, #tpu.memory_space<vmem>>) semaphore(%arg12 : memref<!tpu.dma_semaphore, #tpu.memory_space<semaphore_mem>>)
      %dma_wait3A_64 = arith.constant 1 : i32
      %dma_wait3A_65 = arith.constant 0 : i32
      %dma_wait3A_66 = tpu.memref_slice %arg7[%dma_wait3A_64, %dma_wait3A_65] : memref<16x125xi32, #tpu.memory_space<vmem>> -> memref<1x125xi32, #tpu.memory_space<vmem>>
      %dma_wait3A_67 = tpu.memref_squeeze %dma_wait3A_66 : memref<1x125xi32, #tpu.memory_space<vmem>> -> memref<125xi32, #tpu.memory_space<vmem>>
      %dma_wait3A_68 = arith.constant 0 : i32
      %dma_wait3A_69 = arith.constant 0 : i32
      %dma_wait3A_70 = tpu.memref_slice %arg2[%dma_wait3A_68, %dma_wait3A_69] : memref<10000x128xf32, #tpu.memory_space<hbm>> -> memref<10000x128xf32, #tpu.memory_space<hbm>>
      tpu.wait_indirect_dma semaphore(%arg13 : memref<!tpu.dma_semaphore, #tpu.memory_space<semaphore_mem>>) src(%dma_wait3A_70 : memref<10000x128xf32, #tpu.memory_space<hbm>>) dst(%arg10 : memref<125x128xf32, #tpu.memory_space<vmem>>)
      "tpu.region"() ({
        %run_scoped3A = tpu.sem_alloc : memref<!tpu.dma_semaphore, #tpu.memory_space<semaphore_mem>>
        %dma_start3A_316 = arith.constant 0 : i32
        %dma_start3A_317 = tpu.memref_slice %arg8[%add3A_56, %dma_start3A_316] : memref<80x125xi32, #tpu.memory_space<vmem>> -> memref<1x125xi32, #tpu.memory_space<vmem>>
        %dma_start3A_318 = tpu.memref_squeeze %dma_start3A_317 : memref<1x125xi32, #tpu.memory_space<vmem>> -> memref<125xi32, #tpu.memory_space<vmem>>
        %dma_start3A_319 = arith.constant 0 : i32
        %dma_start3A_320 = arith.constant 0 : i32
        %dma_start3A_321 = tpu.memref_slice %arg11[%dma_start3A_319, %dma_start3A_320] : memref<10000x128xf32, #tpu.memory_space<vmem_shared>> -> memref<10000x128xf32, #tpu.memory_space<vmem_shared>>
        tpu.enqueue_indirect_dma source(%arg10 : memref<125x128xf32, #tpu.memory_space<vmem>>) target(%dma_start3A_321 : memref<10000x128xf32, #tpu.memory_space<vmem_shared>>) offsets(%dma_start3A_318 : memref<125xi32, #tpu.memory_space<vmem>>) semaphore(%run_scoped3A : memref<!tpu.dma_semaphore, #tpu.memory_space<semaphore_mem>>) {add = true}
        %dma_wait3A_322 = arith.constant 0 : i32
        %dma_wait3A_323 = tpu.memref_slice %arg8[%add3A_56, %dma_wait3A_322] : memref<80x125xi32, #tpu.memory_space<vmem>> -> memref<1x125xi32, #tpu.memory_space<vmem>>
        %dma_wait3A_324 = tpu.memref_squeeze %dma_wait3A_323 : memref<1x125xi32, #tpu.memory_space<vmem>> -> memref<125xi32, #tpu.memory_space<vmem>>
        %dma_wait3A_325 = arith.constant 0 : i32
        %dma_wait3A_326 = arith.constant 0 : i32
        %dma_wait3A_327 = tpu.memref_slice %arg11[%dma_wait3A_325, %dma_wait3A_326] : memref<10000x128xf32, #tpu.memory_space<vmem_shared>> -> memref<10000x128xf32, #tpu.memory_space<vmem_shared>>
        tpu.wait_indirect_dma semaphore(%run_scoped3A : memref<!tpu.dma_semaphore, #tpu.memory_space<semaphore_mem>>) src(%arg10 : memref<125x128xf32, #tpu.memory_space<vmem>>) dst(%dma_wait3A_327 : memref<10000x128xf32, #tpu.memory_space<vmem_shared>>)
        tpu.yield
      }) : () -> ()
      %mul3A_71 = arith.constant 16 : i32
      %mul3A_72 = arith.muli %mul3A_71, %scan3A_24 : i32
      %add3A_73 = arith.constant 2 : i32
      %add3A_74 = arith.addi %mul3A_72, %add3A_73 : i32
      %dma_start3A_75 = arith.constant 3 : i32
      %dma_start3A_76 = arith.constant 0 : i32
      %dma_start3A_77 = tpu.memref_slice %arg7[%dma_start3A_75, %dma_start3A_76] : memref<16x125xi32, #tpu.memory_space<vmem>> -> memref<1x125xi32, #tpu.memory_space<vmem>>
      %dma_start3A_78 = tpu.memref_squeeze %dma_start3A_77 : memref<1x125xi32, #tpu.memory_space<vmem>> -> memref<125xi32, #tpu.memory_space<vmem>>
      %dma_start3A_79 = arith.constant 0 : i32
      %dma_start3A_80 = arith.constant 0 : i32
      %dma_start3A_81 = tpu.memref_slice %arg2[%dma_start3A_79, %dma_start3A_80] : memref<10000x128xf32, #tpu.memory_space<hbm>> -> memref<10000x128xf32, #tpu.memory_space<hbm>>
      tpu.enqueue_indirect_dma source(%dma_start3A_81 : memref<10000x128xf32, #tpu.memory_space<hbm>>) target(%arg10 : memref<125x128xf32, #tpu.memory_space<vmem>>) offsets(%dma_start3A_78 : memref<125xi32, #tpu.memory_space<vmem>>) semaphore(%arg13 : memref<!tpu.dma_semaphore, #tpu.memory_space<semaphore_mem>>)
      %dma_wait3A_82 = arith.constant 2 : i32
      %dma_wait3A_83 = arith.constant 0 : i32
      %dma_wait3A_84 = tpu.memref_slice %arg7[%dma_wait3A_82, %dma_wait3A_83] : memref<16x125xi32, #tpu.memory_space<vmem>> -> memref<1x125xi32, #tpu.memory_space<vmem>>
      %dma_wait3A_85 = tpu.memref_squeeze %dma_wait3A_84 : memref<1x125xi32, #tpu.memory_space<vmem>> -> memref<125xi32, #tpu.memory_space<vmem>>
      %dma_wait3A_86 = arith.constant 0 : i32
      %dma_wait3A_87 = arith.constant 0 : i32
      %dma_wait3A_88 = tpu.memref_slice %arg2[%dma_wait3A_86, %dma_wait3A_87] : memref<10000x128xf32, #tpu.memory_space<hbm>> -> memref<10000x128xf32, #tpu.memory_space<hbm>>
      tpu.wait_indirect_dma semaphore(%arg12 : memref<!tpu.dma_semaphore, #tpu.memory_space<semaphore_mem>>) src(%dma_wait3A_88 : memref<10000x128xf32, #tpu.memory_space<hbm>>) dst(%arg9 : memref<125x128xf32, #tpu.memory_space<vmem>>)
      "tpu.region"() ({
        %run_scoped3A = tpu.sem_alloc : memref<!tpu.dma_semaphore, #tpu.memory_space<semaphore_mem>>
        %dma_start3A_316 = arith.constant 0 : i32
        %dma_start3A_317 = tpu.memref_slice %arg8[%add3A_74, %dma_start3A_316] : memref<80x125xi32, #tpu.memory_space<vmem>> -> memref<1x125xi32, #tpu.memory_space<vmem>>
        %dma_start3A_318 = tpu.memref_squeeze %dma_start3A_317 : memref<1x125xi32, #tpu.memory_space<vmem>> -> memref<125xi32, #tpu.memory_space<vmem>>
        %dma_start3A_319 = arith.constant 0 : i32
        %dma_start3A_320 = arith.constant 0 : i32
        %dma_start3A_321 = tpu.memref_slice %arg11[%dma_start3A_319, %dma_start3A_320] : memref<10000x128xf32, #tpu.memory_space<vmem_shared>> -> memref<10000x128xf32, #tpu.memory_space<vmem_shared>>
        tpu.enqueue_indirect_dma source(%arg9 : memref<125x128xf32, #tpu.memory_space<vmem>>) target(%dma_start3A_321 : memref<10000x128xf32, #tpu.memory_space<vmem_shared>>) offsets(%dma_start3A_318 : memref<125xi32, #tpu.memory_space<vmem>>) semaphore(%run_scoped3A : memref<!tpu.dma_semaphore, #tpu.memory_space<semaphore_mem>>) {add = true}
        %dma_wait3A_322 = arith.constant 0 : i32
        %dma_wait3A_323 = tpu.memref_slice %arg8[%add3A_74, %dma_wait3A_322] : memref<80x125xi32, #tpu.memory_space<vmem>> -> memref<1x125xi32, #tpu.memory_space<vmem>>
        %dma_wait3A_324 = tpu.memref_squeeze %dma_wait3A_323 : memref<1x125xi32, #tpu.memory_space<vmem>> -> memref<125xi32, #tpu.memory_space<vmem>>
        %dma_wait3A_325 = arith.constant 0 : i32
        %dma_wait3A_326 = arith.constant 0 : i32
        %dma_wait3A_327 = tpu.memref_slice %arg11[%dma_wait3A_325, %dma_wait3A_326] : memref<10000x128xf32, #tpu.memory_space<vmem_shared>> -> memref<10000x128xf32, #tpu.memory_space<vmem_shared>>
        tpu.wait_indirect_dma semaphore(%run_scoped3A : memref<!tpu.dma_semaphore, #tpu.memory_space<semaphore_mem>>) src(%arg9 : memref<125x128xf32, #tpu.memory_space<vmem>>) dst(%dma_wait3A_327 : memref<10000x128xf32, #tpu.memory_space<vmem_shared>>)
        tpu.yield
      }) : () -> ()
      %mul3A_89 = arith.constant 16 : i32
      %mul3A_90 = arith.muli %mul3A_89, %scan3A_24 : i32
      %add3A_91 = arith.constant 3 : i32
      %add3A_92 = arith.addi %mul3A_90, %add3A_91 : i32
      %dma_start3A_93 = arith.constant 4 : i32
      %dma_start3A_94 = arith.constant 0 : i32
      %dma_start3A_95 = tpu.memref_slice %arg7[%dma_start3A_93, %dma_start3A_94] : memref<16x125xi32, #tpu.memory_space<vmem>> -> memref<1x125xi32, #tpu.memory_space<vmem>>
      %dma_start3A_96 = tpu.memref_squeeze %dma_start3A_95 : memref<1x125xi32, #tpu.memory_space<vmem>> -> memref<125xi32, #tpu.memory_space<vmem>>
      %dma_start3A_97 = arith.constant 0 : i32
      %dma_start3A_98 = arith.constant 0 : i32
      %dma_start3A_99 = tpu.memref_slice %arg2[%dma_start3A_97, %dma_start3A_98] : memref<10000x128xf32, #tpu.memory_space<hbm>> -> memref<10000x128xf32, #tpu.memory_space<hbm>>
      tpu.enqueue_indirect_dma source(%dma_start3A_99 : memref<10000x128xf32, #tpu.memory_space<hbm>>) target(%arg9 : memref<125x128xf32, #tpu.memory_space<vmem>>) offsets(%dma_start3A_96 : memref<125xi32, #tpu.memory_space<vmem>>) semaphore(%arg12 : memref<!tpu.dma_semaphore, #tpu.memory_space<semaphore_mem>>)
      %dma_wait3A_100 = arith.constant 3 : i32
      %dma_wait3A_101 = arith.constant 0 : i32
      %dma_wait3A_102 = tpu.memref_slice %arg7[%dma_wait3A_100, %dma_wait3A_101] : memref<16x125xi32, #tpu.memory_space<vmem>> -> memref<1x125xi32, #tpu.memory_space<vmem>>
      %dma_wait3A_103 = tpu.memref_squeeze %dma_wait3A_102 : memref<1x125xi32, #tpu.memory_space<vmem>> -> memref<125xi32, #tpu.memory_space<vmem>>
      %dma_wait3A_104 = arith.constant 0 : i32
      %dma_wait3A_105 = arith.constant 0 : i32
      %dma_wait3A_106 = tpu.memref_slice %arg2[%dma_wait3A_104, %dma_wait3A_105] : memref<10000x128xf32, #tpu.memory_space<hbm>> -> memref<10000x128xf32, #tpu.memory_space<hbm>>
      tpu.wait_indirect_dma semaphore(%arg13 : memref<!tpu.dma_semaphore, #tpu.memory_space<semaphore_mem>>) src(%dma_wait3A_106 : memref<10000x128xf32, #tpu.memory_space<hbm>>) dst(%arg10 : memref<125x128xf32, #tpu.memory_space<vmem>>)
      "tpu.region"() ({
        %run_scoped3A = tpu.sem_alloc : memref<!tpu.dma_semaphore, #tpu.memory_space<semaphore_mem>>
        %dma_start3A_316 = arith.constant 0 : i32
        %dma_start3A_317 = tpu.memref_slice %arg8[%add3A_92, %dma_start3A_316] : memref<80x125xi32, #tpu.memory_space<vmem>> -> memref<1x125xi32, #tpu.memory_space<vmem>>
        %dma_start3A_318 = tpu.memref_squeeze %dma_start3A_317 : memref<1x125xi32, #tpu.memory_space<vmem>> -> memref<125xi32, #tpu.memory_space<vmem>>
        %dma_start3A_319 = arith.constant 0 : i32
        %dma_start3A_320 = arith.constant 0 : i32
        %dma_start3A_321 = tpu.memref_slice %arg11[%dma_start3A_319, %dma_start3A_320] : memref<10000x128xf32, #tpu.memory_space<vmem_shared>> -> memref<10000x128xf32, #tpu.memory_space<vmem_shared>>
        tpu.enqueue_indirect_dma source(%arg10 : memref<125x128xf32, #tpu.memory_space<vmem>>) target(%dma_start3A_321 : memref<10000x128xf32, #tpu.memory_space<vmem_shared>>) offsets(%dma_start3A_318 : memref<125xi32, #tpu.memory_space<vmem>>) semaphore(%run_scoped3A : memref<!tpu.dma_semaphore, #tpu.memory_space<semaphore_mem>>) {add = true}
        %dma_wait3A_322 = arith.constant 0 : i32
        %dma_wait3A_323 = tpu.memref_slice %arg8[%add3A_92, %dma_wait3A_322] : memref<80x125xi32, #tpu.memory_space<vmem>> -> memref<1x125xi32, #tpu.memory_space<vmem>>
        %dma_wait3A_324 = tpu.memref_squeeze %dma_wait3A_323 : memref<1x125xi32, #tpu.memory_space<vmem>> -> memref<125xi32, #tpu.memory_space<vmem>>
        %dma_wait3A_325 = arith.constant 0 : i32
        %dma_wait3A_326 = arith.constant 0 : i32
        %dma_wait3A_327 = tpu.memref_slice %arg11[%dma_wait3A_325, %dma_wait3A_326] : memref<10000x128xf32, #tpu.memory_space<vmem_shared>> -> memref<10000x128xf32, #tpu.memory_space<vmem_shared>>
        tpu.wait_indirect_dma semaphore(%run_scoped3A : memref<!tpu.dma_semaphore, #tpu.memory_space<semaphore_mem>>) src(%arg10 : memref<125x128xf32, #tpu.memory_space<vmem>>) dst(%dma_wait3A_327 : memref<10000x128xf32, #tpu.memory_space<vmem_shared>>)
        tpu.yield
      }) : () -> ()
      %mul3A_107 = arith.constant 16 : i32
      %mul3A_108 = arith.muli %mul3A_107, %scan3A_24 : i32
      %add3A_109 = arith.constant 4 : i32
      %add3A_110 = arith.addi %mul3A_108, %add3A_109 : i32
      %dma_start3A_111 = arith.constant 5 : i32
      %dma_start3A_112 = arith.constant 0 : i32
      %dma_start3A_113 = tpu.memref_slice %arg7[%dma_start3A_111, %dma_start3A_112] : memref<16x125xi32, #tpu.memory_space<vmem>> -> memref<1x125xi32, #tpu.memory_space<vmem>>
      %dma_start3A_114 = tpu.memref_squeeze %dma_start3A_113 : memref<1x125xi32, #tpu.memory_space<vmem>> -> memref<125xi32, #tpu.memory_space<vmem>>
      %dma_start3A_115 = arith.constant 0 : i32
      %dma_start3A_116 = arith.constant 0 : i32
      %dma_start3A_117 = tpu.memref_slice %arg2[%dma_start3A_115, %dma_start3A_116] : memref<10000x128xf32, #tpu.memory_space<hbm>> -> memref<10000x128xf32, #tpu.memory_space<hbm>>
      tpu.enqueue_indirect_dma source(%dma_start3A_117 : memref<10000x128xf32, #tpu.memory_space<hbm>>) target(%arg10 : memref<125x128xf32, #tpu.memory_space<vmem>>) offsets(%dma_start3A_114 : memref<125xi32, #tpu.memory_space<vmem>>) semaphore(%arg13 : memref<!tpu.dma_semaphore, #tpu.memory_space<semaphore_mem>>)
      %dma_wait3A_118 = arith.constant 4 : i32
      %dma_wait3A_119 = arith.constant 0 : i32
      %dma_wait3A_120 = tpu.memref_slice %arg7[%dma_wait3A_118, %dma_wait3A_119] : memref<16x125xi32, #tpu.memory_space<vmem>> -> memref<1x125xi32, #tpu.memory_space<vmem>>
      %dma_wait3A_121 = tpu.memref_squeeze %dma_wait3A_120 : memref<1x125xi32, #tpu.memory_space<vmem>> -> memref<125xi32, #tpu.memory_space<vmem>>
      %dma_wait3A_122 = arith.constant 0 : i32
      %dma_wait3A_123 = arith.constant 0 : i32
      %dma_wait3A_124 = tpu.memref_slice %arg2[%dma_wait3A_122, %dma_wait3A_123] : memref<10000x128xf32, #tpu.memory_space<hbm>> -> memref<10000x128xf32, #tpu.memory_space<hbm>>
      tpu.wait_indirect_dma semaphore(%arg12 : memref<!tpu.dma_semaphore, #tpu.memory_space<semaphore_mem>>) src(%dma_wait3A_124 : memref<10000x128xf32, #tpu.memory_space<hbm>>) dst(%arg9 : memref<125x128xf32, #tpu.memory_space<vmem>>)
      "tpu.region"() ({
        %run_scoped3A = tpu.sem_alloc : memref<!tpu.dma_semaphore, #tpu.memory_space<semaphore_mem>>
        %dma_start3A_316 = arith.constant 0 : i32
        %dma_start3A_317 = tpu.memref_slice %arg8[%add3A_110, %dma_start3A_316] : memref<80x125xi32, #tpu.memory_space<vmem>> -> memref<1x125xi32, #tpu.memory_space<vmem>>
        %dma_start3A_318 = tpu.memref_squeeze %dma_start3A_317 : memref<1x125xi32, #tpu.memory_space<vmem>> -> memref<125xi32, #tpu.memory_space<vmem>>
        %dma_start3A_319 = arith.constant 0 : i32
        %dma_start3A_320 = arith.constant 0 : i32
        %dma_start3A_321 = tpu.memref_slice %arg11[%dma_start3A_319, %dma_start3A_320] : memref<10000x128xf32, #tpu.memory_space<vmem_shared>> -> memref<10000x128xf32, #tpu.memory_space<vmem_shared>>
        tpu.enqueue_indirect_dma source(%arg9 : memref<125x128xf32, #tpu.memory_space<vmem>>) target(%dma_start3A_321 : memref<10000x128xf32, #tpu.memory_space<vmem_shared>>) offsets(%dma_start3A_318 : memref<125xi32, #tpu.memory_space<vmem>>) semaphore(%run_scoped3A : memref<!tpu.dma_semaphore, #tpu.memory_space<semaphore_mem>>) {add = true}
        %dma_wait3A_322 = arith.constant 0 : i32
        %dma_wait3A_323 = tpu.memref_slice %arg8[%add3A_110, %dma_wait3A_322] : memref<80x125xi32, #tpu.memory_space<vmem>> -> memref<1x125xi32, #tpu.memory_space<vmem>>
        %dma_wait3A_324 = tpu.memref_squeeze %dma_wait3A_323 : memref<1x125xi32, #tpu.memory_space<vmem>> -> memref<125xi32, #tpu.memory_space<vmem>>
        %dma_wait3A_325 = arith.constant 0 : i32
        %dma_wait3A_326 = arith.constant 0 : i32
        %dma_wait3A_327 = tpu.memref_slice %arg11[%dma_wait3A_325, %dma_wait3A_326] : memref<10000x128xf32, #tpu.memory_space<vmem_shared>> -> memref<10000x128xf32, #tpu.memory_space<vmem_shared>>
        tpu.wait_indirect_dma semaphore(%run_scoped3A : memref<!tpu.dma_semaphore, #tpu.memory_space<semaphore_mem>>) src(%arg9 : memref<125x128xf32, #tpu.memory_space<vmem>>) dst(%dma_wait3A_327 : memref<10000x128xf32, #tpu.memory_space<vmem_shared>>)
        tpu.yield
      }) : () -> ()
      %mul3A_125 = arith.constant 16 : i32
      %mul3A_126 = arith.muli %mul3A_125, %scan3A_24 : i32
      %add3A_127 = arith.constant 5 : i32
      %add3A_128 = arith.addi %mul3A_126, %add3A_127 : i32
      %dma_start3A_129 = arith.constant 6 : i32
      %dma_start3A_130 = arith.constant 0 : i32
      %dma_start3A_131 = tpu.memref_slice %arg7[%dma_start3A_129, %dma_start3A_130] : memref<16x125xi32, #tpu.memory_space<vmem>> -> memref<1x125xi32, #tpu.memory_space<vmem>>
      %dma_start3A_132 = tpu.memref_squeeze %dma_start3A_131 : memref<1x125xi32, #tpu.memory_space<vmem>> -> memref<125xi32, #tpu.memory_space<vmem>>
      %dma_start3A_133 = arith.constant 0 : i32
      %dma_start3A_134 = arith.constant 0 : i32
      %dma_start3A_135 = tpu.memref_slice %arg2[%dma_start3A_133, %dma_start3A_134] : memref<10000x128xf32, #tpu.memory_space<hbm>> -> memref<10000x128xf32, #tpu.memory_space<hbm>>
      tpu.enqueue_indirect_dma source(%dma_start3A_135 : memref<10000x128xf32, #tpu.memory_space<hbm>>) target(%arg9 : memref<125x128xf32, #tpu.memory_space<vmem>>) offsets(%dma_start3A_132 : memref<125xi32, #tpu.memory_space<vmem>>) semaphore(%arg12 : memref<!tpu.dma_semaphore, #tpu.memory_space<semaphore_mem>>)
      %dma_wait3A_136 = arith.constant 5 : i32
      %dma_wait3A_137 = arith.constant 0 : i32
      %dma_wait3A_138 = tpu.memref_slice %arg7[%dma_wait3A_136, %dma_wait3A_137] : memref<16x125xi32, #tpu.memory_space<vmem>> -> memref<1x125xi32, #tpu.memory_space<vmem>>
      %dma_wait3A_139 = tpu.memref_squeeze %dma_wait3A_138 : memref<1x125xi32, #tpu.memory_space<vmem>> -> memref<125xi32, #tpu.memory_space<vmem>>
      %dma_wait3A_140 = arith.constant 0 : i32
      %dma_wait3A_141 = arith.constant 0 : i32
      %dma_wait3A_142 = tpu.memref_slice %arg2[%dma_wait3A_140, %dma_wait3A_141] : memref<10000x128xf32, #tpu.memory_space<hbm>> -> memref<10000x128xf32, #tpu.memory_space<hbm>>
      tpu.wait_indirect_dma semaphore(%arg13 : memref<!tpu.dma_semaphore, #tpu.memory_space<semaphore_mem>>) src(%dma_wait3A_142 : memref<10000x128xf32, #tpu.memory_space<hbm>>) dst(%arg10 : memref<125x128xf32, #tpu.memory_space<vmem>>)
      "tpu.region"() ({
        %run_scoped3A = tpu.sem_alloc : memref<!tpu.dma_semaphore, #tpu.memory_space<semaphore_mem>>
        %dma_start3A_316 = arith.constant 0 : i32
        %dma_start3A_317 = tpu.memref_slice %arg8[%add3A_128, %dma_start3A_316] : memref<80x125xi32, #tpu.memory_space<vmem>> -> memref<1x125xi32, #tpu.memory_space<vmem>>
        %dma_start3A_318 = tpu.memref_squeeze %dma_start3A_317 : memref<1x125xi32, #tpu.memory_space<vmem>> -> memref<125xi32, #tpu.memory_space<vmem>>
        %dma_start3A_319 = arith.constant 0 : i32
        %dma_start3A_320 = arith.constant 0 : i32
        %dma_start3A_321 = tpu.memref_slice %arg11[%dma_start3A_319, %dma_start3A_320] : memref<10000x128xf32, #tpu.memory_space<vmem_shared>> -> memref<10000x128xf32, #tpu.memory_space<vmem_shared>>
        tpu.enqueue_indirect_dma source(%arg10 : memref<125x128xf32, #tpu.memory_space<vmem>>) target(%dma_start3A_321 : memref<10000x128xf32, #tpu.memory_space<vmem_shared>>) offsets(%dma_start3A_318 : memref<125xi32, #tpu.memory_space<vmem>>) semaphore(%run_scoped3A : memref<!tpu.dma_semaphore, #tpu.memory_space<semaphore_mem>>) {add = true}
        %dma_wait3A_322 = arith.constant 0 : i32
        %dma_wait3A_323 = tpu.memref_slice %arg8[%add3A_128, %dma_wait3A_322] : memref<80x125xi32, #tpu.memory_space<vmem>> -> memref<1x125xi32, #tpu.memory_space<vmem>>
        %dma_wait3A_324 = tpu.memref_squeeze %dma_wait3A_323 : memref<1x125xi32, #tpu.memory_space<vmem>> -> memref<125xi32, #tpu.memory_space<vmem>>
        %dma_wait3A_325 = arith.constant 0 : i32
        %dma_wait3A_326 = arith.constant 0 : i32
        %dma_wait3A_327 = tpu.memref_slice %arg11[%dma_wait3A_325, %dma_wait3A_326] : memref<10000x128xf32, #tpu.memory_space<vmem_shared>> -> memref<10000x128xf32, #tpu.memory_space<vmem_shared>>
        tpu.wait_indirect_dma semaphore(%run_scoped3A : memref<!tpu.dma_semaphore, #tpu.memory_space<semaphore_mem>>) src(%arg10 : memref<125x128xf32, #tpu.memory_space<vmem>>) dst(%dma_wait3A_327 : memref<10000x128xf32, #tpu.memory_space<vmem_shared>>)
        tpu.yield
      }) : () -> ()
      %mul3A_143 = arith.constant 16 : i32
      %mul3A_144 = arith.muli %mul3A_143, %scan3A_24 : i32
      %add3A_145 = arith.constant 6 : i32
      %add3A_146 = arith.addi %mul3A_144, %add3A_145 : i32
      %dma_start3A_147 = arith.constant 7 : i32
      %dma_start3A_148 = arith.constant 0 : i32
      %dma_start3A_149 = tpu.memref_slice %arg7[%dma_start3A_147, %dma_start3A_148] : memref<16x125xi32, #tpu.memory_space<vmem>> -> memref<1x125xi32, #tpu.memory_space<vmem>>
      %dma_start3A_150 = tpu.memref_squeeze %dma_start3A_149 : memref<1x125xi32, #tpu.memory_space<vmem>> -> memref<125xi32, #tpu.memory_space<vmem>>
      %dma_start3A_151 = arith.constant 0 : i32
      %dma_start3A_152 = arith.constant 0 : i32
      %dma_start3A_153 = tpu.memref_slice %arg2[%dma_start3A_151, %dma_start3A_152] : memref<10000x128xf32, #tpu.memory_space<hbm>> -> memref<10000x128xf32, #tpu.memory_space<hbm>>
      tpu.enqueue_indirect_dma source(%dma_start3A_153 : memref<10000x128xf32, #tpu.memory_space<hbm>>) target(%arg10 : memref<125x128xf32, #tpu.memory_space<vmem>>) offsets(%dma_start3A_150 : memref<125xi32, #tpu.memory_space<vmem>>) semaphore(%arg13 : memref<!tpu.dma_semaphore, #tpu.memory_space<semaphore_mem>>)
      %dma_wait3A_154 = arith.constant 6 : i32
      %dma_wait3A_155 = arith.constant 0 : i32
      %dma_wait3A_156 = tpu.memref_slice %arg7[%dma_wait3A_154, %dma_wait3A_155] : memref<16x125xi32, #tpu.memory_space<vmem>> -> memref<1x125xi32, #tpu.memory_space<vmem>>
      %dma_wait3A_157 = tpu.memref_squeeze %dma_wait3A_156 : memref<1x125xi32, #tpu.memory_space<vmem>> -> memref<125xi32, #tpu.memory_space<vmem>>
      %dma_wait3A_158 = arith.constant 0 : i32
      %dma_wait3A_159 = arith.constant 0 : i32
      %dma_wait3A_160 = tpu.memref_slice %arg2[%dma_wait3A_158, %dma_wait3A_159] : memref<10000x128xf32, #tpu.memory_space<hbm>> -> memref<10000x128xf32, #tpu.memory_space<hbm>>
      tpu.wait_indirect_dma semaphore(%arg12 : memref<!tpu.dma_semaphore, #tpu.memory_space<semaphore_mem>>) src(%dma_wait3A_160 : memref<10000x128xf32, #tpu.memory_space<hbm>>) dst(%arg9 : memref<125x128xf32, #tpu.memory_space<vmem>>)
      "tpu.region"() ({
        %run_scoped3A = tpu.sem_alloc : memref<!tpu.dma_semaphore, #tpu.memory_space<semaphore_mem>>
        %dma_start3A_316 = arith.constant 0 : i32
        %dma_start3A_317 = tpu.memref_slice %arg8[%add3A_146, %dma_start3A_316] : memref<80x125xi32, #tpu.memory_space<vmem>> -> memref<1x125xi32, #tpu.memory_space<vmem>>
        %dma_start3A_318 = tpu.memref_squeeze %dma_start3A_317 : memref<1x125xi32, #tpu.memory_space<vmem>> -> memref<125xi32, #tpu.memory_space<vmem>>
        %dma_start3A_319 = arith.constant 0 : i32
        %dma_start3A_320 = arith.constant 0 : i32
        %dma_start3A_321 = tpu.memref_slice %arg11[%dma_start3A_319, %dma_start3A_320] : memref<10000x128xf32, #tpu.memory_space<vmem_shared>> -> memref<10000x128xf32, #tpu.memory_space<vmem_shared>>
        tpu.enqueue_indirect_dma source(%arg9 : memref<125x128xf32, #tpu.memory_space<vmem>>) target(%dma_start3A_321 : memref<10000x128xf32, #tpu.memory_space<vmem_shared>>) offsets(%dma_start3A_318 : memref<125xi32, #tpu.memory_space<vmem>>) semaphore(%run_scoped3A : memref<!tpu.dma_semaphore, #tpu.memory_space<semaphore_mem>>) {add = true}
        %dma_wait3A_322 = arith.constant 0 : i32
        %dma_wait3A_323 = tpu.memref_slice %arg8[%add3A_146, %dma_wait3A_322] : memref<80x125xi32, #tpu.memory_space<vmem>> -> memref<1x125xi32, #tpu.memory_space<vmem>>
        %dma_wait3A_324 = tpu.memref_squeeze %dma_wait3A_323 : memref<1x125xi32, #tpu.memory_space<vmem>> -> memref<125xi32, #tpu.memory_space<vmem>>
        %dma_wait3A_325 = arith.constant 0 : i32
        %dma_wait3A_326 = arith.constant 0 : i32
        %dma_wait3A_327 = tpu.memref_slice %arg11[%dma_wait3A_325, %dma_wait3A_326] : memref<10000x128xf32, #tpu.memory_space<vmem_shared>> -> memref<10000x128xf32, #tpu.memory_space<vmem_shared>>
        tpu.wait_indirect_dma semaphore(%run_scoped3A : memref<!tpu.dma_semaphore, #tpu.memory_space<semaphore_mem>>) src(%arg9 : memref<125x128xf32, #tpu.memory_space<vmem>>) dst(%dma_wait3A_327 : memref<10000x128xf32, #tpu.memory_space<vmem_shared>>)
        tpu.yield
      }) : () -> ()
      %mul3A_161 = arith.constant 16 : i32
      %mul3A_162 = arith.muli %mul3A_161, %scan3A_24 : i32
      %add3A_163 = arith.constant 7 : i32
      %add3A_164 = arith.addi %mul3A_162, %add3A_163 : i32
      %dma_start3A_165 = arith.constant 8 : i32
      %dma_start3A_166 = arith.constant 0 : i32
      %dma_start3A_167 = tpu.memref_slice %arg7[%dma_start3A_165, %dma_start3A_166] : memref<16x125xi32, #tpu.memory_space<vmem>> -> memref<1x125xi32, #tpu.memory_space<vmem>>
      %dma_start3A_168 = tpu.memref_squeeze %dma_start3A_167 : memref<1x125xi32, #tpu.memory_space<vmem>> -> memref<125xi32, #tpu.memory_space<vmem>>
      %dma_start3A_169 = arith.constant 0 : i32
      %dma_start3A_170 = arith.constant 0 : i32
      %dma_start3A_171 = tpu.memref_slice %arg2[%dma_start3A_169, %dma_start3A_170] : memref<10000x128xf32, #tpu.memory_space<hbm>> -> memref<10000x128xf32, #tpu.memory_space<hbm>>
      tpu.enqueue_indirect_dma source(%dma_start3A_171 : memref<10000x128xf32, #tpu.memory_space<hbm>>) target(%arg9 : memref<125x128xf32, #tpu.memory_space<vmem>>) offsets(%dma_start3A_168 : memref<125xi32, #tpu.memory_space<vmem>>) semaphore(%arg12 : memref<!tpu.dma_semaphore, #tpu.memory_space<semaphore_mem>>)
      %dma_wait3A_172 = arith.constant 7 : i32
      %dma_wait3A_173 = arith.constant 0 : i32
      %dma_wait3A_174 = tpu.memref_slice %arg7[%dma_wait3A_172, %dma_wait3A_173] : memref<16x125xi32, #tpu.memory_space<vmem>> -> memref<1x125xi32, #tpu.memory_space<vmem>>
      %dma_wait3A_175 = tpu.memref_squeeze %dma_wait3A_174 : memref<1x125xi32, #tpu.memory_space<vmem>> -> memref<125xi32, #tpu.memory_space<vmem>>
      %dma_wait3A_176 = arith.constant 0 : i32
      %dma_wait3A_177 = arith.constant 0 : i32
      %dma_wait3A_178 = tpu.memref_slice %arg2[%dma_wait3A_176, %dma_wait3A_177] : memref<10000x128xf32, #tpu.memory_space<hbm>> -> memref<10000x128xf32, #tpu.memory_space<hbm>>
      tpu.wait_indirect_dma semaphore(%arg13 : memref<!tpu.dma_semaphore, #tpu.memory_space<semaphore_mem>>) src(%dma_wait3A_178 : memref<10000x128xf32, #tpu.memory_space<hbm>>) dst(%arg10 : memref<125x128xf32, #tpu.memory_space<vmem>>)
      "tpu.region"() ({
        %run_scoped3A = tpu.sem_alloc : memref<!tpu.dma_semaphore, #tpu.memory_space<semaphore_mem>>
        %dma_start3A_316 = arith.constant 0 : i32
        %dma_start3A_317 = tpu.memref_slice %arg8[%add3A_164, %dma_start3A_316] : memref<80x125xi32, #tpu.memory_space<vmem>> -> memref<1x125xi32, #tpu.memory_space<vmem>>
        %dma_start3A_318 = tpu.memref_squeeze %dma_start3A_317 : memref<1x125xi32, #tpu.memory_space<vmem>> -> memref<125xi32, #tpu.memory_space<vmem>>
        %dma_start3A_319 = arith.constant 0 : i32
        %dma_start3A_320 = arith.constant 0 : i32
        %dma_start3A_321 = tpu.memref_slice %arg11[%dma_start3A_319, %dma_start3A_320] : memref<10000x128xf32, #tpu.memory_space<vmem_shared>> -> memref<10000x128xf32, #tpu.memory_space<vmem_shared>>
        tpu.enqueue_indirect_dma source(%arg10 : memref<125x128xf32, #tpu.memory_space<vmem>>) target(%dma_start3A_321 : memref<10000x128xf32, #tpu.memory_space<vmem_shared>>) offsets(%dma_start3A_318 : memref<125xi32, #tpu.memory_space<vmem>>) semaphore(%run_scoped3A : memref<!tpu.dma_semaphore, #tpu.memory_space<semaphore_mem>>) {add = true}
        %dma_wait3A_322 = arith.constant 0 : i32
        %dma_wait3A_323 = tpu.memref_slice %arg8[%add3A_164, %dma_wait3A_322] : memref<80x125xi32, #tpu.memory_space<vmem>> -> memref<1x125xi32, #tpu.memory_space<vmem>>
        %dma_wait3A_324 = tpu.memref_squeeze %dma_wait3A_323 : memref<1x125xi32, #tpu.memory_space<vmem>> -> memref<125xi32, #tpu.memory_space<vmem>>
        %dma_wait3A_325 = arith.constant 0 : i32
        %dma_wait3A_326 = arith.constant 0 : i32
        %dma_wait3A_327 = tpu.memref_slice %arg11[%dma_wait3A_325, %dma_wait3A_326] : memref<10000x128xf32, #tpu.memory_space<vmem_shared>> -> memref<10000x128xf32, #tpu.memory_space<vmem_shared>>
        tpu.wait_indirect_dma semaphore(%run_scoped3A : memref<!tpu.dma_semaphore, #tpu.memory_space<semaphore_mem>>) src(%arg10 : memref<125x128xf32, #tpu.memory_space<vmem>>) dst(%dma_wait3A_327 : memref<10000x128xf32, #tpu.memory_space<vmem_shared>>)
        tpu.yield
      }) : () -> ()
      %mul3A_179 = arith.constant 16 : i32
      %mul3A_180 = arith.muli %mul3A_179, %scan3A_24 : i32
      %add3A_181 = arith.constant 8 : i32
      %add3A_182 = arith.addi %mul3A_180, %add3A_181 : i32
      %dma_start3A_183 = arith.constant 9 : i32
      %dma_start3A_184 = arith.constant 0 : i32
      %dma_start3A_185 = tpu.memref_slice %arg7[%dma_start3A_183, %dma_start3A_184] : memref<16x125xi32, #tpu.memory_space<vmem>> -> memref<1x125xi32, #tpu.memory_space<vmem>>
      %dma_start3A_186 = tpu.memref_squeeze %dma_start3A_185 : memref<1x125xi32, #tpu.memory_space<vmem>> -> memref<125xi32, #tpu.memory_space<vmem>>
      %dma_start3A_187 = arith.constant 0 : i32
      %dma_start3A_188 = arith.constant 0 : i32
      %dma_start3A_189 = tpu.memref_slice %arg2[%dma_start3A_187, %dma_start3A_188] : memref<10000x128xf32, #tpu.memory_space<hbm>> -> memref<10000x128xf32, #tpu.memory_space<hbm>>
      tpu.enqueue_indirect_dma source(%dma_start3A_189 : memref<10000x128xf32, #tpu.memory_space<hbm>>) target(%arg10 : memref<125x128xf32, #tpu.memory_space<vmem>>) offsets(%dma_start3A_186 : memref<125xi32, #tpu.memory_space<vmem>>) semaphore(%arg13 : memref<!tpu.dma_semaphore, #tpu.memory_space<semaphore_mem>>)
      %dma_wait3A_190 = arith.constant 8 : i32
      %dma_wait3A_191 = arith.constant 0 : i32
      %dma_wait3A_192 = tpu.memref_slice %arg7[%dma_wait3A_190, %dma_wait3A_191] : memref<16x125xi32, #tpu.memory_space<vmem>> -> memref<1x125xi32, #tpu.memory_space<vmem>>
      %dma_wait3A_193 = tpu.memref_squeeze %dma_wait3A_192 : memref<1x125xi32, #tpu.memory_space<vmem>> -> memref<125xi32, #tpu.memory_space<vmem>>
      %dma_wait3A_194 = arith.constant 0 : i32
      %dma_wait3A_195 = arith.constant 0 : i32
      %dma_wait3A_196 = tpu.memref_slice %arg2[%dma_wait3A_194, %dma_wait3A_195] : memref<10000x128xf32, #tpu.memory_space<hbm>> -> memref<10000x128xf32, #tpu.memory_space<hbm>>
      tpu.wait_indirect_dma semaphore(%arg12 : memref<!tpu.dma_semaphore, #tpu.memory_space<semaphore_mem>>) src(%dma_wait3A_196 : memref<10000x128xf32, #tpu.memory_space<hbm>>) dst(%arg9 : memref<125x128xf32, #tpu.memory_space<vmem>>)
      "tpu.region"() ({
        %run_scoped3A = tpu.sem_alloc : memref<!tpu.dma_semaphore, #tpu.memory_space<semaphore_mem>>
        %dma_start3A_316 = arith.constant 0 : i32
        %dma_start3A_317 = tpu.memref_slice %arg8[%add3A_182, %dma_start3A_316] : memref<80x125xi32, #tpu.memory_space<vmem>> -> memref<1x125xi32, #tpu.memory_space<vmem>>
        %dma_start3A_318 = tpu.memref_squeeze %dma_start3A_317 : memref<1x125xi32, #tpu.memory_space<vmem>> -> memref<125xi32, #tpu.memory_space<vmem>>
        %dma_start3A_319 = arith.constant 0 : i32
        %dma_start3A_320 = arith.constant 0 : i32
        %dma_start3A_321 = tpu.memref_slice %arg11[%dma_start3A_319, %dma_start3A_320] : memref<10000x128xf32, #tpu.memory_space<vmem_shared>> -> memref<10000x128xf32, #tpu.memory_space<vmem_shared>>
        tpu.enqueue_indirect_dma source(%arg9 : memref<125x128xf32, #tpu.memory_space<vmem>>) target(%dma_start3A_321 : memref<10000x128xf32, #tpu.memory_space<vmem_shared>>) offsets(%dma_start3A_318 : memref<125xi32, #tpu.memory_space<vmem>>) semaphore(%run_scoped3A : memref<!tpu.dma_semaphore, #tpu.memory_space<semaphore_mem>>) {add = true}
        %dma_wait3A_322 = arith.constant 0 : i32
        %dma_wait3A_323 = tpu.memref_slice %arg8[%add3A_182, %dma_wait3A_322] : memref<80x125xi32, #tpu.memory_space<vmem>> -> memref<1x125xi32, #tpu.memory_space<vmem>>
        %dma_wait3A_324 = tpu.memref_squeeze %dma_wait3A_323 : memref<1x125xi32, #tpu.memory_space<vmem>> -> memref<125xi32, #tpu.memory_space<vmem>>
        %dma_wait3A_325 = arith.constant 0 : i32
        %dma_wait3A_326 = arith.constant 0 : i32
        %dma_wait3A_327 = tpu.memref_slice %arg11[%dma_wait3A_325, %dma_wait3A_326] : memref<10000x128xf32, #tpu.memory_space<vmem_shared>> -> memref<10000x128xf32, #tpu.memory_space<vmem_shared>>
        tpu.wait_indirect_dma semaphore(%run_scoped3A : memref<!tpu.dma_semaphore, #tpu.memory_space<semaphore_mem>>) src(%arg9 : memref<125x128xf32, #tpu.memory_space<vmem>>) dst(%dma_wait3A_327 : memref<10000x128xf32, #tpu.memory_space<vmem_shared>>)
        tpu.yield
      }) : () -> ()
      %mul3A_197 = arith.constant 16 : i32
      %mul3A_198 = arith.muli %mul3A_197, %scan3A_24 : i32
      %add3A_199 = arith.constant 9 : i32
      %add3A_200 = arith.addi %mul3A_198, %add3A_199 : i32
      %dma_start3A_201 = arith.constant 10 : i32
      %dma_start3A_202 = arith.constant 0 : i32
      %dma_start3A_203 = tpu.memref_slice %arg7[%dma_start3A_201, %dma_start3A_202] : memref<16x125xi32, #tpu.memory_space<vmem>> -> memref<1x125xi32, #tpu.memory_space<vmem>>
      %dma_start3A_204 = tpu.memref_squeeze %dma_start3A_203 : memref<1x125xi32, #tpu.memory_space<vmem>> -> memref<125xi32, #tpu.memory_space<vmem>>
      %dma_start3A_205 = arith.constant 0 : i32
      %dma_start3A_206 = arith.constant 0 : i32
      %dma_start3A_207 = tpu.memref_slice %arg2[%dma_start3A_205, %dma_start3A_206] : memref<10000x128xf32, #tpu.memory_space<hbm>> -> memref<10000x128xf32, #tpu.memory_space<hbm>>
      tpu.enqueue_indirect_dma source(%dma_start3A_207 : memref<10000x128xf32, #tpu.memory_space<hbm>>) target(%arg9 : memref<125x128xf32, #tpu.memory_space<vmem>>) offsets(%dma_start3A_204 : memref<125xi32, #tpu.memory_space<vmem>>) semaphore(%arg12 : memref<!tpu.dma_semaphore, #tpu.memory_space<semaphore_mem>>)
      %dma_wait3A_208 = arith.constant 9 : i32
      %dma_wait3A_209 = arith.constant 0 : i32
      %dma_wait3A_210 = tpu.memref_slice %arg7[%dma_wait3A_208, %dma_wait3A_209] : memref<16x125xi32, #tpu.memory_space<vmem>> -> memref<1x125xi32, #tpu.memory_space<vmem>>
      %dma_wait3A_211 = tpu.memref_squeeze %dma_wait3A_210 : memref<1x125xi32, #tpu.memory_space<vmem>> -> memref<125xi32, #tpu.memory_space<vmem>>
      %dma_wait3A_212 = arith.constant 0 : i32
      %dma_wait3A_213 = arith.constant 0 : i32
      %dma_wait3A_214 = tpu.memref_slice %arg2[%dma_wait3A_212, %dma_wait3A_213] : memref<10000x128xf32, #tpu.memory_space<hbm>> -> memref<10000x128xf32, #tpu.memory_space<hbm>>
      tpu.wait_indirect_dma semaphore(%arg13 : memref<!tpu.dma_semaphore, #tpu.memory_space<semaphore_mem>>) src(%dma_wait3A_214 : memref<10000x128xf32, #tpu.memory_space<hbm>>) dst(%arg10 : memref<125x128xf32, #tpu.memory_space<vmem>>)
      "tpu.region"() ({
        %run_scoped3A = tpu.sem_alloc : memref<!tpu.dma_semaphore, #tpu.memory_space<semaphore_mem>>
        %dma_start3A_316 = arith.constant 0 : i32
        %dma_start3A_317 = tpu.memref_slice %arg8[%add3A_200, %dma_start3A_316] : memref<80x125xi32, #tpu.memory_space<vmem>> -> memref<1x125xi32, #tpu.memory_space<vmem>>
        %dma_start3A_318 = tpu.memref_squeeze %dma_start3A_317 : memref<1x125xi32, #tpu.memory_space<vmem>> -> memref<125xi32, #tpu.memory_space<vmem>>
        %dma_start3A_319 = arith.constant 0 : i32
        %dma_start3A_320 = arith.constant 0 : i32
        %dma_start3A_321 = tpu.memref_slice %arg11[%dma_start3A_319, %dma_start3A_320] : memref<10000x128xf32, #tpu.memory_space<vmem_shared>> -> memref<10000x128xf32, #tpu.memory_space<vmem_shared>>
        tpu.enqueue_indirect_dma source(%arg10 : memref<125x128xf32, #tpu.memory_space<vmem>>) target(%dma_start3A_321 : memref<10000x128xf32, #tpu.memory_space<vmem_shared>>) offsets(%dma_start3A_318 : memref<125xi32, #tpu.memory_space<vmem>>) semaphore(%run_scoped3A : memref<!tpu.dma_semaphore, #tpu.memory_space<semaphore_mem>>) {add = true}
        %dma_wait3A_322 = arith.constant 0 : i32
        %dma_wait3A_323 = tpu.memref_slice %arg8[%add3A_200, %dma_wait3A_322] : memref<80x125xi32, #tpu.memory_space<vmem>> -> memref<1x125xi32, #tpu.memory_space<vmem>>
        %dma_wait3A_324 = tpu.memref_squeeze %dma_wait3A_323 : memref<1x125xi32, #tpu.memory_space<vmem>> -> memref<125xi32, #tpu.memory_space<vmem>>
        %dma_wait3A_325 = arith.constant 0 : i32
        %dma_wait3A_326 = arith.constant 0 : i32
        %dma_wait3A_327 = tpu.memref_slice %arg11[%dma_wait3A_325, %dma_wait3A_326] : memref<10000x128xf32, #tpu.memory_space<vmem_shared>> -> memref<10000x128xf32, #tpu.memory_space<vmem_shared>>
        tpu.wait_indirect_dma semaphore(%run_scoped3A : memref<!tpu.dma_semaphore, #tpu.memory_space<semaphore_mem>>) src(%arg10 : memref<125x128xf32, #tpu.memory_space<vmem>>) dst(%dma_wait3A_327 : memref<10000x128xf32, #tpu.memory_space<vmem_shared>>)
        tpu.yield
      }) : () -> ()
      %mul3A_215 = arith.constant 16 : i32
      %mul3A_216 = arith.muli %mul3A_215, %scan3A_24 : i32
      %add3A_217 = arith.constant 10 : i32
      %add3A_218 = arith.addi %mul3A_216, %add3A_217 : i32
      %dma_start3A_219 = arith.constant 11 : i32
      %dma_start3A_220 = arith.constant 0 : i32
      %dma_start3A_221 = tpu.memref_slice %arg7[%dma_start3A_219, %dma_start3A_220] : memref<16x125xi32, #tpu.memory_space<vmem>> -> memref<1x125xi32, #tpu.memory_space<vmem>>
      %dma_start3A_222 = tpu.memref_squeeze %dma_start3A_221 : memref<1x125xi32, #tpu.memory_space<vmem>> -> memref<125xi32, #tpu.memory_space<vmem>>
      %dma_start3A_223 = arith.constant 0 : i32
      %dma_start3A_224 = arith.constant 0 : i32
      %dma_start3A_225 = tpu.memref_slice %arg2[%dma_start3A_223, %dma_start3A_224] : memref<10000x128xf32, #tpu.memory_space<hbm>> -> memref<10000x128xf32, #tpu.memory_space<hbm>>
      tpu.enqueue_indirect_dma source(%dma_start3A_225 : memref<10000x128xf32, #tpu.memory_space<hbm>>) target(%arg10 : memref<125x128xf32, #tpu.memory_space<vmem>>) offsets(%dma_start3A_222 : memref<125xi32, #tpu.memory_space<vmem>>) semaphore(%arg13 : memref<!tpu.dma_semaphore, #tpu.memory_space<semaphore_mem>>)
      %dma_wait3A_226 = arith.constant 10 : i32
      %dma_wait3A_227 = arith.constant 0 : i32
      %dma_wait3A_228 = tpu.memref_slice %arg7[%dma_wait3A_226, %dma_wait3A_227] : memref<16x125xi32, #tpu.memory_space<vmem>> -> memref<1x125xi32, #tpu.memory_space<vmem>>
      %dma_wait3A_229 = tpu.memref_squeeze %dma_wait3A_228 : memref<1x125xi32, #tpu.memory_space<vmem>> -> memref<125xi32, #tpu.memory_space<vmem>>
      %dma_wait3A_230 = arith.constant 0 : i32
      %dma_wait3A_231 = arith.constant 0 : i32
      %dma_wait3A_232 = tpu.memref_slice %arg2[%dma_wait3A_230, %dma_wait3A_231] : memref<10000x128xf32, #tpu.memory_space<hbm>> -> memref<10000x128xf32, #tpu.memory_space<hbm>>
      tpu.wait_indirect_dma semaphore(%arg12 : memref<!tpu.dma_semaphore, #tpu.memory_space<semaphore_mem>>) src(%dma_wait3A_232 : memref<10000x128xf32, #tpu.memory_space<hbm>>) dst(%arg9 : memref<125x128xf32, #tpu.memory_space<vmem>>)
      "tpu.region"() ({
        %run_scoped3A = tpu.sem_alloc : memref<!tpu.dma_semaphore, #tpu.memory_space<semaphore_mem>>
        %dma_start3A_316 = arith.constant 0 : i32
        %dma_start3A_317 = tpu.memref_slice %arg8[%add3A_218, %dma_start3A_316] : memref<80x125xi32, #tpu.memory_space<vmem>> -> memref<1x125xi32, #tpu.memory_space<vmem>>
        %dma_start3A_318 = tpu.memref_squeeze %dma_start3A_317 : memref<1x125xi32, #tpu.memory_space<vmem>> -> memref<125xi32, #tpu.memory_space<vmem>>
        %dma_start3A_319 = arith.constant 0 : i32
        %dma_start3A_320 = arith.constant 0 : i32
        %dma_start3A_321 = tpu.memref_slice %arg11[%dma_start3A_319, %dma_start3A_320] : memref<10000x128xf32, #tpu.memory_space<vmem_shared>> -> memref<10000x128xf32, #tpu.memory_space<vmem_shared>>
        tpu.enqueue_indirect_dma source(%arg9 : memref<125x128xf32, #tpu.memory_space<vmem>>) target(%dma_start3A_321 : memref<10000x128xf32, #tpu.memory_space<vmem_shared>>) offsets(%dma_start3A_318 : memref<125xi32, #tpu.memory_space<vmem>>) semaphore(%run_scoped3A : memref<!tpu.dma_semaphore, #tpu.memory_space<semaphore_mem>>) {add = true}
        %dma_wait3A_322 = arith.constant 0 : i32
        %dma_wait3A_323 = tpu.memref_slice %arg8[%add3A_218, %dma_wait3A_322] : memref<80x125xi32, #tpu.memory_space<vmem>> -> memref<1x125xi32, #tpu.memory_space<vmem>>
        %dma_wait3A_324 = tpu.memref_squeeze %dma_wait3A_323 : memref<1x125xi32, #tpu.memory_space<vmem>> -> memref<125xi32, #tpu.memory_space<vmem>>
        %dma_wait3A_325 = arith.constant 0 : i32
        %dma_wait3A_326 = arith.constant 0 : i32
        %dma_wait3A_327 = tpu.memref_slice %arg11[%dma_wait3A_325, %dma_wait3A_326] : memref<10000x128xf32, #tpu.memory_space<vmem_shared>> -> memref<10000x128xf32, #tpu.memory_space<vmem_shared>>
        tpu.wait_indirect_dma semaphore(%run_scoped3A : memref<!tpu.dma_semaphore, #tpu.memory_space<semaphore_mem>>) src(%arg9 : memref<125x128xf32, #tpu.memory_space<vmem>>) dst(%dma_wait3A_327 : memref<10000x128xf32, #tpu.memory_space<vmem_shared>>)
        tpu.yield
      }) : () -> ()
      %mul3A_233 = arith.constant 16 : i32
      %mul3A_234 = arith.muli %mul3A_233, %scan3A_24 : i32
      %add3A_235 = arith.constant 11 : i32
      %add3A_236 = arith.addi %mul3A_234, %add3A_235 : i32
      %dma_start3A_237 = arith.constant 12 : i32
      %dma_start3A_238 = arith.constant 0 : i32
      %dma_start3A_239 = tpu.memref_slice %arg7[%dma_start3A_237, %dma_start3A_238] : memref<16x125xi32, #tpu.memory_space<vmem>> -> memref<1x125xi32, #tpu.memory_space<vmem>>
      %dma_start3A_240 = tpu.memref_squeeze %dma_start3A_239 : memref<1x125xi32, #tpu.memory_space<vmem>> -> memref<125xi32, #tpu.memory_space<vmem>>
      %dma_start3A_241 = arith.constant 0 : i32
      %dma_start3A_242 = arith.constant 0 : i32
      %dma_start3A_243 = tpu.memref_slice %arg2[%dma_start3A_241, %dma_start3A_242] : memref<10000x128xf32, #tpu.memory_space<hbm>> -> memref<10000x128xf32, #tpu.memory_space<hbm>>
      tpu.enqueue_indirect_dma source(%dma_start3A_243 : memref<10000x128xf32, #tpu.memory_space<hbm>>) target(%arg9 : memref<125x128xf32, #tpu.memory_space<vmem>>) offsets(%dma_start3A_240 : memref<125xi32, #tpu.memory_space<vmem>>) semaphore(%arg12 : memref<!tpu.dma_semaphore, #tpu.memory_space<semaphore_mem>>)
      %dma_wait3A_244 = arith.constant 11 : i32
      %dma_wait3A_245 = arith.constant 0 : i32
      %dma_wait3A_246 = tpu.memref_slice %arg7[%dma_wait3A_244, %dma_wait3A_245] : memref<16x125xi32, #tpu.memory_space<vmem>> -> memref<1x125xi32, #tpu.memory_space<vmem>>
      %dma_wait3A_247 = tpu.memref_squeeze %dma_wait3A_246 : memref<1x125xi32, #tpu.memory_space<vmem>> -> memref<125xi32, #tpu.memory_space<vmem>>
      %dma_wait3A_248 = arith.constant 0 : i32
      %dma_wait3A_249 = arith.constant 0 : i32
      %dma_wait3A_250 = tpu.memref_slice %arg2[%dma_wait3A_248, %dma_wait3A_249] : memref<10000x128xf32, #tpu.memory_space<hbm>> -> memref<10000x128xf32, #tpu.memory_space<hbm>>
      tpu.wait_indirect_dma semaphore(%arg13 : memref<!tpu.dma_semaphore, #tpu.memory_space<semaphore_mem>>) src(%dma_wait3A_250 : memref<10000x128xf32, #tpu.memory_space<hbm>>) dst(%arg10 : memref<125x128xf32, #tpu.memory_space<vmem>>)
      "tpu.region"() ({
        %run_scoped3A = tpu.sem_alloc : memref<!tpu.dma_semaphore, #tpu.memory_space<semaphore_mem>>
        %dma_start3A_316 = arith.constant 0 : i32
        %dma_start3A_317 = tpu.memref_slice %arg8[%add3A_236, %dma_start3A_316] : memref<80x125xi32, #tpu.memory_space<vmem>> -> memref<1x125xi32, #tpu.memory_space<vmem>>
        %dma_start3A_318 = tpu.memref_squeeze %dma_start3A_317 : memref<1x125xi32, #tpu.memory_space<vmem>> -> memref<125xi32, #tpu.memory_space<vmem>>
        %dma_start3A_319 = arith.constant 0 : i32
        %dma_start3A_320 = arith.constant 0 : i32
        %dma_start3A_321 = tpu.memref_slice %arg11[%dma_start3A_319, %dma_start3A_320] : memref<10000x128xf32, #tpu.memory_space<vmem_shared>> -> memref<10000x128xf32, #tpu.memory_space<vmem_shared>>
        tpu.enqueue_indirect_dma source(%arg10 : memref<125x128xf32, #tpu.memory_space<vmem>>) target(%dma_start3A_321 : memref<10000x128xf32, #tpu.memory_space<vmem_shared>>) offsets(%dma_start3A_318 : memref<125xi32, #tpu.memory_space<vmem>>) semaphore(%run_scoped3A : memref<!tpu.dma_semaphore, #tpu.memory_space<semaphore_mem>>) {add = true}
        %dma_wait3A_322 = arith.constant 0 : i32
        %dma_wait3A_323 = tpu.memref_slice %arg8[%add3A_236, %dma_wait3A_322] : memref<80x125xi32, #tpu.memory_space<vmem>> -> memref<1x125xi32, #tpu.memory_space<vmem>>
        %dma_wait3A_324 = tpu.memref_squeeze %dma_wait3A_323 : memref<1x125xi32, #tpu.memory_space<vmem>> -> memref<125xi32, #tpu.memory_space<vmem>>
        %dma_wait3A_325 = arith.constant 0 : i32
        %dma_wait3A_326 = arith.constant 0 : i32
        %dma_wait3A_327 = tpu.memref_slice %arg11[%dma_wait3A_325, %dma_wait3A_326] : memref<10000x128xf32, #tpu.memory_space<vmem_shared>> -> memref<10000x128xf32, #tpu.memory_space<vmem_shared>>
        tpu.wait_indirect_dma semaphore(%run_scoped3A : memref<!tpu.dma_semaphore, #tpu.memory_space<semaphore_mem>>) src(%arg10 : memref<125x128xf32, #tpu.memory_space<vmem>>) dst(%dma_wait3A_327 : memref<10000x128xf32, #tpu.memory_space<vmem_shared>>)
        tpu.yield
      }) : () -> ()
      %mul3A_251 = arith.constant 16 : i32
      %mul3A_252 = arith.muli %mul3A_251, %scan3A_24 : i32
      %add3A_253 = arith.constant 12 : i32
      %add3A_254 = arith.addi %mul3A_252, %add3A_253 : i32
      %dma_start3A_255 = arith.constant 13 : i32
      %dma_start3A_256 = arith.constant 0 : i32
      %dma_start3A_257 = tpu.memref_slice %arg7[%dma_start3A_255, %dma_start3A_256] : memref<16x125xi32, #tpu.memory_space<vmem>> -> memref<1x125xi32, #tpu.memory_space<vmem>>
      %dma_start3A_258 = tpu.memref_squeeze %dma_start3A_257 : memref<1x125xi32, #tpu.memory_space<vmem>> -> memref<125xi32, #tpu.memory_space<vmem>>
      %dma_start3A_259 = arith.constant 0 : i32
      %dma_start3A_260 = arith.constant 0 : i32
      %dma_start3A_261 = tpu.memref_slice %arg2[%dma_start3A_259, %dma_start3A_260] : memref<10000x128xf32, #tpu.memory_space<hbm>> -> memref<10000x128xf32, #tpu.memory_space<hbm>>
      tpu.enqueue_indirect_dma source(%dma_start3A_261 : memref<10000x128xf32, #tpu.memory_space<hbm>>) target(%arg10 : memref<125x128xf32, #tpu.memory_space<vmem>>) offsets(%dma_start3A_258 : memref<125xi32, #tpu.memory_space<vmem>>) semaphore(%arg13 : memref<!tpu.dma_semaphore, #tpu.memory_space<semaphore_mem>>)
      %dma_wait3A_262 = arith.constant 12 : i32
      %dma_wait3A_263 = arith.constant 0 : i32
      %dma_wait3A_264 = tpu.memref_slice %arg7[%dma_wait3A_262, %dma_wait3A_263] : memref<16x125xi32, #tpu.memory_space<vmem>> -> memref<1x125xi32, #tpu.memory_space<vmem>>
      %dma_wait3A_265 = tpu.memref_squeeze %dma_wait3A_264 : memref<1x125xi32, #tpu.memory_space<vmem>> -> memref<125xi32, #tpu.memory_space<vmem>>
      %dma_wait3A_266 = arith.constant 0 : i32
      %dma_wait3A_267 = arith.constant 0 : i32
      %dma_wait3A_268 = tpu.memref_slice %arg2[%dma_wait3A_266, %dma_wait3A_267] : memref<10000x128xf32, #tpu.memory_space<hbm>> -> memref<10000x128xf32, #tpu.memory_space<hbm>>
      tpu.wait_indirect_dma semaphore(%arg12 : memref<!tpu.dma_semaphore, #tpu.memory_space<semaphore_mem>>) src(%dma_wait3A_268 : memref<10000x128xf32, #tpu.memory_space<hbm>>) dst(%arg9 : memref<125x128xf32, #tpu.memory_space<vmem>>)
      "tpu.region"() ({
        %run_scoped3A = tpu.sem_alloc : memref<!tpu.dma_semaphore, #tpu.memory_space<semaphore_mem>>
        %dma_start3A_316 = arith.constant 0 : i32
        %dma_start3A_317 = tpu.memref_slice %arg8[%add3A_254, %dma_start3A_316] : memref<80x125xi32, #tpu.memory_space<vmem>> -> memref<1x125xi32, #tpu.memory_space<vmem>>
        %dma_start3A_318 = tpu.memref_squeeze %dma_start3A_317 : memref<1x125xi32, #tpu.memory_space<vmem>> -> memref<125xi32, #tpu.memory_space<vmem>>
        %dma_start3A_319 = arith.constant 0 : i32
        %dma_start3A_320 = arith.constant 0 : i32
        %dma_start3A_321 = tpu.memref_slice %arg11[%dma_start3A_319, %dma_start3A_320] : memref<10000x128xf32, #tpu.memory_space<vmem_shared>> -> memref<10000x128xf32, #tpu.memory_space<vmem_shared>>
        tpu.enqueue_indirect_dma source(%arg9 : memref<125x128xf32, #tpu.memory_space<vmem>>) target(%dma_start3A_321 : memref<10000x128xf32, #tpu.memory_space<vmem_shared>>) offsets(%dma_start3A_318 : memref<125xi32, #tpu.memory_space<vmem>>) semaphore(%run_scoped3A : memref<!tpu.dma_semaphore, #tpu.memory_space<semaphore_mem>>) {add = true}
        %dma_wait3A_322 = arith.constant 0 : i32
        %dma_wait3A_323 = tpu.memref_slice %arg8[%add3A_254, %dma_wait3A_322] : memref<80x125xi32, #tpu.memory_space<vmem>> -> memref<1x125xi32, #tpu.memory_space<vmem>>
        %dma_wait3A_324 = tpu.memref_squeeze %dma_wait3A_323 : memref<1x125xi32, #tpu.memory_space<vmem>> -> memref<125xi32, #tpu.memory_space<vmem>>
        %dma_wait3A_325 = arith.constant 0 : i32
        %dma_wait3A_326 = arith.constant 0 : i32
        %dma_wait3A_327 = tpu.memref_slice %arg11[%dma_wait3A_325, %dma_wait3A_326] : memref<10000x128xf32, #tpu.memory_space<vmem_shared>> -> memref<10000x128xf32, #tpu.memory_space<vmem_shared>>
        tpu.wait_indirect_dma semaphore(%run_scoped3A : memref<!tpu.dma_semaphore, #tpu.memory_space<semaphore_mem>>) src(%arg9 : memref<125x128xf32, #tpu.memory_space<vmem>>) dst(%dma_wait3A_327 : memref<10000x128xf32, #tpu.memory_space<vmem_shared>>)
        tpu.yield
      }) : () -> ()
      %mul3A_269 = arith.constant 16 : i32
      %mul3A_270 = arith.muli %mul3A_269, %scan3A_24 : i32
      %add3A_271 = arith.constant 13 : i32
      %add3A_272 = arith.addi %mul3A_270, %add3A_271 : i32
      %dma_start3A_273 = arith.constant 14 : i32
      %dma_start3A_274 = arith.constant 0 : i32
      %dma_start3A_275 = tpu.memref_slice %arg7[%dma_start3A_273, %dma_start3A_274] : memref<16x125xi32, #tpu.memory_space<vmem>> -> memref<1x125xi32, #tpu.memory_space<vmem>>
      %dma_start3A_276 = tpu.memref_squeeze %dma_start3A_275 : memref<1x125xi32, #tpu.memory_space<vmem>> -> memref<125xi32, #tpu.memory_space<vmem>>
      %dma_start3A_277 = arith.constant 0 : i32
      %dma_start3A_278 = arith.constant 0 : i32
      %dma_start3A_279 = tpu.memref_slice %arg2[%dma_start3A_277, %dma_start3A_278] : memref<10000x128xf32, #tpu.memory_space<hbm>> -> memref<10000x128xf32, #tpu.memory_space<hbm>>
      tpu.enqueue_indirect_dma source(%dma_start3A_279 : memref<10000x128xf32, #tpu.memory_space<hbm>>) target(%arg9 : memref<125x128xf32, #tpu.memory_space<vmem>>) offsets(%dma_start3A_276 : memref<125xi32, #tpu.memory_space<vmem>>) semaphore(%arg12 : memref<!tpu.dma_semaphore, #tpu.memory_space<semaphore_mem>>)
      %dma_wait3A_280 = arith.constant 13 : i32
      %dma_wait3A_281 = arith.constant 0 : i32
      %dma_wait3A_282 = tpu.memref_slice %arg7[%dma_wait3A_280, %dma_wait3A_281] : memref<16x125xi32, #tpu.memory_space<vmem>> -> memref<1x125xi32, #tpu.memory_space<vmem>>
      %dma_wait3A_283 = tpu.memref_squeeze %dma_wait3A_282 : memref<1x125xi32, #tpu.memory_space<vmem>> -> memref<125xi32, #tpu.memory_space<vmem>>
      %dma_wait3A_284 = arith.constant 0 : i32
      %dma_wait3A_285 = arith.constant 0 : i32
      %dma_wait3A_286 = tpu.memref_slice %arg2[%dma_wait3A_284, %dma_wait3A_285] : memref<10000x128xf32, #tpu.memory_space<hbm>> -> memref<10000x128xf32, #tpu.memory_space<hbm>>
      tpu.wait_indirect_dma semaphore(%arg13 : memref<!tpu.dma_semaphore, #tpu.memory_space<semaphore_mem>>) src(%dma_wait3A_286 : memref<10000x128xf32, #tpu.memory_space<hbm>>) dst(%arg10 : memref<125x128xf32, #tpu.memory_space<vmem>>)
      "tpu.region"() ({
        %run_scoped3A = tpu.sem_alloc : memref<!tpu.dma_semaphore, #tpu.memory_space<semaphore_mem>>
        %dma_start3A_316 = arith.constant 0 : i32
        %dma_start3A_317 = tpu.memref_slice %arg8[%add3A_272, %dma_start3A_316] : memref<80x125xi32, #tpu.memory_space<vmem>> -> memref<1x125xi32, #tpu.memory_space<vmem>>
        %dma_start3A_318 = tpu.memref_squeeze %dma_start3A_317 : memref<1x125xi32, #tpu.memory_space<vmem>> -> memref<125xi32, #tpu.memory_space<vmem>>
        %dma_start3A_319 = arith.constant 0 : i32
        %dma_start3A_320 = arith.constant 0 : i32
        %dma_start3A_321 = tpu.memref_slice %arg11[%dma_start3A_319, %dma_start3A_320] : memref<10000x128xf32, #tpu.memory_space<vmem_shared>> -> memref<10000x128xf32, #tpu.memory_space<vmem_shared>>
        tpu.enqueue_indirect_dma source(%arg10 : memref<125x128xf32, #tpu.memory_space<vmem>>) target(%dma_start3A_321 : memref<10000x128xf32, #tpu.memory_space<vmem_shared>>) offsets(%dma_start3A_318 : memref<125xi32, #tpu.memory_space<vmem>>) semaphore(%run_scoped3A : memref<!tpu.dma_semaphore, #tpu.memory_space<semaphore_mem>>) {add = true}
        %dma_wait3A_322 = arith.constant 0 : i32
        %dma_wait3A_323 = tpu.memref_slice %arg8[%add3A_272, %dma_wait3A_322] : memref<80x125xi32, #tpu.memory_space<vmem>> -> memref<1x125xi32, #tpu.memory_space<vmem>>
        %dma_wait3A_324 = tpu.memref_squeeze %dma_wait3A_323 : memref<1x125xi32, #tpu.memory_space<vmem>> -> memref<125xi32, #tpu.memory_space<vmem>>
        %dma_wait3A_325 = arith.constant 0 : i32
        %dma_wait3A_326 = arith.constant 0 : i32
        %dma_wait3A_327 = tpu.memref_slice %arg11[%dma_wait3A_325, %dma_wait3A_326] : memref<10000x128xf32, #tpu.memory_space<vmem_shared>> -> memref<10000x128xf32, #tpu.memory_space<vmem_shared>>
        tpu.wait_indirect_dma semaphore(%run_scoped3A : memref<!tpu.dma_semaphore, #tpu.memory_space<semaphore_mem>>) src(%arg10 : memref<125x128xf32, #tpu.memory_space<vmem>>) dst(%dma_wait3A_327 : memref<10000x128xf32, #tpu.memory_space<vmem_shared>>)
        tpu.yield
      }) : () -> ()
      %mul3A_287 = arith.constant 16 : i32
      %mul3A_288 = arith.muli %mul3A_287, %scan3A_24 : i32
      %add3A_289 = arith.constant 14 : i32
      %add3A_290 = arith.addi %mul3A_288, %add3A_289 : i32
      %dma_start3A_291 = arith.constant 15 : i32
      %dma_start3A_292 = arith.constant 0 : i32
      %dma_start3A_293 = tpu.memref_slice %arg7[%dma_start3A_291, %dma_start3A_292] : memref<16x125xi32, #tpu.memory_space<vmem>> -> memref<1x125xi32, #tpu.memory_space<vmem>>
      %dma_start3A_294 = tpu.memref_squeeze %dma_start3A_293 : memref<1x125xi32, #tpu.memory_space<vmem>> -> memref<125xi32, #tpu.memory_space<vmem>>
      %dma_start3A_295 = arith.constant 0 : i32
      %dma_start3A_296 = arith.constant 0 : i32
      %dma_start3A_297 = tpu.memref_slice %arg2[%dma_start3A_295, %dma_start3A_296] : memref<10000x128xf32, #tpu.memory_space<hbm>> -> memref<10000x128xf32, #tpu.memory_space<hbm>>
      tpu.enqueue_indirect_dma source(%dma_start3A_297 : memref<10000x128xf32, #tpu.memory_space<hbm>>) target(%arg10 : memref<125x128xf32, #tpu.memory_space<vmem>>) offsets(%dma_start3A_294 : memref<125xi32, #tpu.memory_space<vmem>>) semaphore(%arg13 : memref<!tpu.dma_semaphore, #tpu.memory_space<semaphore_mem>>)
      %dma_wait3A_298 = arith.constant 14 : i32
      %dma_wait3A_299 = arith.constant 0 : i32
      %dma_wait3A_300 = tpu.memref_slice %arg7[%dma_wait3A_298, %dma_wait3A_299] : memref<16x125xi32, #tpu.memory_space<vmem>> -> memref<1x125xi32, #tpu.memory_space<vmem>>
      %dma_wait3A_301 = tpu.memref_squeeze %dma_wait3A_300 : memref<1x125xi32, #tpu.memory_space<vmem>> -> memref<125xi32, #tpu.memory_space<vmem>>
      %dma_wait3A_302 = arith.constant 0 : i32
      %dma_wait3A_303 = arith.constant 0 : i32
      %dma_wait3A_304 = tpu.memref_slice %arg2[%dma_wait3A_302, %dma_wait3A_303] : memref<10000x128xf32, #tpu.memory_space<hbm>> -> memref<10000x128xf32, #tpu.memory_space<hbm>>
      tpu.wait_indirect_dma semaphore(%arg12 : memref<!tpu.dma_semaphore, #tpu.memory_space<semaphore_mem>>) src(%dma_wait3A_304 : memref<10000x128xf32, #tpu.memory_space<hbm>>) dst(%arg9 : memref<125x128xf32, #tpu.memory_space<vmem>>)
      "tpu.region"() ({
        %run_scoped3A = tpu.sem_alloc : memref<!tpu.dma_semaphore, #tpu.memory_space<semaphore_mem>>
        %dma_start3A_316 = arith.constant 0 : i32
        %dma_start3A_317 = tpu.memref_slice %arg8[%add3A_290, %dma_start3A_316] : memref<80x125xi32, #tpu.memory_space<vmem>> -> memref<1x125xi32, #tpu.memory_space<vmem>>
        %dma_start3A_318 = tpu.memref_squeeze %dma_start3A_317 : memref<1x125xi32, #tpu.memory_space<vmem>> -> memref<125xi32, #tpu.memory_space<vmem>>
        %dma_start3A_319 = arith.constant 0 : i32
        %dma_start3A_320 = arith.constant 0 : i32
        %dma_start3A_321 = tpu.memref_slice %arg11[%dma_start3A_319, %dma_start3A_320] : memref<10000x128xf32, #tpu.memory_space<vmem_shared>> -> memref<10000x128xf32, #tpu.memory_space<vmem_shared>>
        tpu.enqueue_indirect_dma source(%arg9 : memref<125x128xf32, #tpu.memory_space<vmem>>) target(%dma_start3A_321 : memref<10000x128xf32, #tpu.memory_space<vmem_shared>>) offsets(%dma_start3A_318 : memref<125xi32, #tpu.memory_space<vmem>>) semaphore(%run_scoped3A : memref<!tpu.dma_semaphore, #tpu.memory_space<semaphore_mem>>) {add = true}
        %dma_wait3A_322 = arith.constant 0 : i32
        %dma_wait3A_323 = tpu.memref_slice %arg8[%add3A_290, %dma_wait3A_322] : memref<80x125xi32, #tpu.memory_space<vmem>> -> memref<1x125xi32, #tpu.memory_space<vmem>>
        %dma_wait3A_324 = tpu.memref_squeeze %dma_wait3A_323 : memref<1x125xi32, #tpu.memory_space<vmem>> -> memref<125xi32, #tpu.memory_space<vmem>>
        %dma_wait3A_325 = arith.constant 0 : i32
        %dma_wait3A_326 = arith.constant 0 : i32
        %dma_wait3A_327 = tpu.memref_slice %arg11[%dma_wait3A_325, %dma_wait3A_326] : memref<10000x128xf32, #tpu.memory_space<vmem_shared>> -> memref<10000x128xf32, #tpu.memory_space<vmem_shared>>
        tpu.wait_indirect_dma semaphore(%run_scoped3A : memref<!tpu.dma_semaphore, #tpu.memory_space<semaphore_mem>>) src(%arg9 : memref<125x128xf32, #tpu.memory_space<vmem>>) dst(%dma_wait3A_327 : memref<10000x128xf32, #tpu.memory_space<vmem_shared>>)
        tpu.yield
      }) : () -> ()
      %mul3A_305 = arith.constant 16 : i32
      %mul3A_306 = arith.muli %mul3A_305, %scan3A_24 : i32
      %add3A_307 = arith.constant 15 : i32
      %add3A_308 = arith.addi %mul3A_306, %add3A_307 : i32
      %dma_wait3A_309 = arith.constant 15 : i32
      %dma_wait3A_310 = arith.constant 0 : i32
      %dma_wait3A_311 = tpu.memref_slice %arg7[%dma_wait3A_309, %dma_wait3A_310] : memref<16x125xi32, #tpu.memory_space<vmem>> -> memref<1x125xi32, #tpu.memory_space<vmem>>
      %dma_wait3A_312 = tpu.memref_squeeze %dma_wait3A_311 : memref<1x125xi32, #tpu.memory_space<vmem>> -> memref<125xi32, #tpu.memory_space<vmem>>
      %dma_wait3A_313 = arith.constant 0 : i32
      %dma_wait3A_314 = arith.constant 0 : i32
      %dma_wait3A_315 = tpu.memref_slice %arg2[%dma_wait3A_313, %dma_wait3A_314] : memref<10000x128xf32, #tpu.memory_space<hbm>> -> memref<10000x128xf32, #tpu.memory_space<hbm>>
      tpu.wait_indirect_dma semaphore(%arg13 : memref<!tpu.dma_semaphore, #tpu.memory_space<semaphore_mem>>) src(%dma_wait3A_315 : memref<10000x128xf32, #tpu.memory_space<hbm>>) dst(%arg10 : memref<125x128xf32, #tpu.memory_space<vmem>>)
      "tpu.region"() ({
        %run_scoped3A = tpu.sem_alloc : memref<!tpu.dma_semaphore, #tpu.memory_space<semaphore_mem>>
        %dma_start3A_316 = arith.constant 0 : i32
        %dma_start3A_317 = tpu.memref_slice %arg8[%add3A_308, %dma_start3A_316] : memref<80x125xi32, #tpu.memory_space<vmem>> -> memref<1x125xi32, #tpu.memory_space<vmem>>
        %dma_start3A_318 = tpu.memref_squeeze %dma_start3A_317 : memref<1x125xi32, #tpu.memory_space<vmem>> -> memref<125xi32, #tpu.memory_space<vmem>>
        %dma_start3A_319 = arith.constant 0 : i32
        %dma_start3A_320 = arith.constant 0 : i32
        %dma_start3A_321 = tpu.memref_slice %arg11[%dma_start3A_319, %dma_start3A_320] : memref<10000x128xf32, #tpu.memory_space<vmem_shared>> -> memref<10000x128xf32, #tpu.memory_space<vmem_shared>>
        tpu.enqueue_indirect_dma source(%arg10 : memref<125x128xf32, #tpu.memory_space<vmem>>) target(%dma_start3A_321 : memref<10000x128xf32, #tpu.memory_space<vmem_shared>>) offsets(%dma_start3A_318 : memref<125xi32, #tpu.memory_space<vmem>>) semaphore(%run_scoped3A : memref<!tpu.dma_semaphore, #tpu.memory_space<semaphore_mem>>) {add = true}
        %dma_wait3A_322 = arith.constant 0 : i32
        %dma_wait3A_323 = tpu.memref_slice %arg8[%add3A_308, %dma_wait3A_322] : memref<80x125xi32, #tpu.memory_space<vmem>> -> memref<1x125xi32, #tpu.memory_space<vmem>>
        %dma_wait3A_324 = tpu.memref_squeeze %dma_wait3A_323 : memref<1x125xi32, #tpu.memory_space<vmem>> -> memref<125xi32, #tpu.memory_space<vmem>>
        %dma_wait3A_325 = arith.constant 0 : i32
        %dma_wait3A_326 = arith.constant 0 : i32
        %dma_wait3A_327 = tpu.memref_slice %arg11[%dma_wait3A_325, %dma_wait3A_326] : memref<10000x128xf32, #tpu.memory_space<vmem_shared>> -> memref<10000x128xf32, #tpu.memory_space<vmem_shared>>
        tpu.wait_indirect_dma semaphore(%run_scoped3A : memref<!tpu.dma_semaphore, #tpu.memory_space<semaphore_mem>>) src(%arg10 : memref<125x128xf32, #tpu.memory_space<vmem>>) dst(%dma_wait3A_327 : memref<10000x128xf32, #tpu.memory_space<vmem_shared>>)
        tpu.yield
      }) : () -> ()
    }
    %scan3A_13 = arith.constant 5 : i32
    %barrier3A_14 = arith.constant 0 : index
    tpu.barrier barrier_id(%barrier3A_14)
    %mul3A_15 = arith.constant 624 : i32
    %mul3A_16 = arith.muli %arg1, %mul3A_15 : i32
    %mul3A_17 = arith.constant 624 : i32
    %mul3A_18 = arith.muli %arg1, %mul3A_17 : i32
    "tpu.region"() ({
      %run_scoped3A = tpu.sem_alloc : memref<!tpu.dma_semaphore, #tpu.memory_space<semaphore_mem>>
      %dma_start3A = arith.constant 0 : i32
      %dma_start3A_24 = tpu.memref_slice %arg6[%arg0, %mul3A_18, %dma_start3A] : memref<2x10000x128xf32, #tpu.memory_space<hbm>> -> memref<1x624x128xf32, #tpu.memory_space<hbm>>
      %dma_start3A_25 = tpu.memref_squeeze %dma_start3A_24 : memref<1x624x128xf32, #tpu.memory_space<hbm>> -> memref<624x128xf32, #tpu.memory_space<hbm>>
      %dma_start3A_26 = arith.constant 0 : i32
      %dma_start3A_27 = tpu.memref_slice %arg11[%mul3A_16, %dma_start3A_26] : memref<10000x128xf32, #tpu.memory_space<vmem_shared>> -> memref<624x128xf32, #tpu.memory_space<vmem_shared>>
      tpu.enqueue_dma source(%dma_start3A_27 : memref<624x128xf32, #tpu.memory_space<vmem_shared>>) target(%dma_start3A_25 : memref<624x128xf32, #tpu.memory_space<hbm>>) target_semaphore(%run_scoped3A : memref<!tpu.dma_semaphore, #tpu.memory_space<semaphore_mem>>)
      %dma_wait3A = arith.constant 0 : i32
      %dma_wait3A_28 = tpu.memref_slice %arg6[%arg0, %mul3A_18, %dma_wait3A] : memref<2x10000x128xf32, #tpu.memory_space<hbm>> -> memref<1x624x128xf32, #tpu.memory_space<hbm>>
      %dma_wait3A_29 = tpu.memref_squeeze %dma_wait3A_28 : memref<1x624x128xf32, #tpu.memory_space<hbm>> -> memref<624x128xf32, #tpu.memory_space<hbm>>
      %dma_wait3A_30 = arith.constant 0 : i32
      %dma_wait3A_31 = tpu.memref_slice %arg11[%mul3A_16, %dma_wait3A_30] : memref<10000x128xf32, #tpu.memory_space<vmem_shared>> -> memref<624x128xf32, #tpu.memory_space<vmem_shared>>
      tpu.wait_dma2 semaphore(%run_scoped3A : memref<!tpu.dma_semaphore, #tpu.memory_space<semaphore_mem>>) src(%dma_wait3A_31 : memref<624x128xf32, #tpu.memory_space<vmem_shared>>) dst(%dma_wait3A_29 : memref<624x128xf32, #tpu.memory_space<hbm>>)
      tpu.yield
    }) : () -> ()
    %eq3A_19 = arith.constant 15 : i32
    %eq3A_20 = arith.cmpi eq, %arg1, %eq3A_19 : i32
    %convert_element_type3A_21 = arith.extui %eq3A_20 : i1 to i32
    %cond3A_22 = arith.constant 0 : i32
    %cond3A_23 = arith.cmpi ne, %convert_element_type3A_21, %cond3A_22 : i32
    scf.if %cond3A_23 {
      "tpu.region"() ({
        %run_scoped3A = tpu.sem_alloc : memref<!tpu.dma_semaphore, #tpu.memory_space<semaphore_mem>>
        %dma_start3A = arith.constant 9984 : i32
        %dma_start3A_24 = arith.constant 0 : i32
        %dma_start3A_25 = tpu.memref_slice %arg6[%arg0, %dma_start3A, %dma_start3A_24] : memref<2x10000x128xf32, #tpu.memory_space<hbm>> -> memref<1x16x128xf32, #tpu.memory_space<hbm>>
        %dma_start3A_26 = tpu.memref_squeeze %dma_start3A_25 : memref<1x16x128xf32, #tpu.memory_space<hbm>> -> memref<16x128xf32, #tpu.memory_space<hbm>>
        %dma_start3A_27 = arith.constant 9984 : i32
        %dma_start3A_28 = arith.constant 0 : i32
        %dma_start3A_29 = tpu.memref_slice %arg11[%dma_start3A_27, %dma_start3A_28] : memref<10000x128xf32, #tpu.memory_space<vmem_shared>> -> memref<16x128xf32, #tpu.memory_space<vmem_shared>>
        tpu.enqueue_dma source(%dma_start3A_29 : memref<16x128xf32, #tpu.memory_space<vmem_shared>>) target(%dma_start3A_26 : memref<16x128xf32, #tpu.memory_space<hbm>>) target_semaphore(%run_scoped3A : memref<!tpu.dma_semaphore, #tpu.memory_space<semaphore_mem>>)
        %dma_wait3A = arith.constant 9984 : i32
        %dma_wait3A_30 = arith.constant 0 : i32
        %dma_wait3A_31 = tpu.memref_slice %arg6[%arg0, %dma_wait3A, %dma_wait3A_30] : memref<2x10000x128xf32, #tpu.memory_space<hbm>> -> memref<1x16x128xf32, #tpu.memory_space<hbm>>
        %dma_wait3A_32 = tpu.memref_squeeze %dma_wait3A_31 : memref<1x16x128xf32, #tpu.memory_space<hbm>> -> memref<16x128xf32, #tpu.memory_space<hbm>>
        %dma_wait3A_33 = arith.constant 9984 : i32
        %dma_wait3A_34 = arith.constant 0 : i32
        %dma_wait3A_35 = tpu.memref_slice %arg11[%dma_wait3A_33, %dma_wait3A_34] : memref<10000x128xf32, #tpu.memory_space<vmem_shared>> -> memref<16x128xf32, #tpu.memory_space<vmem_shared>>
        tpu.wait_dma2 semaphore(%run_scoped3A : memref<!tpu.dma_semaphore, #tpu.memory_space<semaphore_mem>>) src(%dma_wait3A_35 : memref<16x128xf32, #tpu.memory_space<vmem_shared>>) dst(%dma_wait3A_32 : memref<16x128xf32, #tpu.memory_space<hbm>>)
        tpu.yield
      }) : () -> ()
    } else {
    }
    return
  }
}

module attributes {stable_mosaic.version = 14 : i64} {
  func.func @_tc1_body(%arg0: i32, %arg1: memref<400x128xf32, #tpu.memory_space<vmem>>, %arg2: memref<128x128xf32, #tpu.memory_space<vmem>>, %arg3: memref<2x400x1xf32, #tpu.memory_space<vmem>>, %arg4: memref<400x128xf32, #tpu.memory_space<vmem>>, %arg5: memref<400x1xf32, #tpu.memory_space<vmem>>) attributes {dimension_semantics = [#tpu.dimension_semantics<arbitrary>], iteration_bounds = array<i64: 25>, scalar_prefetch = 0 : i64, scratch_operands = 0 : i64, tpu.core_type = #tpu.core_type<tc>, window_params = [{transform_indices = @transform_0, window_bounds = array<i64: 400, 128>}, {pipeline_mode = #tpu.pipeline_mode<synchronous>, transform_indices = @transform_1, window_bounds = array<i64: 128, 128>}, {transform_indices = @transform_2, window_bounds = array<i64: 2, 400, 1>}, {transform_indices = @transform_3, window_bounds = array<i64: 400, 128>}, {transform_indices = @transform_4, window_bounds = array<i64: 400, 1>}]} {
    %get3A = arith.constant 0 : index
    %get3A_0 = arith.constant 0 : index
    %get3A_1 = arith.constant 0 : index
    %get3A_2 = vector.load %arg3[%get3A, %get3A_0, %get3A_1] : memref<2x400x1xf32, #tpu.memory_space<vmem>>, vector<1x400x1xf32>
    %get3A_3 = vector.shape_cast %get3A_2 : vector<1x400x1xf32> to vector<400x1xf32>
    %get3A_4 = arith.constant 1 : index
    %get3A_5 = arith.constant 0 : index
    %get3A_6 = arith.constant 0 : index
    %get3A_7 = vector.load %arg3[%get3A_4, %get3A_5, %get3A_6] : memref<2x400x1xf32, #tpu.memory_space<vmem>>, vector<1x400x1xf32>
    %get3A_8 = vector.shape_cast %get3A_7 : vector<1x400x1xf32> to vector<400x1xf32>
    %add3A = arith.addf %get3A_3, %get3A_8 : vector<400x1xf32>
    %add3A_9 = arith.constant 1.000000e+00 : f32
    %add3A_10 = vector.broadcast %add3A_9 : f32 to vector<400x1xf32>
    %add3A_11 = arith.addf %add3A, %add3A_10 : vector<400x1xf32>
    %rsqrt3A = math.rsqrt %add3A_11 : vector<400x1xf32>
    %get3A_12 = arith.constant 0 : index
    %get3A_13 = arith.constant 0 : index
    %get3A_14 = vector.load %arg1[%get3A_12, %get3A_13] : memref<400x128xf32, #tpu.memory_space<vmem>>, vector<400x128xf32>
    %get3A_15 = arith.constant 0 : index
    %get3A_16 = arith.constant 0 : index
    %get3A_17 = vector.load %arg2[%get3A_15, %get3A_16] : memref<128x128xf32, #tpu.memory_space<vmem>>, vector<128x128xf32>
    %dot_general3A = arith.constant dense<0.000000e+00> : vector<400x128xf32>
    %dot_general3A_18 = tpu.matmul %get3A_14, %get3A_17, %dot_general3A {dimension_numbers = #tpu.dot_dimension_numbers<[1], [0], [0], [1], [0, 0, 1, 1], [], []>, transpose_lhs_hint = false} : vector<400x128xf32>, vector<128x128xf32>, vector<400x128xf32> -> vector<400x128xf32>
    %mul3A = vector.broadcast %rsqrt3A : vector<400x1xf32> to vector<400x128xf32>
    %mul3A_19 = arith.mulf %dot_general3A_18, %mul3A : vector<400x128xf32>
    %swap3A = arith.constant 0 : index
    %swap3A_20 = arith.constant 0 : index
    %swap3A_21 = vector.load %arg4[%swap3A, %swap3A_20] : memref<400x128xf32, #tpu.memory_space<vmem>>, vector<400x128xf32>
    tpu.vector_store %arg4[%swap3A, %swap3A_20], %mul3A_19 {strides = array<i32>} : memref<400x128xf32, #tpu.memory_space<vmem>>, vector<400x128xf32>,
    %swap3A_22 = arith.constant 0 : index
    %swap3A_23 = arith.constant 0 : index
    %swap3A_24 = vector.load %arg5[%swap3A_22, %swap3A_23] : memref<400x1xf32, #tpu.memory_space<vmem>>, vector<400x1xf32>
    tpu.vector_store %arg5[%swap3A_22, %swap3A_23], %rsqrt3A {strides = array<i32>} : memref<400x1xf32, #tpu.memory_space<vmem>>, vector<400x1xf32>,
    return
  }
  func.func @transform_0(%arg0: i32) -> (i32, i32) {
    %c0_i32 = arith.constant 0 : i32
    %c0_i32_0 = arith.constant 0 : i32
    return %arg0, %c0_i32 : i32, i32
  }
  func.func @transform_1(%arg0: i32) -> (i32, i32) {
    %c0_i32 = arith.constant 0 : i32
    %c0_i32_0 = arith.constant 0 : i32
    %c0_i32_1 = arith.constant 0 : i32
    return %c0_i32, %c0_i32_0 : i32, i32
  }
  func.func @transform_2(%arg0: i32) -> (i32, i32, i32) {
    %c0_i32 = arith.constant 0 : i32
    %c0_i32_0 = arith.constant 0 : i32
    %c0_i32_1 = arith.constant 0 : i32
    return %c0_i32, %arg0, %c0_i32_0 : i32, i32, i32
  }
  func.func @transform_3(%arg0: i32) -> (i32, i32) {
    %c0_i32 = arith.constant 0 : i32
    %c0_i32_0 = arith.constant 0 : i32
    return %arg0, %c0_i32 : i32, i32
  }
  func.func @transform_4(%arg0: i32) -> (i32, i32) {
    %c0_i32 = arith.constant 0 : i32
    %c0_i32_0 = arith.constant 0 : i32
    return %arg0, %c0_i32 : i32, i32
  }
}

module attributes {stable_mosaic.version = 14 : i64} {
  func.func @_tc2_body(%arg0: i32, %arg1: memref<2x400x128xf32, #tpu.memory_space<vmem>>, %arg2: memref<400x128xf32, #tpu.memory_space<vmem>>, %arg3: memref<400x1xf32, #tpu.memory_space<vmem>>, %arg4: memref<1x128xf32, #tpu.memory_space<vmem>>, %arg5: memref<128x128xf32, #tpu.memory_space<vmem>>, %arg6: memref<400x128xf32, #tpu.memory_space<vmem>>) attributes {dimension_semantics = [#tpu.dimension_semantics<arbitrary>], iteration_bounds = array<i64: 25>, scalar_prefetch = 0 : i64, scratch_operands = 0 : i64, tpu.core_type = #tpu.core_type<tc>, window_params = [{transform_indices = @transform_0, window_bounds = array<i64: 2, 400, 128>}, {transform_indices = @transform_1, window_bounds = array<i64: 400, 128>}, {transform_indices = @transform_2, window_bounds = array<i64: 400, 1>}, {pipeline_mode = #tpu.pipeline_mode<synchronous>, transform_indices = @transform_3, window_bounds = array<i64: 1, 128>}, {pipeline_mode = #tpu.pipeline_mode<synchronous>, transform_indices = @transform_4, window_bounds = array<i64: 128, 128>}, {transform_indices = @transform_5, window_bounds = array<i64: 400, 128>}]} {
    %get3A = arith.constant 0 : index
    %get3A_0 = arith.constant 0 : index
    %get3A_1 = arith.constant 0 : index
    %get3A_2 = vector.load %arg1[%get3A, %get3A_0, %get3A_1] : memref<2x400x128xf32, #tpu.memory_space<vmem>>, vector<1x400x128xf32>
    %get3A_3 = vector.shape_cast %get3A_2 : vector<1x400x128xf32> to vector<400x128xf32>
    %get3A_4 = arith.constant 1 : index
    %get3A_5 = arith.constant 0 : index
    %get3A_6 = arith.constant 0 : index
    %get3A_7 = vector.load %arg1[%get3A_4, %get3A_5, %get3A_6] : memref<2x400x128xf32, #tpu.memory_space<vmem>>, vector<1x400x128xf32>
    %get3A_8 = vector.shape_cast %get3A_7 : vector<1x400x128xf32> to vector<400x128xf32>
    %add3A = arith.addf %get3A_3, %get3A_8 : vector<400x128xf32>
    %get3A_9 = arith.constant 0 : index
    %get3A_10 = arith.constant 0 : index
    %get3A_11 = vector.load %arg2[%get3A_9, %get3A_10] : memref<400x128xf32, #tpu.memory_space<vmem>>, vector<400x128xf32>
    %add3A_12 = arith.addf %add3A, %get3A_11 : vector<400x128xf32>
    %get3A_13 = arith.constant 0 : index
    %get3A_14 = arith.constant 0 : index
    %get3A_15 = vector.load %arg3[%get3A_13, %get3A_14] : memref<400x1xf32, #tpu.memory_space<vmem>>, vector<400x1xf32>
    %mul3A = vector.broadcast %get3A_15 : vector<400x1xf32> to vector<400x128xf32>
    %mul3A_16 = arith.mulf %add3A_12, %mul3A : vector<400x128xf32>
    %get3A_17 = arith.constant 0 : index
    %get3A_18 = arith.constant 0 : index
    %get3A_19 = vector.load %arg4[%get3A_17, %get3A_18] : memref<1x128xf32, #tpu.memory_space<vmem>>, vector<1x128xf32>
    %add3A_20 = vector.broadcast %get3A_19 : vector<1x128xf32> to vector<400x128xf32>
    %add3A_21 = arith.addf %mul3A_16, %add3A_20 : vector<400x128xf32>
    %max3A = arith.constant 0.000000e+00 : f32
    %max3A_22 = vector.broadcast %max3A : f32 to vector<400x128xf32>
    %max3A_23 = arith.maximumf %add3A_21, %max3A_22 : vector<400x128xf32>
    %get3A_24 = arith.constant 0 : index
    %get3A_25 = arith.constant 0 : index
    %get3A_26 = vector.load %arg5[%get3A_24, %get3A_25] : memref<128x128xf32, #tpu.memory_space<vmem>>, vector<128x128xf32>
    %dot_general3A = arith.constant dense<0.000000e+00> : vector<400x128xf32>
    %dot_general3A_27 = tpu.matmul %max3A_23, %get3A_26, %dot_general3A {dimension_numbers = #tpu.dot_dimension_numbers<[1], [0], [0], [1], [0, 0, 1, 1], [], []>, transpose_lhs_hint = false} : vector<400x128xf32>, vector<128x128xf32>, vector<400x128xf32> -> vector<400x128xf32>
    %get3A_28 = arith.constant 0 : index
    %get3A_29 = arith.constant 0 : index
    %get3A_30 = vector.load %arg3[%get3A_28, %get3A_29] : memref<400x1xf32, #tpu.memory_space<vmem>>, vector<400x1xf32>
    %mul3A_31 = vector.broadcast %get3A_30 : vector<400x1xf32> to vector<400x128xf32>
    %mul3A_32 = arith.mulf %dot_general3A_27, %mul3A_31 : vector<400x128xf32>
    %swap3A = arith.constant 0 : index
    %swap3A_33 = arith.constant 0 : index
    %swap3A_34 = vector.load %arg6[%swap3A, %swap3A_33] : memref<400x128xf32, #tpu.memory_space<vmem>>, vector<400x128xf32>
    tpu.vector_store %arg6[%swap3A, %swap3A_33], %mul3A_32 {strides = array<i32>} : memref<400x128xf32, #tpu.memory_space<vmem>>, vector<400x128xf32>,
    return
  }
  func.func @transform_0(%arg0: i32) -> (i32, i32, i32) {
    %c0_i32 = arith.constant 0 : i32
    %c0_i32_0 = arith.constant 0 : i32
    %c0_i32_1 = arith.constant 0 : i32
    return %c0_i32, %arg0, %c0_i32_0 : i32, i32, i32
  }
  func.func @transform_1(%arg0: i32) -> (i32, i32) {
    %c0_i32 = arith.constant 0 : i32
    %c0_i32_0 = arith.constant 0 : i32
    return %arg0, %c0_i32 : i32, i32
  }
  func.func @transform_2(%arg0: i32) -> (i32, i32) {
    %c0_i32 = arith.constant 0 : i32
    %c0_i32_0 = arith.constant 0 : i32
    return %arg0, %c0_i32 : i32, i32
  }
  func.func @transform_3(%arg0: i32) -> (i32, i32) {
    %c0_i32 = arith.constant 0 : i32
    %c0_i32_0 = arith.constant 0 : i32
    %c0_i32_1 = arith.constant 0 : i32
    return %c0_i32, %c0_i32_0 : i32, i32
  }
  func.func @transform_4(%arg0: i32) -> (i32, i32) {
    %c0_i32 = arith.constant 0 : i32
    %c0_i32_0 = arith.constant 0 : i32
    %c0_i32_1 = arith.constant 0 : i32
    return %c0_i32, %c0_i32_0 : i32, i32
  }
  func.func @transform_5(%arg0: i32) -> (i32, i32) {
    %c0_i32 = arith.constant 0 : i32
    %c0_i32_0 = arith.constant 0 : i32
    return %arg0, %c0_i32 : i32, i32
  }
}

module attributes {stable_mosaic.version = 14 : i64} {
  func.func @_tc3_body(%arg0: i32, %arg1: memref<2x400x128xf32, #tpu.memory_space<vmem>>, %arg2: memref<400x128xf32, #tpu.memory_space<vmem>>, %arg3: memref<400x1xf32, #tpu.memory_space<vmem>>, %arg4: memref<1x128xf32, #tpu.memory_space<vmem>>, %arg5: memref<400x128xf32, #tpu.memory_space<vmem>>) attributes {dimension_semantics = [#tpu.dimension_semantics<arbitrary>], iteration_bounds = array<i64: 25>, scalar_prefetch = 0 : i64, scratch_operands = 0 : i64, tpu.core_type = #tpu.core_type<tc>, window_params = [{transform_indices = @transform_0, window_bounds = array<i64: 2, 400, 128>}, {transform_indices = @transform_1, window_bounds = array<i64: 400, 128>}, {transform_indices = @transform_2, window_bounds = array<i64: 400, 1>}, {pipeline_mode = #tpu.pipeline_mode<synchronous>, transform_indices = @transform_3, window_bounds = array<i64: 1, 128>}, {transform_indices = @transform_4, window_bounds = array<i64: 400, 128>}]} {
    %get3A = arith.constant 0 : index
    %get3A_0 = arith.constant 0 : index
    %get3A_1 = arith.constant 0 : index
    %get3A_2 = vector.load %arg1[%get3A, %get3A_0, %get3A_1] : memref<2x400x128xf32, #tpu.memory_space<vmem>>, vector<1x400x128xf32>
    %get3A_3 = vector.shape_cast %get3A_2 : vector<1x400x128xf32> to vector<400x128xf32>
    %get3A_4 = arith.constant 1 : index
    %get3A_5 = arith.constant 0 : index
    %get3A_6 = arith.constant 0 : index
    %get3A_7 = vector.load %arg1[%get3A_4, %get3A_5, %get3A_6] : memref<2x400x128xf32, #tpu.memory_space<vmem>>, vector<1x400x128xf32>
    %get3A_8 = vector.shape_cast %get3A_7 : vector<1x400x128xf32> to vector<400x128xf32>
    %add3A = arith.addf %get3A_3, %get3A_8 : vector<400x128xf32>
    %get3A_9 = arith.constant 0 : index
    %get3A_10 = arith.constant 0 : index
    %get3A_11 = vector.load %arg2[%get3A_9, %get3A_10] : memref<400x128xf32, #tpu.memory_space<vmem>>, vector<400x128xf32>
    %add3A_12 = arith.addf %add3A, %get3A_11 : vector<400x128xf32>
    %get3A_13 = arith.constant 0 : index
    %get3A_14 = arith.constant 0 : index
    %get3A_15 = vector.load %arg3[%get3A_13, %get3A_14] : memref<400x1xf32, #tpu.memory_space<vmem>>, vector<400x1xf32>
    %mul3A = vector.broadcast %get3A_15 : vector<400x1xf32> to vector<400x128xf32>
    %mul3A_16 = arith.mulf %add3A_12, %mul3A : vector<400x128xf32>
    %get3A_17 = arith.constant 0 : index
    %get3A_18 = arith.constant 0 : index
    %get3A_19 = vector.load %arg4[%get3A_17, %get3A_18] : memref<1x128xf32, #tpu.memory_space<vmem>>, vector<1x128xf32>
    %add3A_20 = vector.broadcast %get3A_19 : vector<1x128xf32> to vector<400x128xf32>
    %add3A_21 = arith.addf %mul3A_16, %add3A_20 : vector<400x128xf32>
    %swap3A = arith.constant 0 : index
    %swap3A_22 = arith.constant 0 : index
    %swap3A_23 = vector.load %arg5[%swap3A, %swap3A_22] : memref<400x128xf32, #tpu.memory_space<vmem>>, vector<400x128xf32>
    tpu.vector_store %arg5[%swap3A, %swap3A_22], %add3A_21 {strides = array<i32>} : memref<400x128xf32, #tpu.memory_space<vmem>>, vector<400x128xf32>,
    return
  }
  func.func @transform_0(%arg0: i32) -> (i32, i32, i32) {
    %c0_i32 = arith.constant 0 : i32
    %c0_i32_0 = arith.constant 0 : i32
    %c0_i32_1 = arith.constant 0 : i32
    return %c0_i32, %arg0, %c0_i32_0 : i32, i32, i32
  }
  func.func @transform_1(%arg0: i32) -> (i32, i32) {
    %c0_i32 = arith.constant 0 : i32
    %c0_i32_0 = arith.constant 0 : i32
    return %arg0, %c0_i32 : i32, i32
  }
  func.func @transform_2(%arg0: i32) -> (i32, i32) {
    %c0_i32 = arith.constant 0 : i32
    %c0_i32_0 = arith.constant 0 : i32
    return %arg0, %c0_i32 : i32, i32
  }
  func.func @transform_3(%arg0: i32) -> (i32, i32) {
    %c0_i32 = arith.constant 0 : i32
    %c0_i32_0 = arith.constant 0 : i32
    %c0_i32_1 = arith.constant 0 : i32
    return %c0_i32, %c0_i32_0 : i32, i32
  }
  func.func @transform_4(%arg0: i32) -> (i32, i32) {
    %c0_i32 = arith.constant 0 : i32
    %c0_i32_0 = arith.constant 0 : i32
    return %arg0, %c0_i32 : i32, i32
  }
}

</mosaic_0001>

<sc_bundles>
// kernel: kernel.11.cloned.1.call-start
scs
__scs_entry_jumppad:
0x0: {  	(pc) =	sbr.rel $0x88, $3  }
0x1: {  	(tag) =	ssettag $0x0;
	lr =	simm.s32 $0x1  }
0x2: {  	[smem:$0x3F9B] =	sst lr;
	_ =	strace $0xD0000000  }
0x3: {  	_ = 	snop  }
0x4: {  	_ = 	snop  }
0x5: {  	_ = 	snop  }
0x6: {  	_ = 	snop  }
0x7: {  	_ = 	snop  }
__scs_overlays_trampoline_lowered:
0x8: {  	[smem:$0x3FAA] =	sst s0  }
0x9: {  	[smem:$0x3FAB] =	sst s1  }
0xa: {  	[smem:$0x3FAC] =	sst s2  }
0xb: {  	[smem:$0x3FAD] =	sst s3  }
0xc: {  	[smem:$0x3FAE] =	sst s4  }
0xd: {  	[smem:$0x3FAF] =	sst s5  }
0xe: {  	[smem:$0x3FB0] =	sst s6  }
0xf: {  	[smem:$0x3FB1] =	sst s7  }
0x10: {  	[smem:$0x3FB2] =	sst s8  }
0x11: {  	[smem:$0x3FB3] =	sst s9;
	s0 =	simm.s32 @!p0 $0x0  }
0x12: {  	s1 =	sld [smem:$0x3F99];
	s0 =	simm.s32 @p0 $0x1  }
0x13: {  	[smem:$0x3FB4] =	sst s0;
	s0 =	simm.s32 @!p1 $0x0  }
0x14: {  	s2 =	sld [smem:$0x3F98];
	s0 =	simm.s32 @p1 $0x1  }
0x15: {  	[smem:$0x3FB5] =	sst s0;
	s0 =	simm.s32 @!p2 $0x0  }
0x16: {  	s3 =	sld [smem:$0x3FDB];
	s0 =	simm.s32 @p2 $0x1  }
0x17: {  	s4 =	simm.s32 $0x1BF5;
	[smem:$0x3FB7] =	sst s0  }
0x18: {  	s0 =	sld [smem:$0x3F9A];
	_ =	swait.ge [sflag:s4], $0x0  }
0x19: {  	s7 =	sld [smem:$0x3F9B]  }
0x1a: {  	s8 =	sadd.s32 $0xFFFFE003, lr  }
0x1b: {  	s9 =	sadd.s32 $0xFFFFFEF7, lr;
	s5 =	simm.s32 $0xFFFFFFFF;
	p2 =	slt.u32 s8, $0xFFFFF086  }
0x1c: {  	p1 =	slt.u32 s9, $0xF7A;
	s5 =	simm.s32 @!p2 $0x0  }
0x1d: {  	s5 =	simm.s32 @p1 $0x1;
	p0 =	seq.s32 s7, s2  }
0x1e: {  	s7 =	smul.u32 @!p0 $0xF7A, s2;
	p2 =	seq.s32 @!p0 s5, $0x0  }
0x1f: {  	s9 =	smul.u32 $0xF7A, s1;
	s8 =	simm.s32 @!p0 $0x1BF5;
	p2 =	por !p2, p0  }
0x20: {  	[sflag:s8] =	ssyncset.s32 @!p0 $0xFFFFF086;
	s6 =	sadd.s32 @!p0 s3, s7;
	s7 =	simm.s32 @!p0 $0x108  }
0x21: {  	s3 =	sadd.s32 s3, s9;
	s6 =	sadd.s32 @!p0 $0x88, s6;
	s7 =	simm.s32 @p2 $0x1082  }
0x22: {  	[simem:s7], [sflag:s8] =	dma.local @!p0 [hbm:s6], $0xF7A  }
0x23: {  	s9 =	sor.u32 $0xD0000000, s2;
	s6 =	simm.s32 $0x108;
	_ =	swait.ge @!p0 [sflag:s8], $0x0  }
0x24: {  	s3 =	sadd.s32 $0x88, s3;
	s6 =	simm.s32 @!p1 $0x1082;
	[sflag:s4] =	ssyncset.s32 $0xFFFFF086  }
0x25: {  	[simem:s6], [sflag:s4] =	dma.local [hbm:s3], $0xF7A  }
0x26: {  	[smem:$0x3F9B] =	sst s1;
	(tag) =	ssettag s2;
	_ =	strace s9  }
0x27: {  	s1 =	sld [smem:$0x3FAB]  }
0x28: {  	s2 =	sld [smem:$0x3FAC]  }
0x29: {  	s4 =	sld [smem:$0x3FAE]  }
0x2a: {  	p0 =	seq.s32 s5, $0x0;
	s5 =	sld [smem:$0x3FAF]  }
0x2b: {  	s6 =	sld [smem:$0x3FB0]  }
0x2c: {  	s7 =	sld [smem:$0x3FB1]  }
0x2d: {  	s3 =	simm.s32 $0x108;
	s8 =	sld [smem:$0x3FB2]  }
0x2e: {  	s3 =	simm.s32 @!p0 $0x1082;
	s9 =	sld [smem:$0x3FB3]  }
0x2f: {  	lr =	sadd.s32 s0, s3;
	s0 =	sld [smem:$0x3FAA]  }
0x30: {  	s3 =	sld [smem:$0x3FAD]  }
0x31: {  	[smem:$0x3FB6] =	sst s10  }
0x32: {  	s10 =	sld [smem:$0x3FB4];
	_ =	sdelay $0x3  }
0x33: {  	p0 =	seq.s32 s10, $0x1;
	s10 =	sld [smem:$0x3FB6];
	_ =	sdelay $0x3  }
0x34: {  	[smem:$0x3FB6] =	sst s10  }
0x35: {  	s10 =	sld [smem:$0x3FB5];
	_ =	sdelay $0x3  }
0x36: {  	p1 =	seq.s32 s10, $0x1;
	s10 =	sld [smem:$0x3FB6];
	_ =	sdelay $0x3  }
0x37: {  	[smem:$0x3FB6] =	sst s10  }
0x38: {  	s10 =	sld [smem:$0x3FB7]  }
0x39: {  	_ = 	snop;
	(pc) =	sbr.ind lr, $3  }
0x3a: {  	_ = 	snop  }
0x3b: {  	_ = 	snop  }
0x3c: {  	p2 =	seq.s32 s10, $0x1;
	s10 =	sld [smem:$0x3FB6]  }
0x3d: {  	_ =	shalt  }
0x3e: {  	_ =	shalt  }
0x3f: {  	_ =	shalt  }
0x40: {  	_ =	shalt  }
0x41: {  	_ =	shalt  }
0x42: {  	_ =	shalt  }
0x43: {  	_ =	shalt  }
0x44: {  	_ =	shalt  }
0x45: {  	_ =	shalt  }
0x46: {  	_ =	shalt  }
0x47: {  	_ =	shalt  }
0x48: {  	_ =	shalt  }
0x49: {  	_ =	shalt  }
0x4a: {  	_ =	shalt  }
0x4b: {  	_ =	shalt  }
0x4c: {  	_ =	shalt  }
0x4d: {  	_ =	shalt  }
0x4e: {  	_ =	shalt  }
0x4f: {  	_ =	shalt  }
0x50: {  	_ =	shalt  }
0x51: {  	_ =	shalt  }
0x52: {  	_ =	shalt  }
0x53: {  	_ =	shalt  }
0x54: {  	_ =	shalt  }
0x55: {  	_ =	shalt  }
0x56: {  	_ =	shalt  }
0x57: {  	_ =	shalt  }
0x58: {  	_ =	shalt  }
0x59: {  	_ =	shalt  }
0x5a: {  	_ =	shalt  }
0x5b: {  	_ =	shalt  }
0x5c: {  	_ =	shalt  }
0x5d: {  	_ =	shalt  }
0x5e: {  	_ =	shalt  }
0x5f: {  	_ =	shalt  }
0x60: {  	_ =	shalt  }
0x61: {  	_ =	shalt  }
0x62: {  	_ =	shalt  }
0x63: {  	_ =	shalt  }
0x64: {  	_ =	shalt  }
0x65: {  	_ =	shalt  }
0x66: {  	_ =	shalt  }
0x67: {  	_ =	shalt  }
0x68: {  	_ =	shalt  }
0x69: {  	_ =	shalt  }
0x6a: {  	_ =	shalt  }
0x6b: {  	_ =	shalt  }
0x6c: {  	_ =	shalt  }
0x6d: {  	_ =	shalt  }
0x6e: {  	_ =	shalt  }
0x6f: {  	_ =	shalt  }
0x70: {  	_ =	shalt  }
0x71: {  	_ =	shalt  }
0x72: {  	_ =	shalt  }
0x73: {  	_ =	shalt  }
0x74: {  	_ =	shalt  }
0x75: {  	_ =	shalt  }
0x76: {  	_ =	shalt  }
0x77: {  	_ =	shalt  }
0x78: {  	_ =	shalt  }
0x79: {  	_ =	shalt  }
0x7a: {  	_ =	shalt  }
0x7b: {  	_ =	shalt  }
0x7c: {  	_ =	shalt  }
0x7d: {  	_ =	shalt  }
0x7e: {  	_ =	shalt  }
0x7f: {  	_ =	shalt  }
0x80: {  	_ =	shalt  }
0x81: {  	_ =	shalt  }
0x82: {  	_ =	shalt  }
0x83: {  	_ =	shalt  }
0x84: {  	_ =	shalt  }
0x85: {  	_ =	shalt  }
0x86: {  	_ =	shalt  }
0x87: {  	_ =	shalt  }
.Lfunc_end0:
.L_simem_size_0:
called_computation.1_lowered:
.L_overlay_start_0:
0x88: {  	s2 =	sld [smem:$0x3FD9]  }
0x89: {  	s3 =	sld [smem:$0x3FFE];
	_ =	sdelay $0x1  }
0x8a: {  	s1 =	srdreg.scid  }
0x8b: {  	s0 =	sand.u32 $0x1, s1  }
0x8c: {  	s17 =	sshll.u32 s0, $0xA;
	s2 =	sadd.s32 s3, s2  }
0x8d: {  	s2 =	sadd.s32 s2, s17  }
0x8e: {  	[smem:$0x3FC2] =	sst s2  }
0x8f: {  	_ = 	snop  }
0x90: {  	s2 =	sld [smem:$0x3FD0];
	(tm) =	ssettm $0x1  }
0x91: {  	s18 =	sld [smem:$0x3FFB];
	_ =	sdelay $0x3  }
0x92: {  	_ =	strace s18  }
0x93: {  	s3 =	sld [smem:$0x3FFC];
	_ =	sdelay $0x3  }
0x94: {  	_ =	strace s3  }
0x95: {  	s3 =	sld [smem:$0x3FFD];
	_ =	sdelay $0x3  }
0x96: {  	_ =	strace s3  }
0x97: {  	_ =	strace $0x8FFFFFFF  }
0x98: {  	s19 =	sld [smem:$0x3FDB];
	_ =	sdelay $0x1  }
0x99: {  	s4 =	simm.s32 $_scs_section_size  }
0x9a: {  	s5 =	simm.s32 $_size__tile_overlayer_lowered;
	s6 =	simm.s32 $_tile_overlayer_lowered  }
0x9b: {  	s22 =	simm.s32 $0x1BFF;
	s21 =	sshll.u32 s6, $0x1;
	s3 =	sadd.s32 s4, s19  }
0x9c: {  	s7 =	simm.s32 $0x0;
	s20 =	sshll.u32 s5, $0x1;
	s5 =	sadd.s32 s21, s3  }
0x9d: {  	[timem:s7], [sflag:s22] =	dma.local [hbm:s5], s20  }
0x9e: {  	_ =	swait.ge [sflag:s22], s20  }
0x9f: {  	s4 =	ssub.s32 $0x0, s20;
	[sflag:s22] =	ssyncset.done $0x0  }
0xa0: {  	[sflag:s22] =	ssyncadd.s32 s4;
	_ =	sdelay $0x1  }
0xa1: {  	s23 =	simm.s32 $0x1B8B  }
0xa2: {  	_ =	swait.ge [sflag:s23], $0x1  }
0xa3: {  	[sflag:s23] =	ssyncset.done $0x0  }
0xa4: {  	s25 =	simm.s32 $0x1B8E;
	s24 =	sld [smem:$0x3FFE];
	[sflag:s23] =	ssyncadd.s32 $0xFFFFFFFF  }
0xa5: {  	s26 =	simm.s32 $execute0_lowered;
	[smem:$0x3FD2] =	sst s25  }
0xa6: {  	s5 =	sshll.u32 s26, $0x1;
	_ =	strace $0x80000049;
	[dreg:$0x1] =	wrdreg $0xFFFFFFFF  }
0xa7: {  	s28 =	simm.s32 $_size_execute0_lowered;
	s3 =	sadd.s32 s3, s5;
	[dreg:$0x0] =	wrdreg $0x0  }
0xa8: {  	s5 =	sshll.u32 s28, $0x1;
	[dreg:$0x2] =	wrdreg s3  }
0xa9: {  	[dreg:$0x3] =	wrdreg s5  }
0xaa: {  	[dreg:$0x4] =	wrdreg $0xC0  }
0xab: {  	_ =	task [dreg:s7], $0x5FFFF  }
0xac: {  	[dreg:$0x1] =	wrdreg $0xFFFFFFFF  }
0xad: {  	[dreg:$0x0] =	wrdreg $0x60  }
0xae: {  	[dreg:$0x2] =	wrdreg s2  }
0xaf: {  	[dreg:$0x3] =	wrdreg s24  }
0xb0: {  	[dreg:$0x4] =	wrdreg $0xB0000  }
0xb1: {  	[dreg:$0x5] =	wrdreg $0x9  }
0xb2: {  	_ =	task.clear_ibuf [dreg:s7], $0x6FFFF;
	_ =	strace $0x90000049  }
0xb3: {  	s29 =	simm.s32 $0x9;
	_ =	strace $0x8000004B  }
0xb4: {  	_ =	swait.ge [sflag:s29], $0x1  }
0xb5: {  	[sflag:s29] =	ssyncadd.s32 $0xFFFFFFFF  }
0xb6: {  	_ =	strace $0x9000004B  }
0xb7: {  	_ =	sfence  }
0xb8: {  	s30 =	sld [smem:$0x0];
	_ =	sdelay $0x2  }
0xb9: {  	s31 =	sshll.u32 s1, $0xD;
	s1 =	sshrl.u32 s1, $0x2  }
0xba: {  	s3 =	sand.u32 $0x4000, s31;
	s1 =	sadd.s32 s1, s30  }
0xbb: {  	s0 =	sor.u32 s3, s0;
	s1 =	sshll.u32 s1, $0x11  }
0xbc: {  	s0 =	sor.u32 s1, s0  }
0xbd: {  	s0 =	sadd.s32 $0x8F2B, s0  }
0xbe: {  	[sflag:s0] =	ssyncadd.remote.s32 $0x1  }
0xbf: {  	_ =	sfence.sel $0xFFFF  }
0xc0: {  	[dreg:$0x0] =	wrdreg $0xFFFFFFFF;
	(pc) =	sbr.abs _section_cstart, $3  }
0xc1: {  	[dreg:$0x1] =	wrdreg $0xFFFFFFFF  }
0xc2: {  	_ =	task.clear_ibuf [dreg:s7], $0x2FFFF;
	_ =	strace $0x9FFFFFFF  }
0xc3: {  	(tm) =	ssettm $0x7FFFFFFF  }
tec
execute0_lowered:
.L_overlay_start_1:
0x0: {  	(tag) =	ssettag $0x1  }
0x1: {  	s1 =	rddreg [dreg:$0x0]  }
0x2: {  	s7 =	rddreg [dreg:$0x1]  }
0x3: {  	s0 =	srdreg.scid;
	s3 =	rddreg [dreg:$0x2];
	s4 =	simm.s32 $0x0  }
0x4: {  	s25 =	simm.s32 $0x80;
	s26 =	simm.s32 $0x100;
	s28 =	simm.s32 $0x200  }
0x5: {  	s29 =	simm.s32 $0x280;
	s30 =	simm.s32 $0x300;
	s31 =	simm.s32 $0x580  }
0x6: {  	s5 =	sand.u32 $0x1, s0;
	s0 =	stileid.u32;
	[smem:$0x7FF] =	sst s4  }
0x7: {  	s13 =	sadd.s32 $0x3DE00, s7;
	s2 =	sshll.u32 s5, $0x4;
	s6 =	smul.u32 $0x5000, s5  }
0x8: {  	s9 =	smul.u32 $0x13800, s0;
	s8 =	sor.u32 s0, s2;
	s2 =	rddreg [dreg:$0x3]  }
0x9: {  	s12 =	smul.u32 $0x4E000, s0;
	_ =	strace $0x8000004A;
	[dreg:$0x4] =	wrdreg s25  }
0xa: {  	s16 =	sadd.s32 $0x138000, s3;
	s20 =	smul.u32 $0x138800, s5;
	[dreg:$0x5] =	wrdreg s26  }
0xb: {  	s11 =	ssub.s32 $0x2, s5;
	s22 =	smul.u32 $0x500, s0;
	[dreg:$0x7] =	wrdreg s28  }
0xc: {  	p0 =	sne.s32 s0, $0xF;
	s17 =	sshll.u32 s0, $0x6;
	[dreg:$0x8] =	wrdreg s29  }
0xd: {  	s14 =	sshrl.u32 s11, $0x1;
	s16 =	sshrl.u32 @!p0 s16, $0x3;
	[dreg:$0x9] =	wrdreg s30  }
0xe: {  	[dreg:$0xe] =	wrdreg s31;
	s25 =	simm.s32 $0x780;
	s26 =	simm.s32 $0x0  }
0xf: {  	s8 =	smul.u32 $0x500, s8;
	s10 =	sadd.s32 s6, s7;
	s19 =	sshrl.u32 s9, $0x3  }
0x10: {  	s11 =	ssub.s32 s11, s14;
	s12 =	sshrl.u32 s12, $0x2;
	s21 =	sadd.s32 s9, s20  }
0x11: {  	s23 =	sshrl.u32 s20, $0x3;
	s14 =	sor.u32 $0x1C03, s17;
	s17 =	simm.s32 $0x7D  }
0x12: {  	s20 =	simm.s32 $0x400;
	s15 =	sadd.s32 s12, s3;
	s12 =	sadd.s32 s13, s23  }
0x13: {  	s24 =	sadd.s32 s22, s10;
	s10 =	smax.u32 s11, $0x1;
	[dreg:$0xb] =	wrdreg s20  }
0x14: {  	s20 =	simm.s32 $0x1;
	s22 =	simm.s32 $0x500;
	s23 =	simm.s32 $0x680  }
0x15: {  	s18 =	sadd.s32 s8, s7;
	s8 =	sadd.s32 s19, s7;
	s7 =	sadd.s32 $0x3DC00, s7  }
0x16: {  	s9 =	sadd.s32 $0x27000, s12;
	s11 =	sadd.s32 $0xCC00, s24;
	s12 =	simm.s32 $0x800  }
0x17: {  	s15 =	sshrl.u32 s15, $0x3;
	s19 =	simm.s32 $0x380;
	[dreg:$0xd] =	wrdreg s22  }
0x18: {  	s22 =	simm.s32 $0x600;
	s24 =	simm.s32 $0x700;
	s5 =	sadd.s32 $0x2200, s18  }
0x19: {  	s6 =	sadd.s32 $0x16C00, s8;
	s8 =	sshrl.u32 s21, $0x3;
	s18 =	simm.s32 $0x180  }
0x1a: {  	[dreg:$0xa] =	wrdreg s19;
	s19 =	simm.s32 $0x7000;
	s21 =	simm.s32 $0x480  }
0x1b: {  	s8 =	sadd.s32 s13, s8;
	s13 =	simm.s32 $0x3;
	[dreg:$0x6] =	wrdreg s18  }
0x1c: {  	s18 =	simm.s32 $0x3000;
	[dreg:$0xc] =	wrdreg s21;
	s21 =	simm.s32 $0x2  }
.LBB2_1:
0x1d: {  	[tilespmem:s12], [sflag:$0x3] =	stream.linear.gather [hbm4b:s5+s4], $0x2800, $0x38;
	[tilespmem:$0x1E880] =	vst v63  }
0x1e: {  	_ =	swait.ge [sflag:s13], $0x2800  }
0x1f: {  	[sflag:s13] =	ssyncset.done $0x0  }
0x20: {  	[sflag:s13] =	ssyncadd.s32 $0xFFFFD800  }
0x21: {  	[spmem:s15], [sflag:s14] =	dma.local [hbm:s6], $0x2700  }
0x22: {  	_ =	swait.ge [sflag:s13], $0x2700  }
0x23: {  	[sflag:s13] =	ssyncset.done $0x0  }
0x24: {  	s28 =	simm.s32 @!p0 $0x3;
	[sflag:s13] =	ssyncadd.s32 $0xFFFFD900  }
0x25: {  	[spmem:s16], [sflag:s14] =	dma.local @!p0 [hbm:s7], $0x100  }
0x26: {  	_ =	swait.ge @!p0 [sflag:s28], $0x100  }
0x27: {  	[sflag:s28] =	ssyncset.done @!p0 $0x0  }
0x28: {  	[sflag:s28] =	ssyncadd.s32 @!p0 $0xFFFFFF00  }
0x29: {  	[bflag:$0x0] =	sbarrier.arrive $0xFFFF  }
0x2a: {  	[tilespmem:s4], [sflag:$0x3] =	stream.linear.gather [hbm4b:s11+s4], $0x800, $0x38;
	[tilespmem:$0x1E880] =	vst v63  }
0x2b: {  	_ =	swait.ge [sflag:s13], $0x800  }
0x2c: {  	[sflag:s13] =	ssyncset.done $0x0  }
0x2d: {  	[sflag:s13] =	ssyncadd.s32 $0xFFFFF800  }
0x2e: {  	[tilespmem:s18], [sflag:$0x1] =	stream.indirect.gather [hbm4b:s1+s17], $0x80, s4, s17, $0xb8;
	[tilespmem:$0x1E880] =	vst v63  }
0x2f: {  	s28 =	rddreg [dreg:$0x4]  }
0x30: {  	[tilespmem:s19], [sflag:$0x2] =	stream.indirect.gather [hbm4b:s1+s17], $0x80, s28, s17, $0xb8;
	[tilespmem:$0x1E880] =	vst v63  }
0x31: {  	_ =	swait.ge [sflag:s20], $0x3E80  }
0x32: {  	[sflag:s20] =	ssyncset.done $0x0  }
0x33: {  	s28 =	simm.s32 $0x800;
	[sflag:s20] =	ssyncadd.s32 $0xFFFFC180  }
0x34: {  	[spmem:s3] =	stream.indirect.scatter.add.f32 [tilespmem:s18], [sflag:$0x3], $0x80, s28, s17, $0xb8;
	[tilespmem:$0x1E880] =	vst v63  }
0x35: {  	_ =	swait.ge [sflag:s13], $0x3E80  }
0x36: {  	[sflag:s13] =	ssyncset.done $0x0  }
0x37: {  	s28 =	rddreg [dreg:$0x5];
	[sflag:s13] =	ssyncadd.s32 $0xFFFFC180  }
0x38: {  	[tilespmem:s18], [sflag:$0x1] =	stream.indirect.gather [hbm4b:s1+s17], $0x80, s28, s17, $0xb8;
	[tilespmem:$0x1E880] =	vst v63  }
0x39: {  	_ =	swait.ge [sflag:s21], $0x3E80  }
0x3a: {  	[sflag:s21] =	ssyncset.done $0x0  }
0x3b: {  	s28 =	simm.s32 $0x880;
	[sflag:s21] =	ssyncadd.s32 $0xFFFFC180  }
0x3c: {  	[spmem:s3] =	stream.indirect.scatter.add.f32 [tilespmem:s19], [sflag:$0x3], $0x80, s28, s17, $0xb8;
	[tilespmem:$0x1E880] =	vst v63  }
0x3d: {  	_ =	swait.ge [sflag:s13], $0x3E80  }
0x3e: {  	[sflag:s13] =	ssyncset.done $0x0  }
0x3f: {  	s28 =	rddreg [dreg:$0x6];
	[sflag:s13] =	ssyncadd.s32 $0xFFFFC180  }
0x40: {  	[tilespmem:s19], [sflag:$0x2] =	stream.indirect.gather [hbm4b:s1+s17], $0x80, s28, s17, $0xb8;
	[tilespmem:$0x1E880] =	vst v63  }
0x41: {  	_ =	swait.ge [sflag:s20], $0x3E80  }
0x42: {  	[sflag:s20] =	ssyncset.done $0x0  }
0x43: {  	s28 =	simm.s32 $0x900;
	[sflag:s20] =	ssyncadd.s32 $0xFFFFC180  }
0x44: {  	[spmem:s3] =	stream.indirect.scatter.add.f32 [tilespmem:s18], [sflag:$0x3], $0x80, s28, s17, $0xb8;
	[tilespmem:$0x1E880] =	vst v63  }
0x45: {  	_ =	swait.ge [sflag:s13], $0x3E80  }
0x46: {  	[sflag:s13] =	ssyncset.done $0x0  }
0x47: {  	s28 =	rddreg [dreg:$0x7];
	[sflag:s13] =	ssyncadd.s32 $0xFFFFC180  }
0x48: {  	[tilespmem:s18], [sflag:$0x1] =	stream.indirect.gather [hbm4b:s1+s17], $0x80, s28, s17, $0xb8;
	[tilespmem:$0x1E880] =	vst v63  }
0x49: {  	_ =	swait.ge [sflag:s21], $0x3E80  }
0x4a: {  	[sflag:s21] =	ssyncset.done $0x0  }
0x4b: {  	s28 =	simm.s32 $0x980;
	[sflag:s21] =	ssyncadd.s32 $0xFFFFC180  }
0x4c: {  	[spmem:s3] =	stream.indirect.scatter.add.f32 [tilespmem:s19], [sflag:$0x3], $0x80, s28, s17, $0xb8;
	[tilespmem:$0x1E880] =	vst v63  }
0x4d: {  	_ =	swait.ge [sflag:s13], $0x3E80  }
0x4e: {  	[sflag:s13] =	ssyncset.done $0x0  }
0x4f: {  	s28 =	rddreg [dreg:$0x8];
	[sflag:s13] =	ssyncadd.s32 $0xFFFFC180  }
0x50: {  	[tilespmem:s19], [sflag:$0x2] =	stream.indirect.gather [hbm4b:s1+s17], $0x80, s28, s17, $0xb8;
	[tilespmem:$0x1E880] =	vst v63  }
0x51: {  	_ =	swait.ge [sflag:s20], $0x3E80  }
0x52: {  	[sflag:s20] =	ssyncset.done $0x0  }
0x53: {  	s28 =	simm.s32 $0xA00;
	[sflag:s20] =	ssyncadd.s32 $0xFFFFC180  }
0x54: {  	[spmem:s3] =	stream.indirect.scatter.add.f32 [tilespmem:s18], [sflag:$0x3], $0x80, s28, s17, $0xb8;
	[tilespmem:$0x1E880] =	vst v63  }
0x55: {  	_ =	swait.ge [sflag:s13], $0x3E80  }
0x56: {  	[sflag:s13] =	ssyncset.done $0x0  }
0x57: {  	s28 =	rddreg [dreg:$0x9];
	[sflag:s13] =	ssyncadd.s32 $0xFFFFC180  }
0x58: {  	[tilespmem:s18], [sflag:$0x1] =	stream.indirect.gather [hbm4b:s1+s17], $0x80, s28, s17, $0xb8;
	[tilespmem:$0x1E880] =	vst v63  }
0x59: {  	_ =	swait.ge [sflag:s21], $0x3E80  }
0x5a: {  	[sflag:s21] =	ssyncset.done $0x0  }
0x5b: {  	s28 =	simm.s32 $0xA80;
	[sflag:s21] =	ssyncadd.s32 $0xFFFFC180  }
0x5c: {  	[spmem:s3] =	stream.indirect.scatter.add.f32 [tilespmem:s19], [sflag:$0x3], $0x80, s28, s17, $0xb8;
	[tilespmem:$0x1E880] =	vst v63  }
0x5d: {  	_ =	swait.ge [sflag:s13], $0x3E80  }
0x5e: {  	[sflag:s13] =	ssyncset.done $0x0  }
0x5f: {  	s28 =	rddreg [dreg:$0xa];
	[sflag:s13] =	ssyncadd.s32 $0xFFFFC180  }
0x60: {  	[tilespmem:s19], [sflag:$0x2] =	stream.indirect.gather [hbm4b:s1+s17], $0x80, s28, s17, $0xb8;
	[tilespmem:$0x1E880] =	vst v63  }
0x61: {  	_ =	swait.ge [sflag:s20], $0x3E80  }
0x62: {  	[sflag:s20] =	ssyncset.done $0x0  }
0x63: {  	s28 =	simm.s32 $0xB00;
	[sflag:s20] =	ssyncadd.s32 $0xFFFFC180  }
0x64: {  	[spmem:s3] =	stream.indirect.scatter.add.f32 [tilespmem:s18], [sflag:$0x3], $0x80, s28, s17, $0xb8;
	[tilespmem:$0x1E880] =	vst v63  }
0x65: {  	_ =	swait.ge [sflag:s13], $0x3E80  }
0x66: {  	[sflag:s13] =	ssyncset.done $0x0  }
0x67: {  	s28 =	rddreg [dreg:$0xb];
	[sflag:s13] =	ssyncadd.s32 $0xFFFFC180  }
0x68: {  	[tilespmem:s18], [sflag:$0x1] =	stream.indirect.gather [hbm4b:s1+s17], $0x80, s28, s17, $0xb8;
	[tilespmem:$0x1E880] =	vst v63  }
0x69: {  	_ =	swait.ge [sflag:s21], $0x3E80  }
0x6a: {  	[sflag:s21] =	ssyncset.done $0x0  }
0x6b: {  	s28 =	simm.s32 $0xB80;
	[sflag:s21] =	ssyncadd.s32 $0xFFFFC180  }
0x6c: {  	[spmem:s3] =	stream.indirect.scatter.add.f32 [tilespmem:s19], [sflag:$0x3], $0x80, s28, s17, $0xb8;
	[tilespmem:$0x1E880] =	vst v63  }
0x6d: {  	_ =	swait.ge [sflag:s13], $0x3E80  }
0x6e: {  	[sflag:s13] =	ssyncset.done $0x0  }
0x6f: {  	s28 =	rddreg [dreg:$0xc];
	[sflag:s13] =	ssyncadd.s32 $0xFFFFC180  }
0x70: {  	[tilespmem:s19], [sflag:$0x2] =	stream.indirect.gather [hbm4b:s1+s17], $0x80, s28, s17, $0xb8;
	[tilespmem:$0x1E880] =	vst v63  }
0x71: {  	_ =	swait.ge [sflag:s20], $0x3E80  }
0x72: {  	[sflag:s20] =	ssyncset.done $0x0  }
0x73: {  	s28 =	simm.s32 $0xC00;
	[sflag:s20] =	ssyncadd.s32 $0xFFFFC180  }
0x74: {  	[spmem:s3] =	stream.indirect.scatter.add.f32 [tilespmem:s18], [sflag:$0x3], $0x80, s28, s17, $0xb8;
	[tilespmem:$0x1E880] =	vst v63  }
0x75: {  	_ =	swait.ge [sflag:s13], $0x3E80  }
0x76: {  	[sflag:s13] =	ssyncset.done $0x0  }
0x77: {  	s28 =	rddreg [dreg:$0xd];
	[sflag:s13] =	ssyncadd.s32 $0xFFFFC180  }
0x78: {  	[tilespmem:s18], [sflag:$0x1] =	stream.indirect.gather [hbm4b:s1+s17], $0x80, s28, s17, $0xb8;
	[tilespmem:$0x1E880] =	vst v63  }
0x79: {  	_ =	swait.ge [sflag:s21], $0x3E80  }
0x7a: {  	[sflag:s21] =	ssyncset.done $0x0  }
0x7b: {  	s28 =	simm.s32 $0xC80;
	[sflag:s21] =	ssyncadd.s32 $0xFFFFC180  }
0x7c: {  	[spmem:s3] =	stream.indirect.scatter.add.f32 [tilespmem:s19], [sflag:$0x3], $0x80, s28, s17, $0xb8;
	[tilespmem:$0x1E880] =	vst v63  }
0x7d: {  	_ =	swait.ge [sflag:s13], $0x3E80  }
0x7e: {  	[sflag:s13] =	ssyncset.done $0x0  }
0x7f: {  	s28 =	rddreg [dreg:$0xe];
	[sflag:s13] =	ssyncadd.s32 $0xFFFFC180  }
0x80: {  	[tilespmem:s19], [sflag:$0x2] =	stream.indirect.gather [hbm4b:s1+s17], $0x80, s28, s17, $0xb8;
	[tilespmem:$0x1E880] =	vst v63  }
0x81: {  	_ =	swait.ge [sflag:s20], $0x3E80  }
0x82: {  	[sflag:s20] =	ssyncset.done $0x0  }
0x83: {  	s28 =	simm.s32 $0xD00;
	[sflag:s20] =	ssyncadd.s32 $0xFFFFC180  }
0x84: {  	[spmem:s3] =	stream.indirect.scatter.add.f32 [tilespmem:s18], [sflag:$0x3], $0x80, s28, s17, $0xb8;
	[tilespmem:$0x1E880] =	vst v63  }
0x85: {  	_ =	swait.ge [sflag:s13], $0x3E80  }
0x86: {  	[sflag:s13] =	ssyncset.done $0x0  }
0x87: {  	[sflag:s13] =	ssyncadd.s32 $0xFFFFC180  }
0x88: {  	[tilespmem:s18], [sflag:$0x1] =	stream.indirect.gather [hbm4b:s1+s17], $0x80, s22, s17, $0xb8;
	[tilespmem:$0x1E880] =	vst v63  }
0x89: {  	_ =	swait.ge [sflag:s21], $0x3E80  }
0x8a: {  	[sflag:s21] =	ssyncset.done $0x0  }
0x8b: {  	s28 =	simm.s32 $0xD80;
	[sflag:s21] =	ssyncadd.s32 $0xFFFFC180  }
0x8c: {  	[spmem:s3] =	stream.indirect.scatter.add.f32 [tilespmem:s19], [sflag:$0x3], $0x80, s28, s17, $0xb8;
	[tilespmem:$0x1E880] =	vst v63  }
0x8d: {  	_ =	swait.ge [sflag:s13], $0x3E80  }
0x8e: {  	[sflag:s13] =	ssyncset.done $0x0  }
0x8f: {  	[sflag:s13] =	ssyncadd.s32 $0xFFFFC180  }
0x90: {  	[tilespmem:s19], [sflag:$0x2] =	stream.indirect.gather [hbm4b:s1+s17], $0x80, s23, s17, $0xb8;
	[tilespmem:$0x1E880] =	vst v63  }
0x91: {  	_ =	swait.ge [sflag:s20], $0x3E80  }
0x92: {  	[sflag:s20] =	ssyncset.done $0x0  }
0x93: {  	s28 =	simm.s32 $0xE00;
	[sflag:s20] =	ssyncadd.s32 $0xFFFFC180  }
0x94: {  	[spmem:s3] =	stream.indirect.scatter.add.f32 [tilespmem:s18], [sflag:$0x3], $0x80, s28, s17, $0xb8;
	[tilespmem:$0x1E880] =	vst v63  }
0x95: {  	_ =	swait.ge [sflag:s13], $0x3E80  }
0x96: {  	[sflag:s13] =	ssyncset.done $0x0  }
0x97: {  	[sflag:s13] =	ssyncadd.s32 $0xFFFFC180  }
0x98: {  	[tilespmem:s18], [sflag:$0x1] =	stream.indirect.gather [hbm4b:s1+s17], $0x80, s24, s17, $0xb8;
	[tilespmem:$0x1E880] =	vst v63  }
0x99: {  	_ =	swait.ge [sflag:s21], $0x3E80  }
0x9a: {  	[sflag:s21] =	ssyncset.done $0x0  }
0x9b: {  	s28 =	simm.s32 $0xE80;
	[sflag:s21] =	ssyncadd.s32 $0xFFFFC180  }
0x9c: {  	[spmem:s3] =	stream.indirect.scatter.add.f32 [tilespmem:s19], [sflag:$0x3], $0x80, s28, s17, $0xb8;
	[tilespmem:$0x1E880] =	vst v63  }
0x9d: {  	_ =	swait.ge [sflag:s13], $0x3E80  }
0x9e: {  	[sflag:s13] =	ssyncset.done $0x0  }
0x9f: {  	[sflag:s13] =	ssyncadd.s32 $0xFFFFC180  }
0xa0: {  	[tilespmem:s19], [sflag:$0x2] =	stream.indirect.gather [hbm4b:s1+s17], $0x80, s25, s17, $0xb8;
	[tilespmem:$0x1E880] =	vst v63  }
0xa1: {  	_ =	swait.ge [sflag:s20], $0x3E80  }
0xa2: {  	[sflag:s20] =	ssyncset.done $0x0  }
0xa3: {  	s28 =	simm.s32 $0xF00;
	[sflag:s20] =	ssyncadd.s32 $0xFFFFC180  }
0xa4: {  	[spmem:s3] =	stream.indirect.scatter.add.f32 [tilespmem:s18], [sflag:$0x3], $0x80, s28, s17, $0xb8;
	[tilespmem:$0x1E880] =	vst v63  }
0xa5: {  	_ =	swait.ge [sflag:s13], $0x3E80  }
0xa6: {  	[sflag:s13] =	ssyncset.done $0x0  }
0xa7: {  	[sflag:s13] =	ssyncadd.s32 $0xFFFFC180  }
0xa8: {  	_ =	swait.ge [sflag:s21], $0x3E80  }
0xa9: {  	[sflag:s21] =	ssyncset.done $0x0  }
0xaa: {  	s28 =	simm.s32 $0xF80;
	[sflag:s21] =	ssyncadd.s32 $0xFFFFC180  }
0xab: {  	[spmem:s3] =	stream.indirect.scatter.add.f32 [tilespmem:s19], [sflag:$0x3], $0x80, s28, s17, $0xb8;
	[tilespmem:$0x1E880] =	vst v63  }
0xac: {  	_ =	swait.ge [sflag:s13], $0x3E80  }
0xad: {  	s29 =	smov.u32 s11;
	s28 =	simm.s32 $0x2000;
	[sflag:s13] =	ssyncset.done $0x0  }
.LBB2_2:
0xae: {  	[sflag:s13] =	ssyncadd.s32 $0xFFFFC180;
	s29 =	sadd.s32 $0x100, s29  }
0xaf: {  	[tilespmem:s4], [sflag:$0x3] =	stream.linear.gather [hbm4b:s29+s4], $0x800, $0x38;
	[tilespmem:$0x1E880] =	vst v63  }
0xb0: {  	_ =	swait.ge [sflag:s13], $0x800  }
0xb1: {  	[sflag:s13] =	ssyncset.done $0x0  }
0xb2: {  	[sflag:s13] =	ssyncadd.s32 $0xFFFFF800  }
0xb3: {  	[tilespmem:s18], [sflag:$0x1] =	stream.indirect.gather [hbm4b:s1+s17], $0x80, s4, s17, $0xb8;
	[tilespmem:$0x1E880] =	vst v63  }
0xb4: {  	s31 =	rddreg [dreg:$0x4]  }
0xb5: {  	[tilespmem:s19], [sflag:$0x2] =	stream.indirect.gather [hbm4b:s1+s17], $0x80, s31, s17, $0xb8;
	[tilespmem:$0x1E880] =	vst v63  }
0xb6: {  	s30 =	smov.u32 s28;
	_ =	swait.ge [sflag:s20], $0x3E80  }
0xb7: {  	s30 =	sshra.s32 s30, $0x2;
	[sflag:s20] =	ssyncset.done $0x0  }
0xb8: {  	s31 =	sadd.s32 $0x800, s30;
	[sflag:s20] =	ssyncadd.s32 $0xFFFFC180  }
0xb9: {  	[spmem:s3] =	stream.indirect.scatter.add.f32 [tilespmem:s18], [sflag:$0x3], $0x80, s31, s17, $0xb8;
	[tilespmem:$0x1E880] =	vst v63  }
0xba: {  	_ =	swait.ge [sflag:s13], $0x3E80  }
0xbb: {  	[sflag:s13] =	ssyncset.done $0x0  }
0xbc: {  	s31 =	rddreg [dreg:$0x5];
	[sflag:s13] =	ssyncadd.s32 $0xFFFFC180  }
0xbd: {  	[tilespmem:s18], [sflag:$0x1] =	stream.indirect.gather [hbm4b:s1+s17], $0x80, s31, s17, $0xb8;
	[tilespmem:$0x1E880] =	vst v63  }
0xbe: {  	_ =	swait.ge [sflag:s21], $0x3E80  }
0xbf: {  	[sflag:s21] =	ssyncset.done $0x0  }
0xc0: {  	s31 =	sadd.s32 $0x880, s30;
	[sflag:s21] =	ssyncadd.s32 $0xFFFFC180  }
0xc1: {  	[spmem:s3] =	stream.indirect.scatter.add.f32 [tilespmem:s19], [sflag:$0x3], $0x80, s31, s17, $0xb8;
	[tilespmem:$0x1E880] =	vst v63  }
0xc2: {  	_ =	swait.ge [sflag:s13], $0x3E80  }
0xc3: {  	[sflag:s13] =	ssyncset.done $0x0  }
0xc4: {  	s31 =	rddreg [dreg:$0x6];
	[sflag:s13] =	ssyncadd.s32 $0xFFFFC180  }
0xc5: {  	[tilespmem:s19], [sflag:$0x2] =	stream.indirect.gather [hbm4b:s1+s17], $0x80, s31, s17, $0xb8;
	[tilespmem:$0x1E880] =	vst v63  }
0xc6: {  	_ =	swait.ge [sflag:s20], $0x3E80  }
0xc7: {  	[sflag:s20] =	ssyncset.done $0x0  }
0xc8: {  	s31 =	sadd.s32 $0x900, s30;
	[sflag:s20] =	ssyncadd.s32 $0xFFFFC180  }
0xc9: {  	[spmem:s3] =	stream.indirect.scatter.add.f32 [tilespmem:s18], [sflag:$0x3], $0x80, s31, s17, $0xb8;
	[tilespmem:$0x1E880] =	vst v63  }
0xca: {  	_ =	swait.ge [sflag:s13], $0x3E80  }
0xcb: {  	[sflag:s13] =	ssyncset.done $0x0  }
0xcc: {  	s31 =	rddreg [dreg:$0x7];
	[sflag:s13] =	ssyncadd.s32 $0xFFFFC180  }
0xcd: {  	[tilespmem:s18], [sflag:$0x1] =	stream.indirect.gather [hbm4b:s1+s17], $0x80, s31, s17, $0xb8;
	[tilespmem:$0x1E880] =	vst v63  }
0xce: {  	_ =	swait.ge [sflag:s21], $0x3E80  }
0xcf: {  	[sflag:s21] =	ssyncset.done $0x0  }
0xd0: {  	s31 =	sadd.s32 $0x980, s30;
	[sflag:s21] =	ssyncadd.s32 $0xFFFFC180  }
0xd1: {  	[spmem:s3] =	stream.indirect.scatter.add.f32 [tilespmem:s19], [sflag:$0x3], $0x80, s31, s17, $0xb8;
	[tilespmem:$0x1E880] =	vst v63  }
0xd2: {  	_ =	swait.ge [sflag:s13], $0x3E80  }
0xd3: {  	[sflag:s13] =	ssyncset.done $0x0  }
0xd4: {  	s31 =	rddreg [dreg:$0x8];
	[sflag:s13] =	ssyncadd.s32 $0xFFFFC180  }
0xd5: {  	[tilespmem:s19], [sflag:$0x2] =	stream.indirect.gather [hbm4b:s1+s17], $0x80, s31, s17, $0xb8;
	[tilespmem:$0x1E880] =	vst v63  }
0xd6: {  	_ =	swait.ge [sflag:s20], $0x3E80  }
0xd7: {  	[sflag:s20] =	ssyncset.done $0x0  }
0xd8: {  	s31 =	sadd.s32 $0xA00, s30;
	[sflag:s20] =	ssyncadd.s32 $0xFFFFC180  }
0xd9: {  	[spmem:s3] =	stream.indirect.scatter.add.f32 [tilespmem:s18], [sflag:$0x3], $0x80, s31, s17, $0xb8;
	[tilespmem:$0x1E880] =	vst v63  }
0xda: {  	_ =	swait.ge [sflag:s13], $0x3E80  }
0xdb: {  	[sflag:s13] =	ssyncset.done $0x0  }
0xdc: {  	s31 =	rddreg [dreg:$0x9];
	[sflag:s13] =	ssyncadd.s32 $0xFFFFC180  }
0xdd: {  	[tilespmem:s18], [sflag:$0x1] =	stream.indirect.gather [hbm4b:s1+s17], $0x80, s31, s17, $0xb8;
	[tilespmem:$0x1E880] =	vst v63  }
0xde: {  	_ =	swait.ge [sflag:s21], $0x3E80  }
0xdf: {  	[sflag:s21] =	ssyncset.done $0x0  }
0xe0: {  	s31 =	sadd.s32 $0xA80, s30;
	[sflag:s21] =	ssyncadd.s32 $0xFFFFC180  }
0xe1: {  	[spmem:s3] =	stream.indirect.scatter.add.f32 [tilespmem:s19], [sflag:$0x3], $0x80, s31, s17, $0xb8;
	[tilespmem:$0x1E880] =	vst v63  }
0xe2: {  	_ =	swait.ge [sflag:s13], $0x3E80  }
0xe3: {  	[sflag:s13] =	ssyncset.done $0x0  }
0xe4: {  	s31 =	rddreg [dreg:$0xa];
	[sflag:s13] =	ssyncadd.s32 $0xFFFFC180  }
0xe5: {  	[tilespmem:s19], [sflag:$0x2] =	stream.indirect.gather [hbm4b:s1+s17], $0x80, s31, s17, $0xb8;
	[tilespmem:$0x1E880] =	vst v63  }
0xe6: {  	_ =	swait.ge [sflag:s20], $0x3E80  }
0xe7: {  	[sflag:s20] =	ssyncset.done $0x0  }
0xe8: {  	s31 =	sadd.s32 $0xB00, s30;
	[sflag:s20] =	ssyncadd.s32 $0xFFFFC180  }
0xe9: {  	[spmem:s3] =	stream.indirect.scatter.add.f32 [tilespmem:s18], [sflag:$0x3], $0x80, s31, s17, $0xb8;
	[tilespmem:$0x1E880] =	vst v63  }
0xea: {  	_ =	swait.ge [sflag:s13], $0x3E80  }
0xeb: {  	[sflag:s13] =	ssyncset.done $0x0  }
0xec: {  	s31 =	rddreg [dreg:$0xb];
	[sflag:s13] =	ssyncadd.s32 $0xFFFFC180  }
0xed: {  	[tilespmem:s18], [sflag:$0x1] =	stream.indirect.gather [hbm4b:s1+s17], $0x80, s31, s17, $0xb8;
	[tilespmem:$0x1E880] =	vst v63  }
0xee: {  	_ =	swait.ge [sflag:s21], $0x3E80  }
0xef: {  	[sflag:s21] =	ssyncset.done $0x0  }
0xf0: {  	s31 =	sadd.s32 $0xB80, s30;
	[sflag:s21] =	ssyncadd.s32 $0xFFFFC180  }
0xf1: {  	[spmem:s3] =	stream.indirect.scatter.add.f32 [tilespmem:s19], [sflag:$0x3], $0x80, s31, s17, $0xb8;
	[tilespmem:$0x1E880] =	vst v63  }
0xf2: {  	_ =	swait.ge [sflag:s13], $0x3E80  }
0xf3: {  	[sflag:s13] =	ssyncset.done $0x0  }
0xf4: {  	s31 =	rddreg [dreg:$0xc];
	[sflag:s13] =	ssyncadd.s32 $0xFFFFC180  }
0xf5: {  	[tilespmem:s19], [sflag:$0x2] =	stream.indirect.gather [hbm4b:s1+s17], $0x80, s31, s17, $0xb8;
	[tilespmem:$0x1E880] =	vst v63  }
0xf6: {  	_ =	swait.ge [sflag:s20], $0x3E80  }
0xf7: {  	[sflag:s20] =	ssyncset.done $0x0  }
0xf8: {  	s31 =	sadd.s32 $0xC00, s30;
	[sflag:s20] =	ssyncadd.s32 $0xFFFFC180  }
0xf9: {  	[spmem:s3] =	stream.indirect.scatter.add.f32 [tilespmem:s18], [sflag:$0x3], $0x80, s31, s17, $0xb8;
	[tilespmem:$0x1E880] =	vst v63  }
0xfa: {  	_ =	swait.ge [sflag:s13], $0x3E80  }
0xfb: {  	[sflag:s13] =	ssyncset.done $0x0  }
0xfc: {  	s31 =	rddreg [dreg:$0xd];
	[sflag:s13] =	ssyncadd.s32 $0xFFFFC180  }
0xfd: {  	[tilespmem:s18], [sflag:$0x1] =	stream.indirect.gather [hbm4b:s1+s17], $0x80, s31, s17, $0xb8;
	[tilespmem:$0x1E880] =	vst v63  }
0xfe: {  	_ =	swait.ge [sflag:s21], $0x3E80  }
0xff: {  	[sflag:s21] =	ssyncset.done $0x0  }
0x100: {  	s31 =	sadd.s32 $0xC80, s30;
	[sflag:s21] =	ssyncadd.s32 $0xFFFFC180  }
0x101: {  	[spmem:s3] =	stream.indirect.scatter.add.f32 [tilespmem:s19], [sflag:$0x3], $0x80, s31, s17, $0xb8;
	[tilespmem:$0x1E880] =	vst v63  }
0x102: {  	_ =	swait.ge [sflag:s13], $0x3E80  }
0x103: {  	[sflag:s13] =	ssyncset.done $0x0  }
0x104: {  	s31 =	rddreg [dreg:$0xe];
	[sflag:s13] =	ssyncadd.s32 $0xFFFFC180  }
0x105: {  	[tilespmem:s19], [sflag:$0x2] =	stream.indirect.gather [hbm4b:s1+s17], $0x80, s31, s17, $0xb8;
	[tilespmem:$0x1E880] =	vst v63  }
0x106: {  	_ =	swait.ge [sflag:s20], $0x3E80  }
0x107: {  	[sflag:s20] =	ssyncset.done $0x0  }
0x108: {  	s31 =	sadd.s32 $0xD00, s30;
	[sflag:s20] =	ssyncadd.s32 $0xFFFFC180  }
0x109: {  	[spmem:s3] =	stream.indirect.scatter.add.f32 [tilespmem:s18], [sflag:$0x3], $0x80, s31, s17, $0xb8;
	[tilespmem:$0x1E880] =	vst v63  }
0x10a: {  	_ =	swait.ge [sflag:s13], $0x3E80  }
0x10b: {  	[sflag:s13] =	ssyncset.done $0x0  }
0x10c: {  	[sflag:s13] =	ssyncadd.s32 $0xFFFFC180  }
0x10d: {  	[tilespmem:s18], [sflag:$0x1] =	stream.indirect.gather [hbm4b:s1+s17], $0x80, s22, s17, $0xb8;
	[tilespmem:$0x1E880] =	vst v63  }
0x10e: {  	_ =	swait.ge [sflag:s21], $0x3E80  }
0x10f: {  	[sflag:s21] =	ssyncset.done $0x0  }
0x110: {  	s31 =	sadd.s32 $0xD80, s30;
	[sflag:s21] =	ssyncadd.s32 $0xFFFFC180  }
0x111: {  	[spmem:s3] =	stream.indirect.scatter.add.f32 [tilespmem:s19], [sflag:$0x3], $0x80, s31, s17, $0xb8;
	[tilespmem:$0x1E880] =	vst v63  }
0x112: {  	_ =	swait.ge [sflag:s13], $0x3E80  }
0x113: {  	[sflag:s13] =	ssyncset.done $0x0  }
0x114: {  	[sflag:s13] =	ssyncadd.s32 $0xFFFFC180  }
0x115: {  	[tilespmem:s19], [sflag:$0x2] =	stream.indirect.gather [hbm4b:s1+s17], $0x80, s23, s17, $0xb8;
	[tilespmem:$0x1E880] =	vst v63  }
0x116: {  	_ =	swait.ge [sflag:s20], $0x3E80  }
0x117: {  	[sflag:s20] =	ssyncset.done $0x0  }
0x118: {  	s31 =	sadd.s32 $0xE00, s30;
	[sflag:s20] =	ssyncadd.s32 $0xFFFFC180  }
0x119: {  	[spmem:s3] =	stream.indirect.scatter.add.f32 [tilespmem:s18], [sflag:$0x3], $0x80, s31, s17, $0xb8;
	[tilespmem:$0x1E880] =	vst v63  }
0x11a: {  	_ =	swait.ge [sflag:s13], $0x3E80  }
0x11b: {  	[sflag:s13] =	ssyncset.done $0x0  }
0x11c: {  	[sflag:s13] =	ssyncadd.s32 $0xFFFFC180  }
0x11d: {  	[tilespmem:s18], [sflag:$0x1] =	stream.indirect.gather [hbm4b:s1+s17], $0x80, s24, s17, $0xb8;
	[tilespmem:$0x1E880] =	vst v63  }
0x11e: {  	_ =	swait.ge [sflag:s21], $0x3E80  }
0x11f: {  	[sflag:s21] =	ssyncset.done $0x0  }
0x120: {  	s31 =	sadd.s32 $0xE80, s30;
	[sflag:s21] =	ssyncadd.s32 $0xFFFFC180  }
0x121: {  	[spmem:s3] =	stream.indirect.scatter.add.f32 [tilespmem:s19], [sflag:$0x3], $0x80, s31, s17, $0xb8;
	[tilespmem:$0x1E880] =	vst v63  }
0x122: {  	_ =	swait.ge [sflag:s13], $0x3E80  }
0x123: {  	[sflag:s13] =	ssyncset.done $0x0  }
0x124: {  	[sflag:s13] =	ssyncadd.s32 $0xFFFFC180  }
0x125: {  	[tilespmem:s19], [sflag:$0x2] =	stream.indirect.gather [hbm4b:s1+s17], $0x80, s25, s17, $0xb8;
	[tilespmem:$0x1E880] =	vst v63  }
0x126: {  	_ =	swait.ge [sflag:s20], $0x3E80  }
0x127: {  	[sflag:s20] =	ssyncset.done $0x0  }
0x128: {  	s31 =	sadd.s32 $0xF00, s30;
	[sflag:s20] =	ssyncadd.s32 $0xFFFFC180  }
0x129: {  	[spmem:s3] =	stream.indirect.scatter.add.f32 [tilespmem:s18], [sflag:$0x3], $0x80, s31, s17, $0xb8;
	[tilespmem:$0x1E880] =	vst v63  }
0x12a: {  	_ =	swait.ge [sflag:s13], $0x3E80  }
0x12b: {  	[sflag:s13] =	ssyncset.done $0x0  }
0x12c: {  	[sflag:s13] =	ssyncadd.s32 $0xFFFFC180  }
0x12d: {  	p1 =	sne.s32 s28, $0x8000;
	_ =	swait.ge [sflag:s21], $0x3E80  }
.Ltmp0:
0x12e: {  	[sflag:s21] =	ssyncset.done $0x0;
	(pc) =	sbr.rel @p1 .LBB2_2-.Ltmp0, $4  }
0x12f: {  	s30 =	sadd.s32 $0xF80, s30;
	[sflag:s21] =	ssyncadd.s32 $0xFFFFC180  }
0x130: {  	[spmem:s3] =	stream.indirect.scatter.add.f32 [tilespmem:s19], [sflag:$0x3], $0x80, s30, s17, $0xb8;
	[tilespmem:$0x1E880] =	vst v63  }
0x131: {  	_ =	swait.ge [sflag:s13], $0x3E80  }
0x132: {  	s28 =	sadd.s32 $0x2000, s28;
	[sflag:s13] =	ssyncset.done $0x0  }
0x133: {  	[sflag:s13] =	ssyncadd.s32 $0xFFFFC180  }
0x134: {  	[bflag:$0x0] =	sbarrier.arrive $0xFFFF  }
0x135: {  	[hbm:s8], [sflag:s14] =	dma.local [spmem:s15], $0x2700  }
0x136: {  	s26 =	sadd.s32 $0x1, s26;
	_ =	swait.ge [sflag:s13], $0x2700  }
0x137: {  	p1 =	sne.s32 s26, s10;
	[sflag:s13] =	ssyncset.done $0x0  }
.Ltmp1:
0x138: {  	s28 =	simm.s32 @!p0 $0x3;
	[sflag:s13] =	ssyncadd.s32 $0xFFFFD900;
	(pc) =	sbr.rel @p1 .LBB2_1-.Ltmp1, $4  }
0x139: {  	[hbm:s9], [sflag:s14] =	dma.local @!p0 [spmem:s16], $0x100  }
0x13a: {  	_ =	swait.ge @!p0 [sflag:s28], $0x100  }
0x13b: {  	[sflag:s28] =	ssyncset.done @!p0 $0x0  }
0x13c: {  	[sflag:s28] =	ssyncadd.s32 @!p0 $0xFFFFFF00  }
0x13d: {  	_ =	sfence.sel $0x180000  }
0x13e: {  	[bflag:$0x0] =	sbarrier.arrive $0xFFFF  }
0x13f: {  	p0 =	sne.s32 s0, $0x0;
	_ =	strace $0x9000004A  }
0x140: {  	s0 =	sadd.s32 @!p0 $0x100000, s2;
	[bflag:$0x2] =	sbarrier.arrive $0xFFFF  }
0x141: {  	[sflag:s0] =	ssyncadd.tile.s32 @!p0 $0x1;
	_ =	shalt  }
.Lfunc_end2:
_tile_overlayer_lowered:
.L_overlay_start_2:
0x142: {  	(tag) =	ssettag $0x2  }
0x143: {  	s0 =	rddreg [dreg:$0x0];
	s2 =	stileid.u32  }
0x144: {  	s1 =	rddreg [dreg:$0x1];
	p0 =	sne.s32 s2, $0x0  }
0x145: {  	s3 =	rddreg [dreg:$0x2];
	[bflag:$0x3] =	sbarrier.arrive $0xFFFF;
	s2 =	simm.s32 @!p0 $0x1C03  }
0x146: {  	[timem:s3], [sflag:s2] =	dma.local @!p0 [hbm:s0], s1  }
0x147: {  	s0 =	simm.s32 @!p0 $0x3  }
0x148: {  	_ =	swait.ge @!p0 [sflag:s0], s1  }
0x149: {  	s1 =	ssub.s32 @!p0 $0x0, s1;
	[sflag:s0] =	ssyncset.done @!p0 $0x0  }
0x14a: {  	[sflag:s0] =	ssyncadd.s32 @!p0 s1  }
0x14b: {  	[bflag:$0x3] =	sbarrier.arrive $0xFFFF  }
0x14c: {  	_ =	shalt  }

// kernel: kernel.14.cloned.1.call-start
scs
__scs_entry_jumppad:
0x0: {  	(pc) =	sbr.rel $0x88, $3  }
0x1: {  	(tag) =	ssettag $0x0;
	lr =	simm.s32 $0x1  }
0x2: {  	[smem:$0x3F9B] =	sst lr;
	_ =	strace $0xD0000000  }
0x3: {  	_ = 	snop  }
0x4: {  	_ = 	snop  }
0x5: {  	_ = 	snop  }
0x6: {  	_ = 	snop  }
0x7: {  	_ = 	snop  }
__scs_overlays_trampoline_lowered:
0x8: {  	[smem:$0x3FAA] =	sst s0  }
0x9: {  	[smem:$0x3FAB] =	sst s1  }
0xa: {  	[smem:$0x3FAC] =	sst s2  }
0xb: {  	[smem:$0x3FAD] =	sst s3  }
0xc: {  	[smem:$0x3FAE] =	sst s4  }
0xd: {  	[smem:$0x3FAF] =	sst s5  }
0xe: {  	[smem:$0x3FB0] =	sst s6  }
0xf: {  	[smem:$0x3FB1] =	sst s7  }
0x10: {  	[smem:$0x3FB2] =	sst s8  }
0x11: {  	[smem:$0x3FB3] =	sst s9;
	s0 =	simm.s32 @!p0 $0x0  }
0x12: {  	s1 =	sld [smem:$0x3F99];
	s0 =	simm.s32 @p0 $0x1  }
0x13: {  	[smem:$0x3FB4] =	sst s0;
	s0 =	simm.s32 @!p1 $0x0  }
0x14: {  	s2 =	sld [smem:$0x3F98];
	s0 =	simm.s32 @p1 $0x1  }
0x15: {  	[smem:$0x3FB5] =	sst s0;
	s0 =	simm.s32 @!p2 $0x0  }
0x16: {  	s3 =	sld [smem:$0x3FDB];
	s0 =	simm.s32 @p2 $0x1  }
0x17: {  	s4 =	simm.s32 $0x1BF5;
	[smem:$0x3FB7] =	sst s0  }
0x18: {  	s0 =	sld [smem:$0x3F9A];
	_ =	swait.ge [sflag:s4], $0x0  }
0x19: {  	s7 =	sld [smem:$0x3F9B]  }
0x1a: {  	s8 =	sadd.s32 $0xFFFFE003, lr  }
0x1b: {  	s9 =	sadd.s32 $0xFFFFFEF7, lr;
	s5 =	simm.s32 $0xFFFFFFFF;
	p2 =	slt.u32 s8, $0xFFFFF086  }
0x1c: {  	p1 =	slt.u32 s9, $0xF7A;
	s5 =	simm.s32 @!p2 $0x0  }
0x1d: {  	s5 =	simm.s32 @p1 $0x1;
	p0 =	seq.s32 s7, s2  }
0x1e: {  	s7 =	smul.u32 @!p0 $0xF7A, s2;
	p2 =	seq.s32 @!p0 s5, $0x0  }
0x1f: {  	s9 =	smul.u32 $0xF7A, s1;
	s8 =	simm.s32 @!p0 $0x1BF5;
	p2 =	por !p2, p0  }
0x20: {  	[sflag:s8] =	ssyncset.s32 @!p0 $0xFFFFF086;
	s6 =	sadd.s32 @!p0 s3, s7;
	s7 =	simm.s32 @!p0 $0x108  }
0x21: {  	s3 =	sadd.s32 s3, s9;
	s6 =	sadd.s32 @!p0 $0x88, s6;
	s7 =	simm.s32 @p2 $0x1082  }
0x22: {  	[simem:s7], [sflag:s8] =	dma.local @!p0 [hbm:s6], $0xF7A  }
0x23: {  	s9 =	sor.u32 $0xD0000000, s2;
	s6 =	simm.s32 $0x108;
	_ =	swait.ge @!p0 [sflag:s8], $0x0  }
0x24: {  	s3 =	sadd.s32 $0x88, s3;
	s6 =	simm.s32 @!p1 $0x1082;
	[sflag:s4] =	ssyncset.s32 $0xFFFFF086  }
0x25: {  	[simem:s6], [sflag:s4] =	dma.local [hbm:s3], $0xF7A  }
0x26: {  	[smem:$0x3F9B] =	sst s1;
	(tag) =	ssettag s2;
	_ =	strace s9  }
0x27: {  	s1 =	sld [smem:$0x3FAB]  }
0x28: {  	s2 =	sld [smem:$0x3FAC]  }
0x29: {  	s4 =	sld [smem:$0x3FAE]  }
0x2a: {  	p0 =	seq.s32 s5, $0x0;
	s5 =	sld [smem:$0x3FAF]  }
0x2b: {  	s6 =	sld [smem:$0x3FB0]  }
0x2c: {  	s7 =	sld [smem:$0x3FB1]  }
0x2d: {  	s3 =	simm.s32 $0x108;
	s8 =	sld [smem:$0x3FB2]  }
0x2e: {  	s3 =	simm.s32 @!p0 $0x1082;
	s9 =	sld [smem:$0x3FB3]  }
0x2f: {  	lr =	sadd.s32 s0, s3;
	s0 =	sld [smem:$0x3FAA]  }
0x30: {  	s3 =	sld [smem:$0x3FAD]  }
0x31: {  	[smem:$0x3FB6] =	sst s10  }
0x32: {  	s10 =	sld [smem:$0x3FB4];
	_ =	sdelay $0x3  }
0x33: {  	p0 =	seq.s32 s10, $0x1;
	s10 =	sld [smem:$0x3FB6];
	_ =	sdelay $0x3  }
0x34: {  	[smem:$0x3FB6] =	sst s10  }
0x35: {  	s10 =	sld [smem:$0x3FB5];
	_ =	sdelay $0x3  }
0x36: {  	p1 =	seq.s32 s10, $0x1;
	s10 =	sld [smem:$0x3FB6];
	_ =	sdelay $0x3  }
0x37: {  	[smem:$0x3FB6] =	sst s10  }
0x38: {  	s10 =	sld [smem:$0x3FB7]  }
0x39: {  	_ = 	snop;
	(pc) =	sbr.ind lr, $3  }
0x3a: {  	_ = 	snop  }
0x3b: {  	_ = 	snop  }
0x3c: {  	p2 =	seq.s32 s10, $0x1;
	s10 =	sld [smem:$0x3FB6]  }
0x3d: {  	_ =	shalt  }
0x3e: {  	_ =	shalt  }
0x3f: {  	_ =	shalt  }
0x40: {  	_ =	shalt  }
0x41: {  	_ =	shalt  }
0x42: {  	_ =	shalt  }
0x43: {  	_ =	shalt  }
0x44: {  	_ =	shalt  }
0x45: {  	_ =	shalt  }
0x46: {  	_ =	shalt  }
0x47: {  	_ =	shalt  }
0x48: {  	_ =	shalt  }
0x49: {  	_ =	shalt  }
0x4a: {  	_ =	shalt  }
0x4b: {  	_ =	shalt  }
0x4c: {  	_ =	shalt  }
0x4d: {  	_ =	shalt  }
0x4e: {  	_ =	shalt  }
0x4f: {  	_ =	shalt  }
0x50: {  	_ =	shalt  }
0x51: {  	_ =	shalt  }
0x52: {  	_ =	shalt  }
0x53: {  	_ =	shalt  }
0x54: {  	_ =	shalt  }
0x55: {  	_ =	shalt  }
0x56: {  	_ =	shalt  }
0x57: {  	_ =	shalt  }
0x58: {  	_ =	shalt  }
0x59: {  	_ =	shalt  }
0x5a: {  	_ =	shalt  }
0x5b: {  	_ =	shalt  }
0x5c: {  	_ =	shalt  }
0x5d: {  	_ =	shalt  }
0x5e: {  	_ =	shalt  }
0x5f: {  	_ =	shalt  }
0x60: {  	_ =	shalt  }
0x61: {  	_ =	shalt  }
0x62: {  	_ =	shalt  }
0x63: {  	_ =	shalt  }
0x64: {  	_ =	shalt  }
0x65: {  	_ =	shalt  }
0x66: {  	_ =	shalt  }
0x67: {  	_ =	shalt  }
0x68: {  	_ =	shalt  }
0x69: {  	_ =	shalt  }
0x6a: {  	_ =	shalt  }
0x6b: {  	_ =	shalt  }
0x6c: {  	_ =	shalt  }
0x6d: {  	_ =	shalt  }
0x6e: {  	_ =	shalt  }
0x6f: {  	_ =	shalt  }
0x70: {  	_ =	shalt  }
0x71: {  	_ =	shalt  }
0x72: {  	_ =	shalt  }
0x73: {  	_ =	shalt  }
0x74: {  	_ =	shalt  }
0x75: {  	_ =	shalt  }
0x76: {  	_ =	shalt  }
0x77: {  	_ =	shalt  }
0x78: {  	_ =	shalt  }
0x79: {  	_ =	shalt  }
0x7a: {  	_ =	shalt  }
0x7b: {  	_ =	shalt  }
0x7c: {  	_ =	shalt  }
0x7d: {  	_ =	shalt  }
0x7e: {  	_ =	shalt  }
0x7f: {  	_ =	shalt  }
0x80: {  	_ =	shalt  }
0x81: {  	_ =	shalt  }
0x82: {  	_ =	shalt  }
0x83: {  	_ =	shalt  }
0x84: {  	_ =	shalt  }
0x85: {  	_ =	shalt  }
0x86: {  	_ =	shalt  }
0x87: {  	_ =	shalt  }
.Lfunc_end0:
.L_simem_size_0:
called_computation.2_lowered:
.L_overlay_start_0:
0x88: {  	s2 =	sld [smem:$0x3FD9]  }
0x89: {  	s3 =	sld [smem:$0x3FFE];
	_ =	sdelay $0x1  }
0x8a: {  	s1 =	srdreg.scid  }
0x8b: {  	s0 =	sand.u32 $0x1, s1  }
0x8c: {  	s17 =	sshll.u32 s0, $0xA;
	s2 =	sadd.s32 s3, s2  }
0x8d: {  	s2 =	sadd.s32 s2, s17  }
0x8e: {  	[smem:$0x3FC2] =	sst s2  }
0x8f: {  	_ = 	snop  }
0x90: {  	s2 =	sld [smem:$0x3FD0];
	(tm) =	ssettm $0x1  }
0x91: {  	s18 =	sld [smem:$0x3FFB];
	_ =	sdelay $0x3  }
0x92: {  	_ =	strace s18  }
0x93: {  	s3 =	sld [smem:$0x3FFC];
	_ =	sdelay $0x3  }
0x94: {  	_ =	strace s3  }
0x95: {  	s3 =	sld [smem:$0x3FFD];
	_ =	sdelay $0x3  }
0x96: {  	_ =	strace s3  }
0x97: {  	_ =	strace $0x8FFFFFFF  }
0x98: {  	s19 =	sld [smem:$0x3FDB];
	_ =	sdelay $0x1  }
0x99: {  	s4 =	simm.s32 $_scs_section_size  }
0x9a: {  	s5 =	simm.s32 $_size__tile_overlayer_lowered;
	s6 =	simm.s32 $_tile_overlayer_lowered  }
0x9b: {  	s22 =	simm.s32 $0x1BFF;
	s21 =	sshll.u32 s6, $0x1;
	s3 =	sadd.s32 s4, s19  }
0x9c: {  	s7 =	simm.s32 $0x0;
	s20 =	sshll.u32 s5, $0x1;
	s5 =	sadd.s32 s21, s3  }
0x9d: {  	[timem:s7], [sflag:s22] =	dma.local [hbm:s5], s20  }
0x9e: {  	_ =	swait.ge [sflag:s22], s20  }
0x9f: {  	s4 =	ssub.s32 $0x0, s20;
	[sflag:s22] =	ssyncset.done $0x0  }
0xa0: {  	[sflag:s22] =	ssyncadd.s32 s4;
	_ =	sdelay $0x1  }
0xa1: {  	s23 =	simm.s32 $0x1B8B  }
0xa2: {  	_ =	swait.ge [sflag:s23], $0x1  }
0xa3: {  	[sflag:s23] =	ssyncset.done $0x0  }
0xa4: {  	s25 =	simm.s32 $0x1B8E;
	s24 =	sld [smem:$0x3FFE];
	[sflag:s23] =	ssyncadd.s32 $0xFFFFFFFF  }
0xa5: {  	s26 =	simm.s32 $execute0_lowered;
	[smem:$0x3FD2] =	sst s25  }
0xa6: {  	s5 =	sshll.u32 s26, $0x1;
	_ =	strace $0x8000004C;
	[dreg:$0x1] =	wrdreg $0xFFFFFFFF  }
0xa7: {  	s28 =	simm.s32 $_size_execute0_lowered;
	s3 =	sadd.s32 s3, s5;
	[dreg:$0x0] =	wrdreg $0x0  }
0xa8: {  	s5 =	sshll.u32 s28, $0x1;
	[dreg:$0x2] =	wrdreg s3  }
0xa9: {  	[dreg:$0x3] =	wrdreg s5  }
0xaa: {  	[dreg:$0x4] =	wrdreg $0xC0  }
0xab: {  	_ =	task [dreg:s7], $0x5FFFF  }
0xac: {  	[dreg:$0x1] =	wrdreg $0xFFFFFFFF  }
0xad: {  	[dreg:$0x0] =	wrdreg $0x60  }
0xae: {  	[dreg:$0x2] =	wrdreg s2  }
0xaf: {  	[dreg:$0x3] =	wrdreg s24  }
0xb0: {  	[dreg:$0x4] =	wrdreg $0xB0000  }
0xb1: {  	[dreg:$0x5] =	wrdreg $0x9  }
0xb2: {  	_ =	task.clear_ibuf [dreg:s7], $0x6FFFF;
	_ =	strace $0x9000004C  }
0xb3: {  	s29 =	simm.s32 $0x9;
	_ =	strace $0x8000004E  }
0xb4: {  	_ =	swait.ge [sflag:s29], $0x1  }
0xb5: {  	[sflag:s29] =	ssyncadd.s32 $0xFFFFFFFF  }
0xb6: {  	_ =	strace $0x9000004E  }
0xb7: {  	_ =	sfence  }
0xb8: {  	s30 =	sld [smem:$0x0];
	_ =	sdelay $0x2  }
0xb9: {  	s31 =	sshll.u32 s1, $0xD;
	s1 =	sshrl.u32 s1, $0x2  }
0xba: {  	s3 =	sand.u32 $0x4000, s31;
	s1 =	sadd.s32 s1, s30  }
0xbb: {  	s0 =	sor.u32 s3, s0;
	s1 =	sshll.u32 s1, $0x11  }
0xbc: {  	s0 =	sor.u32 s1, s0  }
0xbd: {  	s0 =	sadd.s32 $0x8F2B, s0  }
0xbe: {  	[sflag:s0] =	ssyncadd.remote.s32 $0x1  }
0xbf: {  	_ =	sfence.sel $0xFFFF  }
0xc0: {  	[dreg:$0x0] =	wrdreg $0xFFFFFFFF;
	(pc) =	sbr.abs _section_cstart, $3  }
0xc1: {  	[dreg:$0x1] =	wrdreg $0xFFFFFFFF  }
0xc2: {  	_ =	task.clear_ibuf [dreg:s7], $0x2FFFF;
	_ =	strace $0x9FFFFFFF  }
0xc3: {  	(tm) =	ssettm $0x7FFFFFFF  }
tec
execute0_lowered:
.L_overlay_start_1:
0x0: {  	(tag) =	ssettag $0x1  }
0x1: {  	s1 =	rddreg [dreg:$0x0]  }
0x2: {  	s7 =	rddreg [dreg:$0x1]  }
0x3: {  	s0 =	srdreg.scid;
	s3 =	rddreg [dreg:$0x2];
	s4 =	simm.s32 $0x0  }
0x4: {  	s25 =	simm.s32 $0x80;
	s26 =	simm.s32 $0x100;
	s28 =	simm.s32 $0x200  }
0x5: {  	s29 =	simm.s32 $0x280;
	s30 =	simm.s32 $0x300;
	s31 =	simm.s32 $0x580  }
0x6: {  	s5 =	sand.u32 $0x1, s0;
	s0 =	stileid.u32;
	[smem:$0x7FF] =	sst s4  }
0x7: {  	s13 =	sadd.s32 $0x3DE00, s7;
	s2 =	sshll.u32 s5, $0x4;
	s6 =	smul.u32 $0x5000, s5  }
0x8: {  	s9 =	smul.u32 $0x13800, s0;
	s8 =	sor.u32 s0, s2;
	s2 =	rddreg [dreg:$0x3]  }
0x9: {  	s12 =	smul.u32 $0x4E000, s0;
	_ =	strace $0x8000004D;
	[dreg:$0x4] =	wrdreg s25  }
0xa: {  	s16 =	sadd.s32 $0x138000, s3;
	s20 =	smul.u32 $0x138800, s5;
	[dreg:$0x5] =	wrdreg s26  }
0xb: {  	s11 =	ssub.s32 $0x2, s5;
	s22 =	smul.u32 $0x500, s0;
	[dreg:$0x7] =	wrdreg s28  }
0xc: {  	p0 =	sne.s32 s0, $0xF;
	s17 =	sshll.u32 s0, $0x6;
	[dreg:$0x8] =	wrdreg s29  }
0xd: {  	s14 =	sshrl.u32 s11, $0x1;
	s16 =	sshrl.u32 @!p0 s16, $0x3;
	[dreg:$0x9] =	wrdreg s30  }
0xe: {  	[dreg:$0xe] =	wrdreg s31;
	s25 =	simm.s32 $0x780;
	s26 =	simm.s32 $0x0  }
0xf: {  	s8 =	smul.u32 $0x500, s8;
	s10 =	sadd.s32 s6, s7;
	s19 =	sshrl.u32 s9, $0x3  }
0x10: {  	s11 =	ssub.s32 s11, s14;
	s12 =	sshrl.u32 s12, $0x2;
	s21 =	sadd.s32 s9, s20  }
0x11: {  	s23 =	sshrl.u32 s20, $0x3;
	s14 =	sor.u32 $0x1C03, s17;
	s17 =	simm.s32 $0x7D  }
0x12: {  	s20 =	simm.s32 $0x400;
	s15 =	sadd.s32 s12, s3;
	s12 =	sadd.s32 s13, s23  }
0x13: {  	s24 =	sadd.s32 s22, s10;
	s10 =	smax.u32 s11, $0x1;
	[dreg:$0xb] =	wrdreg s20  }
0x14: {  	s20 =	simm.s32 $0x1;
	s22 =	simm.s32 $0x500;
	s23 =	simm.s32 $0x680  }
0x15: {  	s18 =	sadd.s32 s8, s7;
	s8 =	sadd.s32 s19, s7;
	s7 =	sadd.s32 $0x3DC00, s7  }
0x16: {  	s9 =	sadd.s32 $0x27000, s12;
	s11 =	sadd.s32 $0xCC00, s24;
	s12 =	simm.s32 $0x800  }
0x17: {  	s15 =	sshrl.u32 s15, $0x3;
	s19 =	simm.s32 $0x380;
	[dreg:$0xd] =	wrdreg s22  }
0x18: {  	s22 =	simm.s32 $0x600;
	s24 =	simm.s32 $0x700;
	s5 =	sadd.s32 $0x2200, s18  }
0x19: {  	s6 =	sadd.s32 $0x16C00, s8;
	s8 =	sshrl.u32 s21, $0x3;
	s18 =	simm.s32 $0x180  }
0x1a: {  	[dreg:$0xa] =	wrdreg s19;
	s19 =	simm.s32 $0x7000;
	s21 =	simm.s32 $0x480  }
0x1b: {  	s8 =	sadd.s32 s13, s8;
	s13 =	simm.s32 $0x3;
	[dreg:$0x6] =	wrdreg s18  }
0x1c: {  	s18 =	simm.s32 $0x3000;
	[dreg:$0xc] =	wrdreg s21;
	s21 =	simm.s32 $0x2  }
.LBB2_1:
0x1d: {  	[tilespmem:s12], [sflag:$0x3] =	stream.linear.gather [hbm4b:s5+s4], $0x2800, $0x38;
	[tilespmem:$0x1E880] =	vst v63  }
0x1e: {  	_ =	swait.ge [sflag:s13], $0x2800  }
0x1f: {  	[sflag:s13] =	ssyncset.done $0x0  }
0x20: {  	[sflag:s13] =	ssyncadd.s32 $0xFFFFD800  }
0x21: {  	[spmem:s15], [sflag:s14] =	dma.local [hbm:s6], $0x2700  }
0x22: {  	_ =	swait.ge [sflag:s13], $0x2700  }
0x23: {  	[sflag:s13] =	ssyncset.done $0x0  }
0x24: {  	s28 =	simm.s32 @!p0 $0x3;
	[sflag:s13] =	ssyncadd.s32 $0xFFFFD900  }
0x25: {  	[spmem:s16], [sflag:s14] =	dma.local @!p0 [hbm:s7], $0x100  }
0x26: {  	_ =	swait.ge @!p0 [sflag:s28], $0x100  }
0x27: {  	[sflag:s28] =	ssyncset.done @!p0 $0x0  }
0x28: {  	[sflag:s28] =	ssyncadd.s32 @!p0 $0xFFFFFF00  }
0x29: {  	[bflag:$0x0] =	sbarrier.arrive $0xFFFF  }
0x2a: {  	[tilespmem:s4], [sflag:$0x3] =	stream.linear.gather [hbm4b:s11+s4], $0x800, $0x38;
	[tilespmem:$0x1E880] =	vst v63  }
0x2b: {  	_ =	swait.ge [sflag:s13], $0x800  }
0x2c: {  	[sflag:s13] =	ssyncset.done $0x0  }
0x2d: {  	[sflag:s13] =	ssyncadd.s32 $0xFFFFF800  }
0x2e: {  	[tilespmem:s18], [sflag:$0x1] =	stream.indirect.gather [hbm4b:s1+s17], $0x80, s4, s17, $0xb8;
	[tilespmem:$0x1E880] =	vst v63  }
0x2f: {  	s28 =	rddreg [dreg:$0x4]  }
0x30: {  	[tilespmem:s19], [sflag:$0x2] =	stream.indirect.gather [hbm4b:s1+s17], $0x80, s28, s17, $0xb8;
	[tilespmem:$0x1E880] =	vst v63  }
0x31: {  	_ =	swait.ge [sflag:s20], $0x3E80  }
0x32: {  	[sflag:s20] =	ssyncset.done $0x0  }
0x33: {  	s28 =	simm.s32 $0x800;
	[sflag:s20] =	ssyncadd.s32 $0xFFFFC180  }
0x34: {  	[spmem:s3] =	stream.indirect.scatter.add.f32 [tilespmem:s18], [sflag:$0x3], $0x80, s28, s17, $0xb8;
	[tilespmem:$0x1E880] =	vst v63  }
0x35: {  	_ =	swait.ge [sflag:s13], $0x3E80  }
0x36: {  	[sflag:s13] =	ssyncset.done $0x0  }
0x37: {  	s28 =	rddreg [dreg:$0x5];
	[sflag:s13] =	ssyncadd.s32 $0xFFFFC180  }
0x38: {  	[tilespmem:s18], [sflag:$0x1] =	stream.indirect.gather [hbm4b:s1+s17], $0x80, s28, s17, $0xb8;
	[tilespmem:$0x1E880] =	vst v63  }
0x39: {  	_ =	swait.ge [sflag:s21], $0x3E80  }
0x3a: {  	[sflag:s21] =	ssyncset.done $0x0  }
0x3b: {  	s28 =	simm.s32 $0x880;
	[sflag:s21] =	ssyncadd.s32 $0xFFFFC180  }
0x3c: {  	[spmem:s3] =	stream.indirect.scatter.add.f32 [tilespmem:s19], [sflag:$0x3], $0x80, s28, s17, $0xb8;
	[tilespmem:$0x1E880] =	vst v63  }
0x3d: {  	_ =	swait.ge [sflag:s13], $0x3E80  }
0x3e: {  	[sflag:s13] =	ssyncset.done $0x0  }
0x3f: {  	s28 =	rddreg [dreg:$0x6];
	[sflag:s13] =	ssyncadd.s32 $0xFFFFC180  }
0x40: {  	[tilespmem:s19], [sflag:$0x2] =	stream.indirect.gather [hbm4b:s1+s17], $0x80, s28, s17, $0xb8;
	[tilespmem:$0x1E880] =	vst v63  }
0x41: {  	_ =	swait.ge [sflag:s20], $0x3E80  }
0x42: {  	[sflag:s20] =	ssyncset.done $0x0  }
0x43: {  	s28 =	simm.s32 $0x900;
	[sflag:s20] =	ssyncadd.s32 $0xFFFFC180  }
0x44: {  	[spmem:s3] =	stream.indirect.scatter.add.f32 [tilespmem:s18], [sflag:$0x3], $0x80, s28, s17, $0xb8;
	[tilespmem:$0x1E880] =	vst v63  }
0x45: {  	_ =	swait.ge [sflag:s13], $0x3E80  }
0x46: {  	[sflag:s13] =	ssyncset.done $0x0  }
0x47: {  	s28 =	rddreg [dreg:$0x7];
	[sflag:s13] =	ssyncadd.s32 $0xFFFFC180  }
0x48: {  	[tilespmem:s18], [sflag:$0x1] =	stream.indirect.gather [hbm4b:s1+s17], $0x80, s28, s17, $0xb8;
	[tilespmem:$0x1E880] =	vst v63  }
0x49: {  	_ =	swait.ge [sflag:s21], $0x3E80  }
0x4a: {  	[sflag:s21] =	ssyncset.done $0x0  }
0x4b: {  	s28 =	simm.s32 $0x980;
	[sflag:s21] =	ssyncadd.s32 $0xFFFFC180  }
0x4c: {  	[spmem:s3] =	stream.indirect.scatter.add.f32 [tilespmem:s19], [sflag:$0x3], $0x80, s28, s17, $0xb8;
	[tilespmem:$0x1E880] =	vst v63  }
0x4d: {  	_ =	swait.ge [sflag:s13], $0x3E80  }
0x4e: {  	[sflag:s13] =	ssyncset.done $0x0  }
0x4f: {  	s28 =	rddreg [dreg:$0x8];
	[sflag:s13] =	ssyncadd.s32 $0xFFFFC180  }
0x50: {  	[tilespmem:s19], [sflag:$0x2] =	stream.indirect.gather [hbm4b:s1+s17], $0x80, s28, s17, $0xb8;
	[tilespmem:$0x1E880] =	vst v63  }
0x51: {  	_ =	swait.ge [sflag:s20], $0x3E80  }
0x52: {  	[sflag:s20] =	ssyncset.done $0x0  }
0x53: {  	s28 =	simm.s32 $0xA00;
	[sflag:s20] =	ssyncadd.s32 $0xFFFFC180  }
0x54: {  	[spmem:s3] =	stream.indirect.scatter.add.f32 [tilespmem:s18], [sflag:$0x3], $0x80, s28, s17, $0xb8;
	[tilespmem:$0x1E880] =	vst v63  }
0x55: {  	_ =	swait.ge [sflag:s13], $0x3E80  }
0x56: {  	[sflag:s13] =	ssyncset.done $0x0  }
0x57: {  	s28 =	rddreg [dreg:$0x9];
	[sflag:s13] =	ssyncadd.s32 $0xFFFFC180  }
0x58: {  	[tilespmem:s18], [sflag:$0x1] =	stream.indirect.gather [hbm4b:s1+s17], $0x80, s28, s17, $0xb8;
	[tilespmem:$0x1E880] =	vst v63  }
0x59: {  	_ =	swait.ge [sflag:s21], $0x3E80  }
0x5a: {  	[sflag:s21] =	ssyncset.done $0x0  }
0x5b: {  	s28 =	simm.s32 $0xA80;
	[sflag:s21] =	ssyncadd.s32 $0xFFFFC180  }
0x5c: {  	[spmem:s3] =	stream.indirect.scatter.add.f32 [tilespmem:s19], [sflag:$0x3], $0x80, s28, s17, $0xb8;
	[tilespmem:$0x1E880] =	vst v63  }
0x5d: {  	_ =	swait.ge [sflag:s13], $0x3E80  }
0x5e: {  	[sflag:s13] =	ssyncset.done $0x0  }
0x5f: {  	s28 =	rddreg [dreg:$0xa];
	[sflag:s13] =	ssyncadd.s32 $0xFFFFC180  }
0x60: {  	[tilespmem:s19], [sflag:$0x2] =	stream.indirect.gather [hbm4b:s1+s17], $0x80, s28, s17, $0xb8;
	[tilespmem:$0x1E880] =	vst v63  }
0x61: {  	_ =	swait.ge [sflag:s20], $0x3E80  }
0x62: {  	[sflag:s20] =	ssyncset.done $0x0  }
0x63: {  	s28 =	simm.s32 $0xB00;
	[sflag:s20] =	ssyncadd.s32 $0xFFFFC180  }
0x64: {  	[spmem:s3] =	stream.indirect.scatter.add.f32 [tilespmem:s18], [sflag:$0x3], $0x80, s28, s17, $0xb8;
	[tilespmem:$0x1E880] =	vst v63  }
0x65: {  	_ =	swait.ge [sflag:s13], $0x3E80  }
0x66: {  	[sflag:s13] =	ssyncset.done $0x0  }
0x67: {  	s28 =	rddreg [dreg:$0xb];
	[sflag:s13] =	ssyncadd.s32 $0xFFFFC180  }
0x68: {  	[tilespmem:s18], [sflag:$0x1] =	stream.indirect.gather [hbm4b:s1+s17], $0x80, s28, s17, $0xb8;
	[tilespmem:$0x1E880] =	vst v63  }
0x69: {  	_ =	swait.ge [sflag:s21], $0x3E80  }
0x6a: {  	[sflag:s21] =	ssyncset.done $0x0  }
0x6b: {  	s28 =	simm.s32 $0xB80;
	[sflag:s21] =	ssyncadd.s32 $0xFFFFC180  }
0x6c: {  	[spmem:s3] =	stream.indirect.scatter.add.f32 [tilespmem:s19], [sflag:$0x3], $0x80, s28, s17, $0xb8;
	[tilespmem:$0x1E880] =	vst v63  }
0x6d: {  	_ =	swait.ge [sflag:s13], $0x3E80  }
0x6e: {  	[sflag:s13] =	ssyncset.done $0x0  }
0x6f: {  	s28 =	rddreg [dreg:$0xc];
	[sflag:s13] =	ssyncadd.s32 $0xFFFFC180  }
0x70: {  	[tilespmem:s19], [sflag:$0x2] =	stream.indirect.gather [hbm4b:s1+s17], $0x80, s28, s17, $0xb8;
	[tilespmem:$0x1E880] =	vst v63  }
0x71: {  	_ =	swait.ge [sflag:s20], $0x3E80  }
0x72: {  	[sflag:s20] =	ssyncset.done $0x0  }
0x73: {  	s28 =	simm.s32 $0xC00;
	[sflag:s20] =	ssyncadd.s32 $0xFFFFC180  }
0x74: {  	[spmem:s3] =	stream.indirect.scatter.add.f32 [tilespmem:s18], [sflag:$0x3], $0x80, s28, s17, $0xb8;
	[tilespmem:$0x1E880] =	vst v63  }
0x75: {  	_ =	swait.ge [sflag:s13], $0x3E80  }
0x76: {  	[sflag:s13] =	ssyncset.done $0x0  }
0x77: {  	s28 =	rddreg [dreg:$0xd];
	[sflag:s13] =	ssyncadd.s32 $0xFFFFC180  }
0x78: {  	[tilespmem:s18], [sflag:$0x1] =	stream.indirect.gather [hbm4b:s1+s17], $0x80, s28, s17, $0xb8;
	[tilespmem:$0x1E880] =	vst v63  }
0x79: {  	_ =	swait.ge [sflag:s21], $0x3E80  }
0x7a: {  	[sflag:s21] =	ssyncset.done $0x0  }
0x7b: {  	s28 =	simm.s32 $0xC80;
	[sflag:s21] =	ssyncadd.s32 $0xFFFFC180  }
0x7c: {  	[spmem:s3] =	stream.indirect.scatter.add.f32 [tilespmem:s19], [sflag:$0x3], $0x80, s28, s17, $0xb8;
	[tilespmem:$0x1E880] =	vst v63  }
0x7d: {  	_ =	swait.ge [sflag:s13], $0x3E80  }
0x7e: {  	[sflag:s13] =	ssyncset.done $0x0  }
0x7f: {  	s28 =	rddreg [dreg:$0xe];
	[sflag:s13] =	ssyncadd.s32 $0xFFFFC180  }
0x80: {  	[tilespmem:s19], [sflag:$0x2] =	stream.indirect.gather [hbm4b:s1+s17], $0x80, s28, s17, $0xb8;
	[tilespmem:$0x1E880] =	vst v63  }
0x81: {  	_ =	swait.ge [sflag:s20], $0x3E80  }
0x82: {  	[sflag:s20] =	ssyncset.done $0x0  }
0x83: {  	s28 =	simm.s32 $0xD00;
	[sflag:s20] =	ssyncadd.s32 $0xFFFFC180  }
0x84: {  	[spmem:s3] =	stream.indirect.scatter.add.f32 [tilespmem:s18], [sflag:$0x3], $0x80, s28, s17, $0xb8;
	[tilespmem:$0x1E880] =	vst v63  }
0x85: {  	_ =	swait.ge [sflag:s13], $0x3E80  }
0x86: {  	[sflag:s13] =	ssyncset.done $0x0  }
0x87: {  	[sflag:s13] =	ssyncadd.s32 $0xFFFFC180  }
0x88: {  	[tilespmem:s18], [sflag:$0x1] =	stream.indirect.gather [hbm4b:s1+s17], $0x80, s22, s17, $0xb8;
	[tilespmem:$0x1E880] =	vst v63  }
0x89: {  	_ =	swait.ge [sflag:s21], $0x3E80  }
0x8a: {  	[sflag:s21] =	ssyncset.done $0x0  }
0x8b: {  	s28 =	simm.s32 $0xD80;
	[sflag:s21] =	ssyncadd.s32 $0xFFFFC180  }
0x8c: {  	[spmem:s3] =	stream.indirect.scatter.add.f32 [tilespmem:s19], [sflag:$0x3], $0x80, s28, s17, $0xb8;
	[tilespmem:$0x1E880] =	vst v63  }
0x8d: {  	_ =	swait.ge [sflag:s13], $0x3E80  }
0x8e: {  	[sflag:s13] =	ssyncset.done $0x0  }
0x8f: {  	[sflag:s13] =	ssyncadd.s32 $0xFFFFC180  }
0x90: {  	[tilespmem:s19], [sflag:$0x2] =	stream.indirect.gather [hbm4b:s1+s17], $0x80, s23, s17, $0xb8;
	[tilespmem:$0x1E880] =	vst v63  }
0x91: {  	_ =	swait.ge [sflag:s20], $0x3E80  }
0x92: {  	[sflag:s20] =	ssyncset.done $0x0  }
0x93: {  	s28 =	simm.s32 $0xE00;
	[sflag:s20] =	ssyncadd.s32 $0xFFFFC180  }
0x94: {  	[spmem:s3] =	stream.indirect.scatter.add.f32 [tilespmem:s18], [sflag:$0x3], $0x80, s28, s17, $0xb8;
	[tilespmem:$0x1E880] =	vst v63  }
0x95: {  	_ =	swait.ge [sflag:s13], $0x3E80  }
0x96: {  	[sflag:s13] =	ssyncset.done $0x0  }
0x97: {  	[sflag:s13] =	ssyncadd.s32 $0xFFFFC180  }
0x98: {  	[tilespmem:s18], [sflag:$0x1] =	stream.indirect.gather [hbm4b:s1+s17], $0x80, s24, s17, $0xb8;
	[tilespmem:$0x1E880] =	vst v63  }
0x99: {  	_ =	swait.ge [sflag:s21], $0x3E80  }
0x9a: {  	[sflag:s21] =	ssyncset.done $0x0  }
0x9b: {  	s28 =	simm.s32 $0xE80;
	[sflag:s21] =	ssyncadd.s32 $0xFFFFC180  }
0x9c: {  	[spmem:s3] =	stream.indirect.scatter.add.f32 [tilespmem:s19], [sflag:$0x3], $0x80, s28, s17, $0xb8;
	[tilespmem:$0x1E880] =	vst v63  }
0x9d: {  	_ =	swait.ge [sflag:s13], $0x3E80  }
0x9e: {  	[sflag:s13] =	ssyncset.done $0x0  }
0x9f: {  	[sflag:s13] =	ssyncadd.s32 $0xFFFFC180  }
0xa0: {  	[tilespmem:s19], [sflag:$0x2] =	stream.indirect.gather [hbm4b:s1+s17], $0x80, s25, s17, $0xb8;
	[tilespmem:$0x1E880] =	vst v63  }
0xa1: {  	_ =	swait.ge [sflag:s20], $0x3E80  }
0xa2: {  	[sflag:s20] =	ssyncset.done $0x0  }
0xa3: {  	s28 =	simm.s32 $0xF00;
	[sflag:s20] =	ssyncadd.s32 $0xFFFFC180  }
0xa4: {  	[spmem:s3] =	stream.indirect.scatter.add.f32 [tilespmem:s18], [sflag:$0x3], $0x80, s28, s17, $0xb8;
	[tilespmem:$0x1E880] =	vst v63  }
0xa5: {  	_ =	swait.ge [sflag:s13], $0x3E80  }
0xa6: {  	[sflag:s13] =	ssyncset.done $0x0  }
0xa7: {  	[sflag:s13] =	ssyncadd.s32 $0xFFFFC180  }
0xa8: {  	_ =	swait.ge [sflag:s21], $0x3E80  }
0xa9: {  	[sflag:s21] =	ssyncset.done $0x0  }
0xaa: {  	s28 =	simm.s32 $0xF80;
	[sflag:s21] =	ssyncadd.s32 $0xFFFFC180  }
0xab: {  	[spmem:s3] =	stream.indirect.scatter.add.f32 [tilespmem:s19], [sflag:$0x3], $0x80, s28, s17, $0xb8;
	[tilespmem:$0x1E880] =	vst v63  }
0xac: {  	_ =	swait.ge [sflag:s13], $0x3E80  }
0xad: {  	s29 =	smov.u32 s11;
	s28 =	simm.s32 $0x2000;
	[sflag:s13] =	ssyncset.done $0x0  }
.LBB2_2:
0xae: {  	[sflag:s13] =	ssyncadd.s32 $0xFFFFC180;
	s29 =	sadd.s32 $0x100, s29  }
0xaf: {  	[tilespmem:s4], [sflag:$0x3] =	stream.linear.gather [hbm4b:s29+s4], $0x800, $0x38;
	[tilespmem:$0x1E880] =	vst v63  }
0xb0: {  	_ =	swait.ge [sflag:s13], $0x800  }
0xb1: {  	[sflag:s13] =	ssyncset.done $0x0  }
0xb2: {  	[sflag:s13] =	ssyncadd.s32 $0xFFFFF800  }
0xb3: {  	[tilespmem:s18], [sflag:$0x1] =	stream.indirect.gather [hbm4b:s1+s17], $0x80, s4, s17, $0xb8;
	[tilespmem:$0x1E880] =	vst v63  }
0xb4: {  	s31 =	rddreg [dreg:$0x4]  }
0xb5: {  	[tilespmem:s19], [sflag:$0x2] =	stream.indirect.gather [hbm4b:s1+s17], $0x80, s31, s17, $0xb8;
	[tilespmem:$0x1E880] =	vst v63  }
0xb6: {  	s30 =	smov.u32 s28;
	_ =	swait.ge [sflag:s20], $0x3E80  }
0xb7: {  	s30 =	sshra.s32 s30, $0x2;
	[sflag:s20] =	ssyncset.done $0x0  }
0xb8: {  	s31 =	sadd.s32 $0x800, s30;
	[sflag:s20] =	ssyncadd.s32 $0xFFFFC180  }
0xb9: {  	[spmem:s3] =	stream.indirect.scatter.add.f32 [tilespmem:s18], [sflag:$0x3], $0x80, s31, s17, $0xb8;
	[tilespmem:$0x1E880] =	vst v63  }
0xba: {  	_ =	swait.ge [sflag:s13], $0x3E80  }
0xbb: {  	[sflag:s13] =	ssyncset.done $0x0  }
0xbc: {  	s31 =	rddreg [dreg:$0x5];
	[sflag:s13] =	ssyncadd.s32 $0xFFFFC180  }
0xbd: {  	[tilespmem:s18], [sflag:$0x1] =	stream.indirect.gather [hbm4b:s1+s17], $0x80, s31, s17, $0xb8;
	[tilespmem:$0x1E880] =	vst v63  }
0xbe: {  	_ =	swait.ge [sflag:s21], $0x3E80  }
0xbf: {  	[sflag:s21] =	ssyncset.done $0x0  }
0xc0: {  	s31 =	sadd.s32 $0x880, s30;
	[sflag:s21] =	ssyncadd.s32 $0xFFFFC180  }
0xc1: {  	[spmem:s3] =	stream.indirect.scatter.add.f32 [tilespmem:s19], [sflag:$0x3], $0x80, s31, s17, $0xb8;
	[tilespmem:$0x1E880] =	vst v63  }
0xc2: {  	_ =	swait.ge [sflag:s13], $0x3E80  }
0xc3: {  	[sflag:s13] =	ssyncset.done $0x0  }
0xc4: {  	s31 =	rddreg [dreg:$0x6];
	[sflag:s13] =	ssyncadd.s32 $0xFFFFC180  }
0xc5: {  	[tilespmem:s19], [sflag:$0x2] =	stream.indirect.gather [hbm4b:s1+s17], $0x80, s31, s17, $0xb8;
	[tilespmem:$0x1E880] =	vst v63  }
0xc6: {  	_ =	swait.ge [sflag:s20], $0x3E80  }
0xc7: {  	[sflag:s20] =	ssyncset.done $0x0  }
0xc8: {  	s31 =	sadd.s32 $0x900, s30;
	[sflag:s20] =	ssyncadd.s32 $0xFFFFC180  }
0xc9: {  	[spmem:s3] =	stream.indirect.scatter.add.f32 [tilespmem:s18], [sflag:$0x3], $0x80, s31, s17, $0xb8;
	[tilespmem:$0x1E880] =	vst v63  }
0xca: {  	_ =	swait.ge [sflag:s13], $0x3E80  }
0xcb: {  	[sflag:s13] =	ssyncset.done $0x0  }
0xcc: {  	s31 =	rddreg [dreg:$0x7];
	[sflag:s13] =	ssyncadd.s32 $0xFFFFC180  }
0xcd: {  	[tilespmem:s18], [sflag:$0x1] =	stream.indirect.gather [hbm4b:s1+s17], $0x80, s31, s17, $0xb8;
	[tilespmem:$0x1E880] =	vst v63  }
0xce: {  	_ =	swait.ge [sflag:s21], $0x3E80  }
0xcf: {  	[sflag:s21] =	ssyncset.done $0x0  }
0xd0: {  	s31 =	sadd.s32 $0x980, s30;
	[sflag:s21] =	ssyncadd.s32 $0xFFFFC180  }
0xd1: {  	[spmem:s3] =	stream.indirect.scatter.add.f32 [tilespmem:s19], [sflag:$0x3], $0x80, s31, s17, $0xb8;
	[tilespmem:$0x1E880] =	vst v63  }
0xd2: {  	_ =	swait.ge [sflag:s13], $0x3E80  }
0xd3: {  	[sflag:s13] =	ssyncset.done $0x0  }
0xd4: {  	s31 =	rddreg [dreg:$0x8];
	[sflag:s13] =	ssyncadd.s32 $0xFFFFC180  }
0xd5: {  	[tilespmem:s19], [sflag:$0x2] =	stream.indirect.gather [hbm4b:s1+s17], $0x80, s31, s17, $0xb8;
	[tilespmem:$0x1E880] =	vst v63  }
0xd6: {  	_ =	swait.ge [sflag:s20], $0x3E80  }
0xd7: {  	[sflag:s20] =	ssyncset.done $0x0  }
0xd8: {  	s31 =	sadd.s32 $0xA00, s30;
	[sflag:s20] =	ssyncadd.s32 $0xFFFFC180  }
0xd9: {  	[spmem:s3] =	stream.indirect.scatter.add.f32 [tilespmem:s18], [sflag:$0x3], $0x80, s31, s17, $0xb8;
	[tilespmem:$0x1E880] =	vst v63  }
0xda: {  	_ =	swait.ge [sflag:s13], $0x3E80  }
0xdb: {  	[sflag:s13] =	ssyncset.done $0x0  }
0xdc: {  	s31 =	rddreg [dreg:$0x9];
	[sflag:s13] =	ssyncadd.s32 $0xFFFFC180  }
0xdd: {  	[tilespmem:s18], [sflag:$0x1] =	stream.indirect.gather [hbm4b:s1+s17], $0x80, s31, s17, $0xb8;
	[tilespmem:$0x1E880] =	vst v63  }
0xde: {  	_ =	swait.ge [sflag:s21], $0x3E80  }
0xdf: {  	[sflag:s21] =	ssyncset.done $0x0  }
0xe0: {  	s31 =	sadd.s32 $0xA80, s30;
	[sflag:s21] =	ssyncadd.s32 $0xFFFFC180  }
0xe1: {  	[spmem:s3] =	stream.indirect.scatter.add.f32 [tilespmem:s19], [sflag:$0x3], $0x80, s31, s17, $0xb8;
	[tilespmem:$0x1E880] =	vst v63  }
0xe2: {  	_ =	swait.ge [sflag:s13], $0x3E80  }
0xe3: {  	[sflag:s13] =	ssyncset.done $0x0  }
0xe4: {  	s31 =	rddreg [dreg:$0xa];
	[sflag:s13] =	ssyncadd.s32 $0xFFFFC180  }
0xe5: {  	[tilespmem:s19], [sflag:$0x2] =	stream.indirect.gather [hbm4b:s1+s17], $0x80, s31, s17, $0xb8;
	[tilespmem:$0x1E880] =	vst v63  }
0xe6: {  	_ =	swait.ge [sflag:s20], $0x3E80  }
0xe7: {  	[sflag:s20] =	ssyncset.done $0x0  }
0xe8: {  	s31 =	sadd.s32 $0xB00, s30;
	[sflag:s20] =	ssyncadd.s32 $0xFFFFC180  }
0xe9: {  	[spmem:s3] =	stream.indirect.scatter.add.f32 [tilespmem:s18], [sflag:$0x3], $0x80, s31, s17, $0xb8;
	[tilespmem:$0x1E880] =	vst v63  }
0xea: {  	_ =	swait.ge [sflag:s13], $0x3E80  }
0xeb: {  	[sflag:s13] =	ssyncset.done $0x0  }
0xec: {  	s31 =	rddreg [dreg:$0xb];
	[sflag:s13] =	ssyncadd.s32 $0xFFFFC180  }
0xed: {  	[tilespmem:s18], [sflag:$0x1] =	stream.indirect.gather [hbm4b:s1+s17], $0x80, s31, s17, $0xb8;
	[tilespmem:$0x1E880] =	vst v63  }
0xee: {  	_ =	swait.ge [sflag:s21], $0x3E80  }
0xef: {  	[sflag:s21] =	ssyncset.done $0x0  }
0xf0: {  	s31 =	sadd.s32 $0xB80, s30;
	[sflag:s21] =	ssyncadd.s32 $0xFFFFC180  }
0xf1: {  	[spmem:s3] =	stream.indirect.scatter.add.f32 [tilespmem:s19], [sflag:$0x3], $0x80, s31, s17, $0xb8;
	[tilespmem:$0x1E880] =	vst v63  }
0xf2: {  	_ =	swait.ge [sflag:s13], $0x3E80  }
0xf3: {  	[sflag:s13] =	ssyncset.done $0x0  }
0xf4: {  	s31 =	rddreg [dreg:$0xc];
	[sflag:s13] =	ssyncadd.s32 $0xFFFFC180  }
0xf5: {  	[tilespmem:s19], [sflag:$0x2] =	stream.indirect.gather [hbm4b:s1+s17], $0x80, s31, s17, $0xb8;
	[tilespmem:$0x1E880] =	vst v63  }
0xf6: {  	_ =	swait.ge [sflag:s20], $0x3E80  }
0xf7: {  	[sflag:s20] =	ssyncset.done $0x0  }
0xf8: {  	s31 =	sadd.s32 $0xC00, s30;
	[sflag:s20] =	ssyncadd.s32 $0xFFFFC180  }
0xf9: {  	[spmem:s3] =	stream.indirect.scatter.add.f32 [tilespmem:s18], [sflag:$0x3], $0x80, s31, s17, $0xb8;
	[tilespmem:$0x1E880] =	vst v63  }
0xfa: {  	_ =	swait.ge [sflag:s13], $0x3E80  }
0xfb: {  	[sflag:s13] =	ssyncset.done $0x0  }
0xfc: {  	s31 =	rddreg [dreg:$0xd];
	[sflag:s13] =	ssyncadd.s32 $0xFFFFC180  }
0xfd: {  	[tilespmem:s18], [sflag:$0x1] =	stream.indirect.gather [hbm4b:s1+s17], $0x80, s31, s17, $0xb8;
	[tilespmem:$0x1E880] =	vst v63  }
0xfe: {  	_ =	swait.ge [sflag:s21], $0x3E80  }
0xff: {  	[sflag:s21] =	ssyncset.done $0x0  }
0x100: {  	s31 =	sadd.s32 $0xC80, s30;
	[sflag:s21] =	ssyncadd.s32 $0xFFFFC180  }
0x101: {  	[spmem:s3] =	stream.indirect.scatter.add.f32 [tilespmem:s19], [sflag:$0x3], $0x80, s31, s17, $0xb8;
	[tilespmem:$0x1E880] =	vst v63  }
0x102: {  	_ =	swait.ge [sflag:s13], $0x3E80  }
0x103: {  	[sflag:s13] =	ssyncset.done $0x0  }
0x104: {  	s31 =	rddreg [dreg:$0xe];
	[sflag:s13] =	ssyncadd.s32 $0xFFFFC180  }
0x105: {  	[tilespmem:s19], [sflag:$0x2] =	stream.indirect.gather [hbm4b:s1+s17], $0x80, s31, s17, $0xb8;
	[tilespmem:$0x1E880] =	vst v63  }
0x106: {  	_ =	swait.ge [sflag:s20], $0x3E80  }
0x107: {  	[sflag:s20] =	ssyncset.done $0x0  }
0x108: {  	s31 =	sadd.s32 $0xD00, s30;
	[sflag:s20] =	ssyncadd.s32 $0xFFFFC180  }
0x109: {  	[spmem:s3] =	stream.indirect.scatter.add.f32 [tilespmem:s18], [sflag:$0x3], $0x80, s31, s17, $0xb8;
	[tilespmem:$0x1E880] =	vst v63  }
0x10a: {  	_ =	swait.ge [sflag:s13], $0x3E80  }
0x10b: {  	[sflag:s13] =	ssyncset.done $0x0  }
0x10c: {  	[sflag:s13] =	ssyncadd.s32 $0xFFFFC180  }
0x10d: {  	[tilespmem:s18], [sflag:$0x1] =	stream.indirect.gather [hbm4b:s1+s17], $0x80, s22, s17, $0xb8;
	[tilespmem:$0x1E880] =	vst v63  }
0x10e: {  	_ =	swait.ge [sflag:s21], $0x3E80  }
0x10f: {  	[sflag:s21] =	ssyncset.done $0x0  }
0x110: {  	s31 =	sadd.s32 $0xD80, s30;
	[sflag:s21] =	ssyncadd.s32 $0xFFFFC180  }
0x111: {  	[spmem:s3] =	stream.indirect.scatter.add.f32 [tilespmem:s19], [sflag:$0x3], $0x80, s31, s17, $0xb8;
	[tilespmem:$0x1E880] =	vst v63  }
0x112: {  	_ =	swait.ge [sflag:s13], $0x3E80  }
0x113: {  	[sflag:s13] =	ssyncset.done $0x0  }
0x114: {  	[sflag:s13] =	ssyncadd.s32 $0xFFFFC180  }
0x115: {  	[tilespmem:s19], [sflag:$0x2] =	stream.indirect.gather [hbm4b:s1+s17], $0x80, s23, s17, $0xb8;
	[tilespmem:$0x1E880] =	vst v63  }
0x116: {  	_ =	swait.ge [sflag:s20], $0x3E80  }
0x117: {  	[sflag:s20] =	ssyncset.done $0x0  }
0x118: {  	s31 =	sadd.s32 $0xE00, s30;
	[sflag:s20] =	ssyncadd.s32 $0xFFFFC180  }
0x119: {  	[spmem:s3] =	stream.indirect.scatter.add.f32 [tilespmem:s18], [sflag:$0x3], $0x80, s31, s17, $0xb8;
	[tilespmem:$0x1E880] =	vst v63  }
0x11a: {  	_ =	swait.ge [sflag:s13], $0x3E80  }
0x11b: {  	[sflag:s13] =	ssyncset.done $0x0  }
0x11c: {  	[sflag:s13] =	ssyncadd.s32 $0xFFFFC180  }
0x11d: {  	[tilespmem:s18], [sflag:$0x1] =	stream.indirect.gather [hbm4b:s1+s17], $0x80, s24, s17, $0xb8;
	[tilespmem:$0x1E880] =	vst v63  }
0x11e: {  	_ =	swait.ge [sflag:s21], $0x3E80  }
0x11f: {  	[sflag:s21] =	ssyncset.done $0x0  }
0x120: {  	s31 =	sadd.s32 $0xE80, s30;
	[sflag:s21] =	ssyncadd.s32 $0xFFFFC180  }
0x121: {  	[spmem:s3] =	stream.indirect.scatter.add.f32 [tilespmem:s19], [sflag:$0x3], $0x80, s31, s17, $0xb8;
	[tilespmem:$0x1E880] =	vst v63  }
0x122: {  	_ =	swait.ge [sflag:s13], $0x3E80  }
0x123: {  	[sflag:s13] =	ssyncset.done $0x0  }
0x124: {  	[sflag:s13] =	ssyncadd.s32 $0xFFFFC180  }
0x125: {  	[tilespmem:s19], [sflag:$0x2] =	stream.indirect.gather [hbm4b:s1+s17], $0x80, s25, s17, $0xb8;
	[tilespmem:$0x1E880] =	vst v63  }
0x126: {  	_ =	swait.ge [sflag:s20], $0x3E80  }
0x127: {  	[sflag:s20] =	ssyncset.done $0x0  }
0x128: {  	s31 =	sadd.s32 $0xF00, s30;
	[sflag:s20] =	ssyncadd.s32 $0xFFFFC180  }
0x129: {  	[spmem:s3] =	stream.indirect.scatter.add.f32 [tilespmem:s18], [sflag:$0x3], $0x80, s31, s17, $0xb8;
	[tilespmem:$0x1E880] =	vst v63  }
0x12a: {  	_ =	swait.ge [sflag:s13], $0x3E80  }
0x12b: {  	[sflag:s13] =	ssyncset.done $0x0  }
0x12c: {  	[sflag:s13] =	ssyncadd.s32 $0xFFFFC180  }
0x12d: {  	p1 =	sne.s32 s28, $0x8000;
	_ =	swait.ge [sflag:s21], $0x3E80  }
.Ltmp0:
0x12e: {  	[sflag:s21] =	ssyncset.done $0x0;
	(pc) =	sbr.rel @p1 .LBB2_2-.Ltmp0, $4  }
0x12f: {  	s30 =	sadd.s32 $0xF80, s30;
	[sflag:s21] =	ssyncadd.s32 $0xFFFFC180  }
0x130: {  	[spmem:s3] =	stream.indirect.scatter.add.f32 [tilespmem:s19], [sflag:$0x3], $0x80, s30, s17, $0xb8;
	[tilespmem:$0x1E880] =	vst v63  }
0x131: {  	_ =	swait.ge [sflag:s13], $0x3E80  }
0x132: {  	s28 =	sadd.s32 $0x2000, s28;
	[sflag:s13] =	ssyncset.done $0x0  }
0x133: {  	[sflag:s13] =	ssyncadd.s32 $0xFFFFC180  }
0x134: {  	[bflag:$0x0] =	sbarrier.arrive $0xFFFF  }
0x135: {  	[hbm:s8], [sflag:s14] =	dma.local [spmem:s15], $0x2700  }
0x136: {  	s26 =	sadd.s32 $0x1, s26;
	_ =	swait.ge [sflag:s13], $0x2700  }
0x137: {  	p1 =	sne.s32 s26, s10;
	[sflag:s13] =	ssyncset.done $0x0  }
.Ltmp1:
0x138: {  	s28 =	simm.s32 @!p0 $0x3;
	[sflag:s13] =	ssyncadd.s32 $0xFFFFD900;
	(pc) =	sbr.rel @p1 .LBB2_1-.Ltmp1, $4  }
0x139: {  	[hbm:s9], [sflag:s14] =	dma.local @!p0 [spmem:s16], $0x100  }
0x13a: {  	_ =	swait.ge @!p0 [sflag:s28], $0x100  }
0x13b: {  	[sflag:s28] =	ssyncset.done @!p0 $0x0  }
0x13c: {  	[sflag:s28] =	ssyncadd.s32 @!p0 $0xFFFFFF00  }
0x13d: {  	_ =	sfence.sel $0x180000  }
0x13e: {  	[bflag:$0x0] =	sbarrier.arrive $0xFFFF  }
0x13f: {  	p0 =	sne.s32 s0, $0x0;
	_ =	strace $0x9000004D  }
0x140: {  	s0 =	sadd.s32 @!p0 $0x100000, s2;
	[bflag:$0x2] =	sbarrier.arrive $0xFFFF  }
0x141: {  	[sflag:s0] =	ssyncadd.tile.s32 @!p0 $0x1;
	_ =	shalt  }
.Lfunc_end2:
_tile_overlayer_lowered:
.L_overlay_start_2:
0x142: {  	(tag) =	ssettag $0x2  }
0x143: {  	s0 =	rddreg [dreg:$0x0];
	s2 =	stileid.u32  }
0x144: {  	s1 =	rddreg [dreg:$0x1];
	p0 =	sne.s32 s2, $0x0  }
0x145: {  	s3 =	rddreg [dreg:$0x2];
	[bflag:$0x3] =	sbarrier.arrive $0xFFFF;
	s2 =	simm.s32 @!p0 $0x1C03  }
0x146: {  	[timem:s3], [sflag:s2] =	dma.local @!p0 [hbm:s0], s1  }
0x147: {  	s0 =	simm.s32 @!p0 $0x3  }
0x148: {  	_ =	swait.ge @!p0 [sflag:s0], s1  }
0x149: {  	s1 =	ssub.s32 @!p0 $0x0, s1;
	[sflag:s0] =	ssyncset.done @!p0 $0x0  }
0x14a: {  	[sflag:s0] =	ssyncadd.s32 @!p0 s1  }
0x14b: {  	[bflag:$0x3] =	sbarrier.arrive $0xFFFF  }
0x14c: {  	_ =	shalt  }

// kernel: kernel.8.cloned.1.call-start
scs
__scs_entry_jumppad:
0x0: {  	(pc) =	sbr.rel $0x88, $3  }
0x1: {  	(tag) =	ssettag $0x0;
	lr =	simm.s32 $0x1  }
0x2: {  	[smem:$0x3F9B] =	sst lr;
	_ =	strace $0xD0000000  }
0x3: {  	_ = 	snop  }
0x4: {  	_ = 	snop  }
0x5: {  	_ = 	snop  }
0x6: {  	_ = 	snop  }
0x7: {  	_ = 	snop  }
__scs_overlays_trampoline_lowered:
0x8: {  	[smem:$0x3FAA] =	sst s0  }
0x9: {  	[smem:$0x3FAB] =	sst s1  }
0xa: {  	[smem:$0x3FAC] =	sst s2  }
0xb: {  	[smem:$0x3FAD] =	sst s3  }
0xc: {  	[smem:$0x3FAE] =	sst s4  }
0xd: {  	[smem:$0x3FAF] =	sst s5  }
0xe: {  	[smem:$0x3FB0] =	sst s6  }
0xf: {  	[smem:$0x3FB1] =	sst s7  }
0x10: {  	[smem:$0x3FB2] =	sst s8  }
0x11: {  	[smem:$0x3FB3] =	sst s9;
	s0 =	simm.s32 @!p0 $0x0  }
0x12: {  	s1 =	sld [smem:$0x3F99];
	s0 =	simm.s32 @p0 $0x1  }
0x13: {  	[smem:$0x3FB4] =	sst s0;
	s0 =	simm.s32 @!p1 $0x0  }
0x14: {  	s2 =	sld [smem:$0x3F98];
	s0 =	simm.s32 @p1 $0x1  }
0x15: {  	[smem:$0x3FB5] =	sst s0;
	s0 =	simm.s32 @!p2 $0x0  }
0x16: {  	s3 =	sld [smem:$0x3FDB];
	s0 =	simm.s32 @p2 $0x1  }
0x17: {  	s4 =	simm.s32 $0x1BF5;
	[smem:$0x3FB7] =	sst s0  }
0x18: {  	s0 =	sld [smem:$0x3F9A];
	_ =	swait.ge [sflag:s4], $0x0  }
0x19: {  	s7 =	sld [smem:$0x3F9B]  }
0x1a: {  	s8 =	sadd.s32 $0xFFFFE003, lr  }
0x1b: {  	s9 =	sadd.s32 $0xFFFFFEF7, lr;
	s5 =	simm.s32 $0xFFFFFFFF;
	p2 =	slt.u32 s8, $0xFFFFF086  }
0x1c: {  	p1 =	slt.u32 s9, $0xF7A;
	s5 =	simm.s32 @!p2 $0x0  }
0x1d: {  	s5 =	simm.s32 @p1 $0x1;
	p0 =	seq.s32 s7, s2  }
0x1e: {  	s7 =	smul.u32 @!p0 $0xF7A, s2;
	p2 =	seq.s32 @!p0 s5, $0x0  }
0x1f: {  	s9 =	smul.u32 $0xF7A, s1;
	s8 =	simm.s32 @!p0 $0x1BF5;
	p2 =	por !p2, p0  }
0x20: {  	[sflag:s8] =	ssyncset.s32 @!p0 $0xFFFFF086;
	s6 =	sadd.s32 @!p0 s3, s7;
	s7 =	simm.s32 @!p0 $0x108  }
0x21: {  	s3 =	sadd.s32 s3, s9;
	s6 =	sadd.s32 @!p0 $0x88, s6;
	s7 =	simm.s32 @p2 $0x1082  }
0x22: {  	[simem:s7], [sflag:s8] =	dma.local @!p0 [hbm:s6], $0xF7A  }
0x23: {  	s9 =	sor.u32 $0xD0000000, s2;
	s6 =	simm.s32 $0x108;
	_ =	swait.ge @!p0 [sflag:s8], $0x0  }
0x24: {  	s3 =	sadd.s32 $0x88, s3;
	s6 =	simm.s32 @!p1 $0x1082;
	[sflag:s4] =	ssyncset.s32 $0xFFFFF086  }
0x25: {  	[simem:s6], [sflag:s4] =	dma.local [hbm:s3], $0xF7A  }
0x26: {  	[smem:$0x3F9B] =	sst s1;
	(tag) =	ssettag s2;
	_ =	strace s9  }
0x27: {  	s1 =	sld [smem:$0x3FAB]  }
0x28: {  	s2 =	sld [smem:$0x3FAC]  }
0x29: {  	s4 =	sld [smem:$0x3FAE]  }
0x2a: {  	p0 =	seq.s32 s5, $0x0;
	s5 =	sld [smem:$0x3FAF]  }
0x2b: {  	s6 =	sld [smem:$0x3FB0]  }
0x2c: {  	s7 =	sld [smem:$0x3FB1]  }
0x2d: {  	s3 =	simm.s32 $0x108;
	s8 =	sld [smem:$0x3FB2]  }
0x2e: {  	s3 =	simm.s32 @!p0 $0x1082;
	s9 =	sld [smem:$0x3FB3]  }
0x2f: {  	lr =	sadd.s32 s0, s3;
	s0 =	sld [smem:$0x3FAA]  }
0x30: {  	s3 =	sld [smem:$0x3FAD]  }
0x31: {  	[smem:$0x3FB6] =	sst s10  }
0x32: {  	s10 =	sld [smem:$0x3FB4];
	_ =	sdelay $0x3  }
0x33: {  	p0 =	seq.s32 s10, $0x1;
	s10 =	sld [smem:$0x3FB6];
	_ =	sdelay $0x3  }
0x34: {  	[smem:$0x3FB6] =	sst s10  }
0x35: {  	s10 =	sld [smem:$0x3FB5];
	_ =	sdelay $0x3  }
0x36: {  	p1 =	seq.s32 s10, $0x1;
	s10 =	sld [smem:$0x3FB6];
	_ =	sdelay $0x3  }
0x37: {  	[smem:$0x3FB6] =	sst s10  }
0x38: {  	s10 =	sld [smem:$0x3FB7]  }
0x39: {  	_ = 	snop;
	(pc) =	sbr.ind lr, $3  }
0x3a: {  	_ = 	snop  }
0x3b: {  	_ = 	snop  }
0x3c: {  	p2 =	seq.s32 s10, $0x1;
	s10 =	sld [smem:$0x3FB6]  }
0x3d: {  	_ =	shalt  }
0x3e: {  	_ =	shalt  }
0x3f: {  	_ =	shalt  }
0x40: {  	_ =	shalt  }
0x41: {  	_ =	shalt  }
0x42: {  	_ =	shalt  }
0x43: {  	_ =	shalt  }
0x44: {  	_ =	shalt  }
0x45: {  	_ =	shalt  }
0x46: {  	_ =	shalt  }
0x47: {  	_ =	shalt  }
0x48: {  	_ =	shalt  }
0x49: {  	_ =	shalt  }
0x4a: {  	_ =	shalt  }
0x4b: {  	_ =	shalt  }
0x4c: {  	_ =	shalt  }
0x4d: {  	_ =	shalt  }
0x4e: {  	_ =	shalt  }
0x4f: {  	_ =	shalt  }
0x50: {  	_ =	shalt  }
0x51: {  	_ =	shalt  }
0x52: {  	_ =	shalt  }
0x53: {  	_ =	shalt  }
0x54: {  	_ =	shalt  }
0x55: {  	_ =	shalt  }
0x56: {  	_ =	shalt  }
0x57: {  	_ =	shalt  }
0x58: {  	_ =	shalt  }
0x59: {  	_ =	shalt  }
0x5a: {  	_ =	shalt  }
0x5b: {  	_ =	shalt  }
0x5c: {  	_ =	shalt  }
0x5d: {  	_ =	shalt  }
0x5e: {  	_ =	shalt  }
0x5f: {  	_ =	shalt  }
0x60: {  	_ =	shalt  }
0x61: {  	_ =	shalt  }
0x62: {  	_ =	shalt  }
0x63: {  	_ =	shalt  }
0x64: {  	_ =	shalt  }
0x65: {  	_ =	shalt  }
0x66: {  	_ =	shalt  }
0x67: {  	_ =	shalt  }
0x68: {  	_ =	shalt  }
0x69: {  	_ =	shalt  }
0x6a: {  	_ =	shalt  }
0x6b: {  	_ =	shalt  }
0x6c: {  	_ =	shalt  }
0x6d: {  	_ =	shalt  }
0x6e: {  	_ =	shalt  }
0x6f: {  	_ =	shalt  }
0x70: {  	_ =	shalt  }
0x71: {  	_ =	shalt  }
0x72: {  	_ =	shalt  }
0x73: {  	_ =	shalt  }
0x74: {  	_ =	shalt  }
0x75: {  	_ =	shalt  }
0x76: {  	_ =	shalt  }
0x77: {  	_ =	shalt  }
0x78: {  	_ =	shalt  }
0x79: {  	_ =	shalt  }
0x7a: {  	_ =	shalt  }
0x7b: {  	_ =	shalt  }
0x7c: {  	_ =	shalt  }
0x7d: {  	_ =	shalt  }
0x7e: {  	_ =	shalt  }
0x7f: {  	_ =	shalt  }
0x80: {  	_ =	shalt  }
0x81: {  	_ =	shalt  }
0x82: {  	_ =	shalt  }
0x83: {  	_ =	shalt  }
0x84: {  	_ =	shalt  }
0x85: {  	_ =	shalt  }
0x86: {  	_ =	shalt  }
0x87: {  	_ =	shalt  }
.Lfunc_end0:
.L_simem_size_0:
called_computation_lowered:
.L_overlay_start_0:
0x88: {  	s2 =	sld [smem:$0x3FD9]  }
0x89: {  	s3 =	sld [smem:$0x3FFE];
	_ =	sdelay $0x1  }
0x8a: {  	s1 =	srdreg.scid  }
0x8b: {  	s0 =	sand.u32 $0x1, s1  }
0x8c: {  	s17 =	sshll.u32 s0, $0xA;
	s2 =	sadd.s32 s3, s2  }
0x8d: {  	s2 =	sadd.s32 s2, s17  }
0x8e: {  	[smem:$0x3FC2] =	sst s2  }
0x8f: {  	_ = 	snop  }
0x90: {  	s2 =	sld [smem:$0x3FD0];
	(tm) =	ssettm $0x1  }
0x91: {  	s18 =	sld [smem:$0x3FFB];
	_ =	sdelay $0x3  }
0x92: {  	_ =	strace s18  }
0x93: {  	s3 =	sld [smem:$0x3FFC];
	_ =	sdelay $0x3  }
0x94: {  	_ =	strace s3  }
0x95: {  	s3 =	sld [smem:$0x3FFD];
	_ =	sdelay $0x3  }
0x96: {  	_ =	strace s3  }
0x97: {  	_ =	strace $0x8FFFFFFF  }
0x98: {  	s19 =	sld [smem:$0x3FDB];
	_ =	sdelay $0x1  }
0x99: {  	s4 =	simm.s32 $_scs_section_size  }
0x9a: {  	s5 =	simm.s32 $_size__tile_overlayer_lowered;
	s6 =	simm.s32 $_tile_overlayer_lowered  }
0x9b: {  	s22 =	simm.s32 $0x1BFF;
	s21 =	sshll.u32 s6, $0x1;
	s3 =	sadd.s32 s4, s19  }
0x9c: {  	s7 =	simm.s32 $0x0;
	s20 =	sshll.u32 s5, $0x1;
	s5 =	sadd.s32 s21, s3  }
0x9d: {  	[timem:s7], [sflag:s22] =	dma.local [hbm:s5], s20  }
0x9e: {  	_ =	swait.ge [sflag:s22], s20  }
0x9f: {  	s4 =	ssub.s32 $0x0, s20;
	[sflag:s22] =	ssyncset.done $0x0  }
0xa0: {  	[sflag:s22] =	ssyncadd.s32 s4;
	_ =	sdelay $0x1  }
0xa1: {  	s23 =	simm.s32 $0x1B8B  }
0xa2: {  	_ =	swait.ge [sflag:s23], $0x1  }
0xa3: {  	[sflag:s23] =	ssyncset.done $0x0  }
0xa4: {  	s25 =	simm.s32 $0x1B8E;
	s24 =	sld [smem:$0x3FFE];
	[sflag:s23] =	ssyncadd.s32 $0xFFFFFFFF  }
0xa5: {  	s26 =	simm.s32 $execute0_lowered;
	[smem:$0x3FD2] =	sst s25  }
0xa6: {  	s5 =	sshll.u32 s26, $0x1;
	_ =	strace $0x80000046;
	[dreg:$0x1] =	wrdreg $0xFFFFFFFF  }
0xa7: {  	s28 =	simm.s32 $_size_execute0_lowered;
	s3 =	sadd.s32 s3, s5;
	[dreg:$0x0] =	wrdreg $0x0  }
0xa8: {  	s5 =	sshll.u32 s28, $0x1;
	[dreg:$0x2] =	wrdreg s3  }
0xa9: {  	[dreg:$0x3] =	wrdreg s5  }
0xaa: {  	[dreg:$0x4] =	wrdreg $0xC0  }
0xab: {  	_ =	task [dreg:s7], $0x5FFFF  }
0xac: {  	[dreg:$0x1] =	wrdreg $0xFFFFFFFF  }
0xad: {  	[dreg:$0x0] =	wrdreg $0x60  }
0xae: {  	[dreg:$0x2] =	wrdreg s2  }
0xaf: {  	[dreg:$0x3] =	wrdreg s24  }
0xb0: {  	[dreg:$0x4] =	wrdreg $0x2B000  }
0xb1: {  	[dreg:$0x5] =	wrdreg $0x9  }
0xb2: {  	_ =	task.clear_ibuf [dreg:s7], $0x6FFFF;
	_ =	strace $0x90000046  }
0xb3: {  	s29 =	simm.s32 $0x9;
	_ =	strace $0x80000048  }
0xb4: {  	_ =	swait.ge [sflag:s29], $0x1  }
0xb5: {  	[sflag:s29] =	ssyncadd.s32 $0xFFFFFFFF  }
0xb6: {  	_ =	strace $0x90000048  }
0xb7: {  	_ =	sfence  }
0xb8: {  	s30 =	sld [smem:$0x0];
	_ =	sdelay $0x2  }
0xb9: {  	s31 =	sshll.u32 s1, $0xD;
	s1 =	sshrl.u32 s1, $0x2  }
0xba: {  	s3 =	sand.u32 $0x4000, s31;
	s1 =	sadd.s32 s1, s30  }
0xbb: {  	s0 =	sor.u32 s3, s0;
	s1 =	sshll.u32 s1, $0x11  }
0xbc: {  	s0 =	sor.u32 s1, s0  }
0xbd: {  	s0 =	sadd.s32 $0x8F2B, s0  }
0xbe: {  	[sflag:s0] =	ssyncadd.remote.s32 $0x1  }
0xbf: {  	_ =	sfence.sel $0xFFFF  }
0xc0: {  	[dreg:$0x0] =	wrdreg $0xFFFFFFFF;
	(pc) =	sbr.abs _section_cstart, $3  }
0xc1: {  	[dreg:$0x1] =	wrdreg $0xFFFFFFFF  }
0xc2: {  	_ =	task.clear_ibuf [dreg:s7], $0x2FFFF;
	_ =	strace $0x9FFFFFFF  }
0xc3: {  	(tm) =	ssettm $0x7FFFFFFF  }
tec
execute0_lowered:
.L_overlay_start_1:
0x0: {  	(tag) =	ssettag $0x1  }
0x1: {  	s4 =	rddreg [dreg:$0x0]  }
0x2: {  	s5 =	rddreg [dreg:$0x1];
	s1 =	srdreg.scid  }
0x3: {  	s0 =	stileid.u32;
	s2 =	rddreg [dreg:$0x2];
	s3 =	simm.s32 $0x0  }
0x4: {  	s11 =	simm.s32 $0x2800;
	s6 =	sand.u32 $0x1, s1;
	s1 =	rddreg [dreg:$0x3]  }
0x5: {  	s14 =	simm.s32 $0x0;
	s7 =	smul.u32 $0x280, s0;
	[smem:$0x7FF] =	sst s3  }
0x6: {  	s12 =	sshll.u32 s0, $0x6;
	s8 =	smul.u32 $0x2800, s6;
	s9 =	sshll.u32 s6, $0x4  }
0x7: {  	s6 =	ssub.s32 $0x2, s6;
	_ =	strace $0x80000047;
	s9 =	sor.u32 s0, s9  }
0x8: {  	s10 =	sshrl.u32 s6, $0x1;
	s8 =	sadd.s32 s7, s8;
	s9 =	smul.u32 $0x500, s9  }
0x9: {  	s12 =	sor.u32 $0x1C01, s12;
	s10 =	ssub.s32 s6, s10;
	s8 =	sshrl.u32 s8, $0x3  }
0xa: {  	s8 =	sadd.s32 s8, s5;
	s4 =	sadd.s32 s4, s9;
	s5 =	sadd.s32 s7, s2  }
0xb: {  	s7 =	smax.u32 s10, $0x1;
	s9 =	simm.s32 $0x2880;
	s10 =	simm.s32 $0x80  }
0xc: {  	v0 =	vimm.f32 $1.000000000e+00;
	v1 =	vimm.f32 $0.0e+00;
	s6 =	sadd.s32 $0xC200, s8;
	s8 =	simm.s32 $0x1;
	s13 =	sshrl.u32 s5, $0x3  }
.LBB2_1:
0xd: {  	[tilespmem:s3], [sflag:$0x1] =	stream.linear.gather [hbm4b:s4+s3], $0x2800, $0x38;
	[tilespmem:$0x2D80] =	vst v63  }
0xe: {  	_ =	swait.ge [sflag:s8], $0x2800  }
0xf: {  	[sflag:s8] =	ssyncset.done $0x0  }
0x10: {  	[sflag:s8] =	ssyncadd.s32 $0xFFFFD800  }
0x11: {  	[tilespmem:$0x2800] =	vst v0  }
0x12: {  	[tilespmem:$0x2810] =	vst v0  }
0x13: {  	[tilespmem:$0x2820] =	vst v0  }
0x14: {  	[tilespmem:$0x2830] =	vst v0  }
0x15: {  	[tilespmem:$0x2840] =	vst v0  }
0x16: {  	[tilespmem:$0x2850] =	vst v0  }
0x17: {  	[tilespmem:$0x2860] =	vst v0  }
0x18: {  	[tilespmem:$0x2870] =	vst v0  }
0x19: {  	[tilespmem:$0x2880] =	vst v1  }
0x1a: {  	[tilespmem:$0x2890] =	vst v1  }
0x1b: {  	[tilespmem:$0x28A0] =	vst v1  }
0x1c: {  	[tilespmem:$0x28B0] =	vst v1  }
0x1d: {  	[tilespmem:$0x28C0] =	vst v1  }
0x1e: {  	[tilespmem:$0x28D0] =	vst v1  }
0x1f: {  	[tilespmem:$0x28E0] =	vst v1  }
0x20: {  	[tilespmem:$0x28F0] =	vst v1  }
0x21: {  	[tilespmem:$0x2900] =	vst v1  }
0x22: {  	[tilespmem:$0x2910] =	vst v1  }
0x23: {  	[tilespmem:$0x2920] =	vst v1  }
0x24: {  	[tilespmem:$0x2930] =	vst v1  }
0x25: {  	[tilespmem:$0x2940] =	vst v1  }
0x26: {  	[tilespmem:$0x2950] =	vst v1  }
0x27: {  	[tilespmem:$0x2960] =	vst v1  }
0x28: {  	[tilespmem:$0x2970] =	vst v1  }
0x29: {  	[tilespmem:$0x2980] =	vst v1  }
0x2a: {  	[tilespmem:$0x2990] =	vst v1  }
0x2b: {  	[tilespmem:$0x29A0] =	vst v1  }
0x2c: {  	[tilespmem:$0x29B0] =	vst v1  }
0x2d: {  	[tilespmem:$0x29C0] =	vst v1  }
0x2e: {  	[tilespmem:$0x29D0] =	vst v1  }
0x2f: {  	[tilespmem:$0x29E0] =	vst v1  }
0x30: {  	[tilespmem:$0x29F0] =	vst v1  }
0x31: {  	[tilespmem:$0x2A00] =	vst v1  }
0x32: {  	[tilespmem:$0x2A10] =	vst v1  }
0x33: {  	[tilespmem:$0x2A20] =	vst v1  }
0x34: {  	[tilespmem:$0x2A30] =	vst v1  }
0x35: {  	[tilespmem:$0x2A40] =	vst v1  }
0x36: {  	[tilespmem:$0x2A50] =	vst v1  }
0x37: {  	[tilespmem:$0x2A60] =	vst v1  }
0x38: {  	[tilespmem:$0x2A70] =	vst v1  }
0x39: {  	[tilespmem:$0x2A80] =	vst v1  }
0x3a: {  	[tilespmem:$0x2A90] =	vst v1  }
0x3b: {  	[tilespmem:$0x2AA0] =	vst v1  }
0x3c: {  	[tilespmem:$0x2AB0] =	vst v1  }
0x3d: {  	[tilespmem:$0x2AC0] =	vst v1  }
0x3e: {  	[tilespmem:$0x2AD0] =	vst v1  }
0x3f: {  	[tilespmem:$0x2AE0] =	vst v1  }
0x40: {  	[tilespmem:$0x2AF0] =	vst v1  }
0x41: {  	[spmem:s5] =	stream.linear.scatter [tilespmem:s9], [sflag:$0x1], $0x280, $0x38;
	[tilespmem:$0x2D80] =	vst v63  }
0x42: {  	_ =	swait.ge [sflag:s8], $0x280  }
0x43: {  	[sflag:s8] =	ssyncset.done $0x0  }
0x44: {  	[sflag:s8] =	ssyncadd.s32 $0xFFFFFD80  }
0x45: {  	s15 =	simm.s32 $0x0;
	[bflag:$0x0] =	sbarrier.arrive $0xFFFF  }
0x46: {  	[spmem:s2] =	stream.indirect.scatter.add.f32 [tilespmem:s11], [sflag:$0x1], $0x1, s15, s10, $0xb8;
	[tilespmem:$0x2D80] =	vst v63  }
0x47: {  	_ =	swait.ge [sflag:s8], $0x80  }
0x48: {  	s15 =	simm.s32 $0x200;
	[sflag:s8] =	ssyncset.done $0x0  }
.LBB2_2:
0x49: {  	s16 =	sshra.s32 s15, $0x2;
	[sflag:s8] =	ssyncadd.s32 $0xFFFFFF80;
	p0 =	sne.s32 s15, $0x9E00  }
0x4a: {  	[spmem:s2] =	stream.indirect.scatter.add.f32 [tilespmem:s11], [sflag:$0x1], $0x1, s16, s10, $0xb8;
	[tilespmem:$0x2D80] =	vst v63  }
.Ltmp0:
0x4b: {  	_ = 	snop;
	(pc) =	sbr.rel @p0 .LBB2_2-.Ltmp0, $4  }
0x4c: {  	_ = 	snop  }
0x4d: {  	s15 =	sadd.s32 $0x200, s15  }
0x4e: {  	_ =	swait.ge [sflag:s8], $0x80  }
0x4f: {  	[sflag:s8] =	ssyncset.done $0x0  }
0x50: {  	s14 =	sadd.s32 $0x1, s14  }
0x51: {  	[sflag:s8] =	ssyncadd.s32 $0xFFFFFF80;
	p0 =	sne.s32 s14, s7  }
.Ltmp1:
0x52: {  	[bflag:$0x0] =	sbarrier.arrive $0xFFFF;
	(pc) =	sbr.rel @p0 .LBB2_1-.Ltmp1, $4  }
0x53: {  	[hbm:s6], [sflag:s12] =	dma.local [spmem:s13], $0x50  }
0x54: {  	_ =	swait.ge [sflag:s8], $0x50  }
0x55: {  	[sflag:s8] =	ssyncset.done $0x0  }
0x56: {  	[sflag:s8] =	ssyncadd.s32 $0xFFFFFFB0  }
0x57: {  	_ =	sfence.sel $0x180000  }
0x58: {  	[bflag:$0x0] =	sbarrier.arrive $0xFFFF  }
0x59: {  	p0 =	sne.s32 s0, $0x0;
	_ =	strace $0x90000047  }
0x5a: {  	s0 =	sadd.s32 @!p0 $0x100000, s1;
	[bflag:$0x2] =	sbarrier.arrive $0xFFFF  }
0x5b: {  	[sflag:s0] =	ssyncadd.tile.s32 @!p0 $0x1;
	_ =	shalt  }
.Lfunc_end2:
_tile_overlayer_lowered:
.L_overlay_start_2:
0x5c: {  	(tag) =	ssettag $0x2  }
0x5d: {  	s0 =	rddreg [dreg:$0x0];
	s2 =	stileid.u32  }
0x5e: {  	s1 =	rddreg [dreg:$0x1];
	p0 =	sne.s32 s2, $0x0  }
0x5f: {  	s3 =	rddreg [dreg:$0x2];
	[bflag:$0x3] =	sbarrier.arrive $0xFFFF;
	s2 =	simm.s32 @!p0 $0x1C01  }
0x60: {  	[timem:s3], [sflag:s2] =	dma.local @!p0 [hbm:s0], s1  }
0x61: {  	s0 =	simm.s32 @!p0 $0x1  }
0x62: {  	_ =	swait.ge @!p0 [sflag:s0], s1  }
0x63: {  	s1 =	ssub.s32 @!p0 $0x0, s1;
	[sflag:s0] =	ssyncset.done @!p0 $0x0  }
0x64: {  	[sflag:s0] =	ssyncadd.s32 @!p0 s1  }
0x65: {  	[bflag:$0x3] =	sbarrier.arrive $0xFFFF  }
0x66: {  	_ =	shalt  }

</sc_bundles>
